<compile_context>
chip_gen: v7x
topology: tpu7x:2x2x1
jax: 0.10.2.dev20260603
libtpu: 0.0.44.dev20260713+nightly
codegen_flags: <defaults>
</compile_context>

<pallas_src>
import functools

import jax
import jax.numpy as jnp
import numpy as np
from jax import lax
from jax.experimental import pallas as pl
from jax.experimental.pallas import tpu as pltpu
from jax.experimental.pallas import tpu_sc as plsc

B, S, D, H = 4, 4096, 2048, 512
K = S // 2

BSZ = 1024


def _score_body(x_ref, w1t_ref, b1_ref, w2_ref, b2_ref, o_ref):
    xb = x_ref[...].astype(jnp.bfloat16)
    h = lax.dot_general(
        xb, w1t_ref[...], (((1,), (1,)), ((), ())),
        preferred_element_type=jnp.float32)
    h = jnp.maximum(h + b1_ref[...], 0.0)
    hb = h.astype(jnp.bfloat16)
    s = lax.dot_general(hb, w2_ref[...], (((1,), (1,)), ((), ())),
                        preferred_element_type=jnp.float32)
    o_ref[...] = (s[:, 0:1] + b2_ref[0, 0])[None]


def _scores_tc(x2d, W1t, b1, W2, b2):
    nblk = (B * S) // BSZ
    out = pl.pallas_call(
        _score_body,
        grid=(nblk,),
        in_specs=[
            pl.BlockSpec((BSZ, D), lambda i: (i, 0)),
            pl.BlockSpec((H, D), lambda i: (0, 0)),
            pl.BlockSpec((1, H), lambda i: (0, 0)),
            pl.BlockSpec((128, H), lambda i: (0, 0)),
            pl.BlockSpec((1, 1), lambda i: (0, 0)),
        ],
        out_specs=pl.BlockSpec((1, BSZ, 1), lambda i: (i, 0, 0)),
        out_shape=jax.ShapeDtypeStruct((nblk, BSZ, 1), jnp.float32),
    )(x2d, W1t, b1, W2, b2)
    return out.reshape(B, S)


NC, NS, L = 2, 16, 16
NW = NC * NS
SLOTS = NW // B
RPT = K // SLOTS
CH = 16
NCHUNK = RPT // CH
_MIN32 = np.int32(-(2 ** 31))


_UNROLL = 16


def _sc_body(scores_hbm, x_hbm, outx_hbm, outs_hbm,
             scores_v, keys_v, idx_v, outs_v, gbuf0, gbuf1, gbuf2,
             gsem0, gsem1, gsem2, osem0, osem1, osem2):
    c = lax.axis_index("c")
    s = lax.axis_index("s")
    wid = s * NC + c
    b = wid // SLOTS
    slot = wid % SLOTS

    pltpu.sync_copy(scores_hbm.at[b], scores_v)

    def kbody(i, carry):
        base = i * (L * _UNROLL)
        for u in range(_UNROLL):
            sv = scores_v[pl.ds(base + u * L, L)]
            bits = lax.bitcast_convert_type(sv, jnp.int32)
            key = bits ^ (lax.shift_right_arithmetic(bits, 31)
                          & jnp.int32(0x7FFFFFFF))
            key = jnp.where(key == jnp.int32(-1), jnp.int32(0), key)
            keys_v[pl.ds(base + u * L, L)] = key
        return carry
    lax.fori_loop(0, S // (L * _UNROLL), kbody, jnp.int32(0))

    def count_ge(scand):
        def cb(i, cv):
            base = i * (L * _UNROLL)
            for u in range(_UNROLL):
                kv = keys_v[pl.ds(base + u * L, L)]
                cv = cv + jnp.where(kv >= scand, 1, 0).astype(jnp.int32)
            return cv
        return jnp.sum(lax.fori_loop(0, S // (L * _UNROLL), cb,
                                     jnp.zeros((L,), jnp.int32)))

    def sbody(j, t):
        cand = t | lax.shift_left(jnp.int32(1), jnp.int32(31) - j)
        cnt = count_ge(cand ^ _MIN32)
        return jnp.where(cnt >= K, cand, t)
    tbits = lax.fori_loop(0, 32, sbody, jnp.int32(0))
    thr = tbits ^ _MIN32

    def gtcb(i, cv):
        base = i * (L * _UNROLL)
        for u in range(_UNROLL):
            kv = keys_v[pl.ds(base + u * L, L)]
            cv = cv + jnp.where(kv > thr, 1, 0).astype(jnp.int32)
        return cv
    cgt = jnp.sum(lax.fori_loop(0, S // (L * _UNROLL), gtcb,
                                jnp.zeros((L,), jnp.int32)))
    need = K - cgt

    lanes = lax.iota(jnp.int32, L)

    def cbody(i, carry):
        off, eqs = carry
        base = i * (L * 4)
        for u in range(4):
            kv = keys_v[pl.ds(base + u * L, L)]
            gt = kv > thr
            eq = kv == thr
            eqc = plsc.cumsum(jnp.where(eq, 1, 0).astype(jnp.int32))
            keep = gt | (eq & ((eqs + eqc - 1) < need))
            kc = plsc.cumsum(jnp.where(keep, 1, 0).astype(jnp.int32))
            pos = off + kc - 1
            plsc.store_scatter(idx_v, [pos], lanes + (base + u * L), mask=keep)
            off = off + jnp.sum(jnp.where(keep, 1, 0).astype(jnp.int32))
            eqs = eqs + jnp.sum(jnp.where(eq, 1, 0).astype(jnp.int32))
        return (off, eqs)
    lax.fori_loop(0, S // (L * 4), cbody, (jnp.int32(0), jnp.int32(0)))

    @pl.when(slot == 0)
    def _():
        def sgb(i, carry):
            base = i * (L * 8)
            for u in range(8):
                iv = idx_v[pl.ds(base + u * L, L)]
                outs_v[pl.ds(base + u * L, L)] = plsc.load_gather(
                    scores_v, [iv])
            return carry
        lax.fori_loop(0, K // (L * 8), sgb, jnp.int32(0))
        pltpu.sync_copy(outs_v, outs_hbm.at[b])

    base = slot * RPT
    out0 = b * K + base
    row_off = b * S
    gbufs = (gbuf0, gbuf1, gbuf2)
    gsems = (gsem0, gsem1, gsem2)
    osems = (osem0, osem1, osem2)
    nb = 3
    pend_g = [None] * nb
    pend_o = [None] * nb
    for t in range(NCHUNK):
        bi = t % nb
        if pend_o[bi] is not None:
            pend_o[bi].wait()
        giv = idx_v[pl.ds(base + t * CH, CH)] + row_off
        pend_g[bi] = pltpu.async_copy(x_hbm.at[giv], gbufs[bi], gsems[bi])
        if t >= 1:
            pj = (t - 1) % nb
            pend_g[pj].wait()
            pend_o[pj] = pltpu.async_copy(
                gbufs[pj], outx_hbm.at[pl.ds(out0 + (t - 1) * CH, CH)],
                osems[pj])
    lb = (NCHUNK - 1) % nb
    pend_g[lb].wait()
    pend_o[lb] = pltpu.async_copy(
        gbufs[lb], outx_hbm.at[pl.ds(out0 + (NCHUNK - 1) * CH, CH)], osems[lb])
    for o in pend_o:
        if o is not None:
            o.wait()


@functools.cache
def _sc_topk_gather():
    return pl.kernel(
        _sc_body,
        out_type=(jax.ShapeDtypeStruct((B * K, D), jnp.float32),
                  jax.ShapeDtypeStruct((B, K), jnp.float32)),
        mesh=plsc.VectorSubcoreMesh(core_axis_name="c", subcore_axis_name="s"),
        compiler_params=pltpu.CompilerParams(needs_layout_passes=False),
        scratch_types=[
            pltpu.VMEM((S,), jnp.float32),
            pltpu.VMEM((S,), jnp.int32),
            pltpu.VMEM((K,), jnp.int32),
            pltpu.VMEM((K,), jnp.float32),
            pltpu.VMEM((CH, D), jnp.float32),
            pltpu.VMEM((CH, D), jnp.float32),
            pltpu.VMEM((CH, D), jnp.float32),
            pltpu.SemaphoreType.DMA,
            pltpu.SemaphoreType.DMA,
            pltpu.SemaphoreType.DMA,
            pltpu.SemaphoreType.DMA,
            pltpu.SemaphoreType.DMA,
            pltpu.SemaphoreType.DMA,
        ],
    )


def kernel(x, W1, b1, W2, b2):
    x2d = x.reshape(B * S, D)
    W1b = W1.astype(jnp.bfloat16)
    W2pb = jnp.pad(W2, ((0, 127), (0, 0))).astype(jnp.bfloat16)
    scores = _scores_tc(x2d, W1b, b1.reshape(1, H), W2pb, b2.reshape(1, 1))
    sliced_x, sliced_scores = _sc_topk_gather()(scores, x2d)
    return sliced_x.reshape(B, K, D), sliced_scores

# --- scband reference (transcript-rebuilt; emitter-appended) ---
"""Pipeline reference for scband-head-slicing-layer-8675833938138 (READ-ONLY COPY).

The authoritative reference and input builder live on the scoring server;
editing this copy changes nothing except your own understanding.
"""

import jax, jax.numpy as jnp
import numpy as np

B, S, D = 4, 4096, 2048
H = D // 4
RATIO = 0.5

def setup_inputs(seed: int = 0) -> dict:
    key = jax.random.key(seed)
    k1, k2, k3, k4, k5 = jax.random.split(key, 5)
    x = jax.random.normal(k1, (B, S, D), dtype=jnp.float32)
    s1 = 1.0 / np.sqrt(D)
    W1 = jax.random.uniform(k2, (H, D), minval=-s1, maxval=s1, dtype=jnp.float32)
    b1 = jax.random.uniform(k3, (H,), minval=-s1, maxval=s1, dtype=jnp.float32)
    s2 = 1.0 / np.sqrt(H)
    W2 = jax.random.uniform(k4, (1, H), minval=-s2, maxval=s2, dtype=jnp.float32)
    b2 = jax.random.uniform(k5, (1,), minval=-s2, maxval=s2, dtype=jnp.float32)
    return {"x": x, "W1": W1, "b1": b1, "W2": W2, "b2": b2}

def reference(x, W1, b1, W2, b2):
    # score_net: Linear(D, D//4) -> ReLU -> Linear(D//4, 1), squeeze(-1)
    h = jax.nn.relu(jnp.einsum('bsd,hd->bsh', x, W1) + b1)
    scores = (jnp.einsum('bsh,oh->bso', h, W2) + b2)[..., 0]  # [B, S]
    # mask is None -> num_keep is the same static value for every batch row
    num_keep = max(int(S * RATIO), 1)
    _, top_idx = jax.lax.top_k(scores, num_keep)           # [B, num_keep]
    top_idx_sorted = jnp.sort(top_idx, axis=1)             # [B, num_keep]
    sliced_x = jnp.take_along_axis(x, top_idx_sorted[:, :, None], axis=1)  # [B, num_keep, D]
    sliced_scores = jnp.take_along_axis(scores, top_idx_sorted, axis=1)    # [B, num_keep]
    return (sliced_x, sliced_scores)

if __name__ == "__main__":
    import jax
    _d = setup_inputs()
    print(jax.jit(kernel)(*tuple(_d.values())))

</pallas_src>

<mosaic_0001>
#map = affine_map<(d0, d1) -> (0, 0)>
module attributes {stable_mosaic.version = 14 : i64} {
  func.func @_sc_body(%arg0: i32, %arg1: i32, %arg2: memref<4x4096xf32, #tpu.memory_space<hbm>>, %arg3: memref<16384x2048xf32, #tpu.memory_space<hbm>>, %arg4: memref<8192x2048xf32, #tpu.memory_space<hbm>>, %arg5: memref<4x2048xf32, #tpu.memory_space<hbm>>, %arg6: memref<4096xf32, #tpu.memory_space<vmem>>, %arg7: memref<4096xi32, #tpu.memory_space<vmem>>, %arg8: memref<2048xi32, #tpu.memory_space<vmem>>, %arg9: memref<2048xf32, #tpu.memory_space<vmem>>, %arg10: memref<16x2048xf32, #tpu.memory_space<vmem>>, %arg11: memref<16x2048xf32, #tpu.memory_space<vmem>>, %arg12: memref<16x2048xf32, #tpu.memory_space<vmem>>, %arg13: memref<!tpu.dma_semaphore, #tpu.memory_space<semaphore_mem>>, %arg14: memref<!tpu.dma_semaphore, #tpu.memory_space<semaphore_mem>>, %arg15: memref<!tpu.dma_semaphore, #tpu.memory_space<semaphore_mem>>, %arg16: memref<!tpu.dma_semaphore, #tpu.memory_space<semaphore_mem>>, %arg17: memref<!tpu.dma_semaphore, #tpu.memory_space<semaphore_mem>>, %arg18: memref<!tpu.dma_semaphore, #tpu.memory_space<semaphore_mem>>) attributes {dimension_semantics = [#tpu.dimension_semantics<core_parallel>, #tpu.dimension_semantics<subcore_parallel>], iteration_bounds = array<i64: 2, 16>, scalar_prefetch = 0 : i64, scratch_operands = 13 : i64, tpu.core_type = #tpu.core_type<sc_vector_subcore>, window_params = [{transform_indices = #map}, {transform_indices = #map}, {transform_indices = #map}, {transform_indices = #map}]} {
    %mul3A = arith.constant 2 : i32
    %mul3A_0 = arith.muli %arg1, %mul3A : i32
    %add3A = arith.addi %mul3A_0, %arg0 : i32
    %jit3A = arith.constant 8 : i32
    %div3A = arith.divsi %add3A, %jit3A : i32
    %sign3A = arith.constant 0 : i32
    %sign3A_1 = arith.cmpi sgt, %add3A, %sign3A : i32
    %sign3A_2 = arith.extui %sign3A_1 : i1 to i32
    %sign3A_3 = arith.constant 0 : i32
    %sign3A_4 = arith.cmpi slt, %add3A, %sign3A_3 : i32
    %sign3A_5 = arith.extui %sign3A_4 : i1 to i32
    %sign3A_6 = arith.subi %sign3A_2, %sign3A_5 : i32
    %sign3A_7 = arith.constant 0 : i32
    %sign3A_8 = arith.cmpi sgt, %jit3A, %sign3A_7 : i32
    %sign3A_9 = arith.extui %sign3A_8 : i1 to i32
    %sign3A_10 = arith.constant 0 : i32
    %sign3A_11 = arith.cmpi slt, %jit3A, %sign3A_10 : i32
    %sign3A_12 = arith.extui %sign3A_11 : i1 to i32
    %sign3A_13 = arith.subi %sign3A_9, %sign3A_12 : i32
    %ne3A = arith.cmpi ne, %sign3A_6, %sign3A_13 : i32
    %rem3A = arith.remsi %add3A, %jit3A : i32
    %ne3A_14 = arith.constant 0 : i32
    %ne3A_15 = arith.cmpi ne, %rem3A, %ne3A_14 : i32
    %and3A = arith.andi %ne3A, %ne3A_15 : i1
    %sub3A = arith.constant 1 : i32
    %sub3A_16 = arith.subi %div3A, %sub3A : i32
    %select_n3A = arith.select %and3A, %sub3A_16, %div3A : i32
    %jit3A_17 = arith.constant 8 : i32
    %eq3A = arith.constant 0 : i32
    %eq3A_18 = arith.cmpi eq, %jit3A_17, %eq3A : i32
    %jit3A_19 = arith.constant 1 : i32
    %select_n3A_20 = arith.select %eq3A_18, %jit3A_19, %jit3A_17 : i32
    %rem3A_21 = arith.remsi %add3A, %select_n3A_20 : i32
    %ne3A_22 = arith.constant 0 : i32
    %ne3A_23 = arith.cmpi ne, %rem3A_21, %ne3A_22 : i32
    %lt3A = arith.constant 0 : i32
    %lt3A_24 = arith.cmpi slt, %rem3A_21, %lt3A : i32
    %lt3A_25 = arith.constant 0 : i32
    %lt3A_26 = arith.cmpi slt, %select_n3A_20, %lt3A_25 : i32
    %ne3A_27 = arith.xori %lt3A_24, %lt3A_26 : i1
    %and3A_28 = arith.andi %ne3A_27, %ne3A_23 : i1
    %add3A_29 = arith.addi %rem3A_21, %select_n3A_20 : i32
    %select_n3A_30 = arith.select %and3A_28, %add3A_29, %rem3A_21 : i32
    "tpu.region"() ({
      %run_scoped3A = tpu.sem_alloc : memref<!tpu.dma_semaphore, #tpu.memory_space<semaphore_mem>>
      %dma_start3A_423 = arith.constant 0 : i32
      %dma_start3A_424 = tpu.memref_slice %arg2[%select_n3A, %dma_start3A_423] : memref<4x4096xf32, #tpu.memory_space<hbm>> -> memref<1x4096xf32, #tpu.memory_space<hbm>>
      %dma_start3A_425 = tpu.memref_squeeze %dma_start3A_424 : memref<1x4096xf32, #tpu.memory_space<hbm>> -> memref<4096xf32, #tpu.memory_space<hbm>>
      %dma_start3A_426 = arith.constant 0 : i32
      %dma_start3A_427 = tpu.memref_slice %arg2[%select_n3A, %dma_start3A_426] : memref<4x4096xf32, #tpu.memory_space<hbm>> -> memref<1x4096xf32, #tpu.memory_space<hbm>>
      %dma_start3A_428 = tpu.memref_squeeze %dma_start3A_427 : memref<1x4096xf32, #tpu.memory_space<hbm>> -> memref<4096xf32, #tpu.memory_space<hbm>>
      tpu.enqueue_dma source(%dma_start3A_428 : memref<4096xf32, #tpu.memory_space<hbm>>) target(%arg6 : memref<4096xf32, #tpu.memory_space<vmem>>) target_semaphore(%run_scoped3A : memref<!tpu.dma_semaphore, #tpu.memory_space<semaphore_mem>>)
      %dma_wait3A_429 = arith.constant 0 : i32
      %dma_wait3A_430 = tpu.memref_slice %arg2[%select_n3A, %dma_wait3A_429] : memref<4x4096xf32, #tpu.memory_space<hbm>> -> memref<1x4096xf32, #tpu.memory_space<hbm>>
      %dma_wait3A_431 = tpu.memref_squeeze %dma_wait3A_430 : memref<1x4096xf32, #tpu.memory_space<hbm>> -> memref<4096xf32, #tpu.memory_space<hbm>>
      %dma_wait3A_432 = arith.constant 0 : i32
      %dma_wait3A_433 = tpu.memref_slice %arg2[%select_n3A, %dma_wait3A_432] : memref<4x4096xf32, #tpu.memory_space<hbm>> -> memref<1x4096xf32, #tpu.memory_space<hbm>>
      %dma_wait3A_434 = tpu.memref_squeeze %dma_wait3A_433 : memref<1x4096xf32, #tpu.memory_space<hbm>> -> memref<4096xf32, #tpu.memory_space<hbm>>
      tpu.wait_dma2 semaphore(%run_scoped3A : memref<!tpu.dma_semaphore, #tpu.memory_space<semaphore_mem>>) src(%dma_wait3A_434 : memref<4096xf32, #tpu.memory_space<hbm>>) dst(%arg6 : memref<4096xf32, #tpu.memory_space<vmem>>)
      tpu.yield
    }) : () -> ()
    %scan3A = arith.constant 0 : i32
    %scan3A_31 = arith.constant 0 : i32
    %scan3A_32 = arith.constant 16 : i32
    %scan3A_33 = arith.addi %scan3A_31, %scan3A_32 : i32
    %scan3A_34 = arith.constant 1 : i32
    scf.for %scan3A_423 = %scan3A_31 to %scan3A_33 step %scan3A_34  : i32 {
      %mul3A_424 = arith.constant 256 : i32
      %mul3A_425 = arith.muli %scan3A_423, %mul3A_424 : i32
      %add3A_426 = arith.constant 0 : i32
      %add3A_427 = arith.addi %mul3A_425, %add3A_426 : i32
      %get3A_428 = arith.index_cast %add3A_427 : i32 to index
      %get3A_429 = tpu.vector_load %arg6[%get3A_428] {strides = array<i32>} : memref<4096xf32, #tpu.memory_space<vmem>>, vector<16xf32>,
      %bitcast_convert_type3A = tpu.bitcast %get3A_429 : vector<16xf32> -> vector<16xi32>
      %shift_right_arithmetic3A = arith.constant 31 : i32
      %shift_right_arithmetic3A_430 = vector.broadcast %shift_right_arithmetic3A : i32 to vector<16xi32>
      %shift_right_arithmetic3A_431 = arith.shrsi %bitcast_convert_type3A, %shift_right_arithmetic3A_430 : vector<16xi32>
      %and3A_432 = arith.constant 2147483647 : i32
      %and3A_433 = vector.broadcast %and3A_432 : i32 to vector<16xi32>
      %and3A_434 = arith.andi %shift_right_arithmetic3A_431, %and3A_433 : vector<16xi32>
      %xor3A_435 = arith.xori %bitcast_convert_type3A, %and3A_434 : vector<16xi32>
      %eq3A_436 = arith.constant -1 : i32
      %eq3A_437 = vector.broadcast %eq3A_436 : i32 to vector<16xi32>
      %eq3A_438 = arith.cmpi eq, %xor3A_435, %eq3A_437 : vector<16xi32>
      %jit3A_439 = arith.constant 0 : i32
      %broadcast_in_dim3A_440 = vector.broadcast %jit3A_439 : i32 to vector<16xi32>
      %select_n3A_441 = arith.select %eq3A_438, %broadcast_in_dim3A_440, %xor3A_435 : vector<16xi1>, vector<16xi32>
      %add3A_442 = arith.constant 0 : i32
      %add3A_443 = arith.addi %mul3A_425, %add3A_442 : i32
      %swap3A = arith.index_cast %add3A_443 : i32 to index
      %swap3A_444 = tpu.vector_load %arg7[%swap3A] {strides = array<i32>} : memref<4096xi32, #tpu.memory_space<vmem>>, vector<16xi32>,
      tpu.vector_store %arg7[%swap3A], %select_n3A_441 {strides = array<i32>} : memref<4096xi32, #tpu.memory_space<vmem>>, vector<16xi32>,
      %add3A_445 = arith.constant 16 : i32
      %add3A_446 = arith.addi %mul3A_425, %add3A_445 : i32
      %get3A_447 = arith.index_cast %add3A_446 : i32 to index
      %get3A_448 = tpu.vector_load %arg6[%get3A_447] {strides = array<i32>} : memref<4096xf32, #tpu.memory_space<vmem>>, vector<16xf32>,
      %bitcast_convert_type3A_449 = tpu.bitcast %get3A_448 : vector<16xf32> -> vector<16xi32>
      %shift_right_arithmetic3A_450 = arith.constant 31 : i32
      %shift_right_arithmetic3A_451 = vector.broadcast %shift_right_arithmetic3A_450 : i32 to vector<16xi32>
      %shift_right_arithmetic3A_452 = arith.shrsi %bitcast_convert_type3A_449, %shift_right_arithmetic3A_451 : vector<16xi32>
      %and3A_453 = arith.constant 2147483647 : i32
      %and3A_454 = vector.broadcast %and3A_453 : i32 to vector<16xi32>
      %and3A_455 = arith.andi %shift_right_arithmetic3A_452, %and3A_454 : vector<16xi32>
      %xor3A_456 = arith.xori %bitcast_convert_type3A_449, %and3A_455 : vector<16xi32>
      %eq3A_457 = arith.constant -1 : i32
      %eq3A_458 = vector.broadcast %eq3A_457 : i32 to vector<16xi32>
      %eq3A_459 = arith.cmpi eq, %xor3A_456, %eq3A_458 : vector<16xi32>
      %jit3A_460 = arith.constant 0 : i32
      %broadcast_in_dim3A_461 = vector.broadcast %jit3A_460 : i32 to vector<16xi32>
      %select_n3A_462 = arith.select %eq3A_459, %broadcast_in_dim3A_461, %xor3A_456 : vector<16xi1>, vector<16xi32>
      %add3A_463 = arith.constant 16 : i32
      %add3A_464 = arith.addi %mul3A_425, %add3A_463 : i32
      %swap3A_465 = arith.index_cast %add3A_464 : i32 to index
      %swap3A_466 = tpu.vector_load %arg7[%swap3A_465] {strides = array<i32>} : memref<4096xi32, #tpu.memory_space<vmem>>, vector<16xi32>,
      tpu.vector_store %arg7[%swap3A_465], %select_n3A_462 {strides = array<i32>} : memref<4096xi32, #tpu.memory_space<vmem>>, vector<16xi32>,
      %add3A_467 = arith.constant 32 : i32
      %add3A_468 = arith.addi %mul3A_425, %add3A_467 : i32
      %get3A_469 = arith.index_cast %add3A_468 : i32 to index
      %get3A_470 = tpu.vector_load %arg6[%get3A_469] {strides = array<i32>} : memref<4096xf32, #tpu.memory_space<vmem>>, vector<16xf32>,
      %bitcast_convert_type3A_471 = tpu.bitcast %get3A_470 : vector<16xf32> -> vector<16xi32>
      %shift_right_arithmetic3A_472 = arith.constant 31 : i32
      %shift_right_arithmetic3A_473 = vector.broadcast %shift_right_arithmetic3A_472 : i32 to vector<16xi32>
      %shift_right_arithmetic3A_474 = arith.shrsi %bitcast_convert_type3A_471, %shift_right_arithmetic3A_473 : vector<16xi32>
      %and3A_475 = arith.constant 2147483647 : i32
      %and3A_476 = vector.broadcast %and3A_475 : i32 to vector<16xi32>
      %and3A_477 = arith.andi %shift_right_arithmetic3A_474, %and3A_476 : vector<16xi32>
      %xor3A_478 = arith.xori %bitcast_convert_type3A_471, %and3A_477 : vector<16xi32>
      %eq3A_479 = arith.constant -1 : i32
      %eq3A_480 = vector.broadcast %eq3A_479 : i32 to vector<16xi32>
      %eq3A_481 = arith.cmpi eq, %xor3A_478, %eq3A_480 : vector<16xi32>
      %jit3A_482 = arith.constant 0 : i32
      %broadcast_in_dim3A_483 = vector.broadcast %jit3A_482 : i32 to vector<16xi32>
      %select_n3A_484 = arith.select %eq3A_481, %broadcast_in_dim3A_483, %xor3A_478 : vector<16xi1>, vector<16xi32>
      %add3A_485 = arith.constant 32 : i32
      %add3A_486 = arith.addi %mul3A_425, %add3A_485 : i32
      %swap3A_487 = arith.index_cast %add3A_486 : i32 to index
      %swap3A_488 = tpu.vector_load %arg7[%swap3A_487] {strides = array<i32>} : memref<4096xi32, #tpu.memory_space<vmem>>, vector<16xi32>,
      tpu.vector_store %arg7[%swap3A_487], %select_n3A_484 {strides = array<i32>} : memref<4096xi32, #tpu.memory_space<vmem>>, vector<16xi32>,
      %add3A_489 = arith.constant 48 : i32
      %add3A_490 = arith.addi %mul3A_425, %add3A_489 : i32
      %get3A_491 = arith.index_cast %add3A_490 : i32 to index
      %get3A_492 = tpu.vector_load %arg6[%get3A_491] {strides = array<i32>} : memref<4096xf32, #tpu.memory_space<vmem>>, vector<16xf32>,
      %bitcast_convert_type3A_493 = tpu.bitcast %get3A_492 : vector<16xf32> -> vector<16xi32>
      %shift_right_arithmetic3A_494 = arith.constant 31 : i32
      %shift_right_arithmetic3A_495 = vector.broadcast %shift_right_arithmetic3A_494 : i32 to vector<16xi32>
      %shift_right_arithmetic3A_496 = arith.shrsi %bitcast_convert_type3A_493, %shift_right_arithmetic3A_495 : vector<16xi32>
      %and3A_497 = arith.constant 2147483647 : i32
      %and3A_498 = vector.broadcast %and3A_497 : i32 to vector<16xi32>
      %and3A_499 = arith.andi %shift_right_arithmetic3A_496, %and3A_498 : vector<16xi32>
      %xor3A_500 = arith.xori %bitcast_convert_type3A_493, %and3A_499 : vector<16xi32>
      %eq3A_501 = arith.constant -1 : i32
      %eq3A_502 = vector.broadcast %eq3A_501 : i32 to vector<16xi32>
      %eq3A_503 = arith.cmpi eq, %xor3A_500, %eq3A_502 : vector<16xi32>
      %jit3A_504 = arith.constant 0 : i32
      %broadcast_in_dim3A_505 = vector.broadcast %jit3A_504 : i32 to vector<16xi32>
      %select_n3A_506 = arith.select %eq3A_503, %broadcast_in_dim3A_505, %xor3A_500 : vector<16xi1>, vector<16xi32>
      %add3A_507 = arith.constant 48 : i32
      %add3A_508 = arith.addi %mul3A_425, %add3A_507 : i32
      %swap3A_509 = arith.index_cast %add3A_508 : i32 to index
      %swap3A_510 = tpu.vector_load %arg7[%swap3A_509] {strides = array<i32>} : memref<4096xi32, #tpu.memory_space<vmem>>, vector<16xi32>,
      tpu.vector_store %arg7[%swap3A_509], %select_n3A_506 {strides = array<i32>} : memref<4096xi32, #tpu.memory_space<vmem>>, vector<16xi32>,
      %add3A_511 = arith.constant 64 : i32
      %add3A_512 = arith.addi %mul3A_425, %add3A_511 : i32
      %get3A_513 = arith.index_cast %add3A_512 : i32 to index
      %get3A_514 = tpu.vector_load %arg6[%get3A_513] {strides = array<i32>} : memref<4096xf32, #tpu.memory_space<vmem>>, vector<16xf32>,
      %bitcast_convert_type3A_515 = tpu.bitcast %get3A_514 : vector<16xf32> -> vector<16xi32>
      %shift_right_arithmetic3A_516 = arith.constant 31 : i32
      %shift_right_arithmetic3A_517 = vector.broadcast %shift_right_arithmetic3A_516 : i32 to vector<16xi32>
      %shift_right_arithmetic3A_518 = arith.shrsi %bitcast_convert_type3A_515, %shift_right_arithmetic3A_517 : vector<16xi32>
      %and3A_519 = arith.constant 2147483647 : i32
      %and3A_520 = vector.broadcast %and3A_519 : i32 to vector<16xi32>
      %and3A_521 = arith.andi %shift_right_arithmetic3A_518, %and3A_520 : vector<16xi32>
      %xor3A_522 = arith.xori %bitcast_convert_type3A_515, %and3A_521 : vector<16xi32>
      %eq3A_523 = arith.constant -1 : i32
      %eq3A_524 = vector.broadcast %eq3A_523 : i32 to vector<16xi32>
      %eq3A_525 = arith.cmpi eq, %xor3A_522, %eq3A_524 : vector<16xi32>
      %jit3A_526 = arith.constant 0 : i32
      %broadcast_in_dim3A_527 = vector.broadcast %jit3A_526 : i32 to vector<16xi32>
      %select_n3A_528 = arith.select %eq3A_525, %broadcast_in_dim3A_527, %xor3A_522 : vector<16xi1>, vector<16xi32>
      %add3A_529 = arith.constant 64 : i32
      %add3A_530 = arith.addi %mul3A_425, %add3A_529 : i32
      %swap3A_531 = arith.index_cast %add3A_530 : i32 to index
      %swap3A_532 = tpu.vector_load %arg7[%swap3A_531] {strides = array<i32>} : memref<4096xi32, #tpu.memory_space<vmem>>, vector<16xi32>,
      tpu.vector_store %arg7[%swap3A_531], %select_n3A_528 {strides = array<i32>} : memref<4096xi32, #tpu.memory_space<vmem>>, vector<16xi32>,
      %add3A_533 = arith.constant 80 : i32
      %add3A_534 = arith.addi %mul3A_425, %add3A_533 : i32
      %get3A_535 = arith.index_cast %add3A_534 : i32 to index
      %get3A_536 = tpu.vector_load %arg6[%get3A_535] {strides = array<i32>} : memref<4096xf32, #tpu.memory_space<vmem>>, vector<16xf32>,
      %bitcast_convert_type3A_537 = tpu.bitcast %get3A_536 : vector<16xf32> -> vector<16xi32>
      %shift_right_arithmetic3A_538 = arith.constant 31 : i32
      %shift_right_arithmetic3A_539 = vector.broadcast %shift_right_arithmetic3A_538 : i32 to vector<16xi32>
      %shift_right_arithmetic3A_540 = arith.shrsi %bitcast_convert_type3A_537, %shift_right_arithmetic3A_539 : vector<16xi32>
      %and3A_541 = arith.constant 2147483647 : i32
      %and3A_542 = vector.broadcast %and3A_541 : i32 to vector<16xi32>
      %and3A_543 = arith.andi %shift_right_arithmetic3A_540, %and3A_542 : vector<16xi32>
      %xor3A_544 = arith.xori %bitcast_convert_type3A_537, %and3A_543 : vector<16xi32>
      %eq3A_545 = arith.constant -1 : i32
      %eq3A_546 = vector.broadcast %eq3A_545 : i32 to vector<16xi32>
      %eq3A_547 = arith.cmpi eq, %xor3A_544, %eq3A_546 : vector<16xi32>
      %jit3A_548 = arith.constant 0 : i32
      %broadcast_in_dim3A_549 = vector.broadcast %jit3A_548 : i32 to vector<16xi32>
      %select_n3A_550 = arith.select %eq3A_547, %broadcast_in_dim3A_549, %xor3A_544 : vector<16xi1>, vector<16xi32>
      %add3A_551 = arith.constant 80 : i32
      %add3A_552 = arith.addi %mul3A_425, %add3A_551 : i32
      %swap3A_553 = arith.index_cast %add3A_552 : i32 to index
      %swap3A_554 = tpu.vector_load %arg7[%swap3A_553] {strides = array<i32>} : memref<4096xi32, #tpu.memory_space<vmem>>, vector<16xi32>,
      tpu.vector_store %arg7[%swap3A_553], %select_n3A_550 {strides = array<i32>} : memref<4096xi32, #tpu.memory_space<vmem>>, vector<16xi32>,
      %add3A_555 = arith.constant 96 : i32
      %add3A_556 = arith.addi %mul3A_425, %add3A_555 : i32
      %get3A_557 = arith.index_cast %add3A_556 : i32 to index
      %get3A_558 = tpu.vector_load %arg6[%get3A_557] {strides = array<i32>} : memref<4096xf32, #tpu.memory_space<vmem>>, vector<16xf32>,
      %bitcast_convert_type3A_559 = tpu.bitcast %get3A_558 : vector<16xf32> -> vector<16xi32>
      %shift_right_arithmetic3A_560 = arith.constant 31 : i32
      %shift_right_arithmetic3A_561 = vector.broadcast %shift_right_arithmetic3A_560 : i32 to vector<16xi32>
      %shift_right_arithmetic3A_562 = arith.shrsi %bitcast_convert_type3A_559, %shift_right_arithmetic3A_561 : vector<16xi32>
      %and3A_563 = arith.constant 2147483647 : i32
      %and3A_564 = vector.broadcast %and3A_563 : i32 to vector<16xi32>
      %and3A_565 = arith.andi %shift_right_arithmetic3A_562, %and3A_564 : vector<16xi32>
      %xor3A_566 = arith.xori %bitcast_convert_type3A_559, %and3A_565 : vector<16xi32>
      %eq3A_567 = arith.constant -1 : i32
      %eq3A_568 = vector.broadcast %eq3A_567 : i32 to vector<16xi32>
      %eq3A_569 = arith.cmpi eq, %xor3A_566, %eq3A_568 : vector<16xi32>
      %jit3A_570 = arith.constant 0 : i32
      %broadcast_in_dim3A_571 = vector.broadcast %jit3A_570 : i32 to vector<16xi32>
      %select_n3A_572 = arith.select %eq3A_569, %broadcast_in_dim3A_571, %xor3A_566 : vector<16xi1>, vector<16xi32>
      %add3A_573 = arith.constant 96 : i32
      %add3A_574 = arith.addi %mul3A_425, %add3A_573 : i32
      %swap3A_575 = arith.index_cast %add3A_574 : i32 to index
      %swap3A_576 = tpu.vector_load %arg7[%swap3A_575] {strides = array<i32>} : memref<4096xi32, #tpu.memory_space<vmem>>, vector<16xi32>,
      tpu.vector_store %arg7[%swap3A_575], %select_n3A_572 {strides = array<i32>} : memref<4096xi32, #tpu.memory_space<vmem>>, vector<16xi32>,
      %add3A_577 = arith.constant 112 : i32
      %add3A_578 = arith.addi %mul3A_425, %add3A_577 : i32
      %get3A_579 = arith.index_cast %add3A_578 : i32 to index
      %get3A_580 = tpu.vector_load %arg6[%get3A_579] {strides = array<i32>} : memref<4096xf32, #tpu.memory_space<vmem>>, vector<16xf32>,
      %bitcast_convert_type3A_581 = tpu.bitcast %get3A_580 : vector<16xf32> -> vector<16xi32>
      %shift_right_arithmetic3A_582 = arith.constant 31 : i32
      %shift_right_arithmetic3A_583 = vector.broadcast %shift_right_arithmetic3A_582 : i32 to vector<16xi32>
      %shift_right_arithmetic3A_584 = arith.shrsi %bitcast_convert_type3A_581, %shift_right_arithmetic3A_583 : vector<16xi32>
      %and3A_585 = arith.constant 2147483647 : i32
      %and3A_586 = vector.broadcast %and3A_585 : i32 to vector<16xi32>
      %and3A_587 = arith.andi %shift_right_arithmetic3A_584, %and3A_586 : vector<16xi32>
      %xor3A_588 = arith.xori %bitcast_convert_type3A_581, %and3A_587 : vector<16xi32>
      %eq3A_589 = arith.constant -1 : i32
      %eq3A_590 = vector.broadcast %eq3A_589 : i32 to vector<16xi32>
      %eq3A_591 = arith.cmpi eq, %xor3A_588, %eq3A_590 : vector<16xi32>
      %jit3A_592 = arith.constant 0 : i32
      %broadcast_in_dim3A_593 = vector.broadcast %jit3A_592 : i32 to vector<16xi32>
      %select_n3A_594 = arith.select %eq3A_591, %broadcast_in_dim3A_593, %xor3A_588 : vector<16xi1>, vector<16xi32>
      %add3A_595 = arith.constant 112 : i32
      %add3A_596 = arith.addi %mul3A_425, %add3A_595 : i32
      %swap3A_597 = arith.index_cast %add3A_596 : i32 to index
      %swap3A_598 = tpu.vector_load %arg7[%swap3A_597] {strides = array<i32>} : memref<4096xi32, #tpu.memory_space<vmem>>, vector<16xi32>,
      tpu.vector_store %arg7[%swap3A_597], %select_n3A_594 {strides = array<i32>} : memref<4096xi32, #tpu.memory_space<vmem>>, vector<16xi32>,
      %add3A_599 = arith.constant 128 : i32
      %add3A_600 = arith.addi %mul3A_425, %add3A_599 : i32
      %get3A_601 = arith.index_cast %add3A_600 : i32 to index
      %get3A_602 = tpu.vector_load %arg6[%get3A_601] {strides = array<i32>} : memref<4096xf32, #tpu.memory_space<vmem>>, vector<16xf32>,
      %bitcast_convert_type3A_603 = tpu.bitcast %get3A_602 : vector<16xf32> -> vector<16xi32>
      %shift_right_arithmetic3A_604 = arith.constant 31 : i32
      %shift_right_arithmetic3A_605 = vector.broadcast %shift_right_arithmetic3A_604 : i32 to vector<16xi32>
      %shift_right_arithmetic3A_606 = arith.shrsi %bitcast_convert_type3A_603, %shift_right_arithmetic3A_605 : vector<16xi32>
      %and3A_607 = arith.constant 2147483647 : i32
      %and3A_608 = vector.broadcast %and3A_607 : i32 to vector<16xi32>
      %and3A_609 = arith.andi %shift_right_arithmetic3A_606, %and3A_608 : vector<16xi32>
      %xor3A_610 = arith.xori %bitcast_convert_type3A_603, %and3A_609 : vector<16xi32>
      %eq3A_611 = arith.constant -1 : i32
      %eq3A_612 = vector.broadcast %eq3A_611 : i32 to vector<16xi32>
      %eq3A_613 = arith.cmpi eq, %xor3A_610, %eq3A_612 : vector<16xi32>
      %jit3A_614 = arith.constant 0 : i32
      %broadcast_in_dim3A_615 = vector.broadcast %jit3A_614 : i32 to vector<16xi32>
      %select_n3A_616 = arith.select %eq3A_613, %broadcast_in_dim3A_615, %xor3A_610 : vector<16xi1>, vector<16xi32>
      %add3A_617 = arith.constant 128 : i32
      %add3A_618 = arith.addi %mul3A_425, %add3A_617 : i32
      %swap3A_619 = arith.index_cast %add3A_618 : i32 to index
      %swap3A_620 = tpu.vector_load %arg7[%swap3A_619] {strides = array<i32>} : memref<4096xi32, #tpu.memory_space<vmem>>, vector<16xi32>,
      tpu.vector_store %arg7[%swap3A_619], %select_n3A_616 {strides = array<i32>} : memref<4096xi32, #tpu.memory_space<vmem>>, vector<16xi32>,
      %add3A_621 = arith.constant 144 : i32
      %add3A_622 = arith.addi %mul3A_425, %add3A_621 : i32
      %get3A_623 = arith.index_cast %add3A_622 : i32 to index
      %get3A_624 = tpu.vector_load %arg6[%get3A_623] {strides = array<i32>} : memref<4096xf32, #tpu.memory_space<vmem>>, vector<16xf32>,
      %bitcast_convert_type3A_625 = tpu.bitcast %get3A_624 : vector<16xf32> -> vector<16xi32>
      %shift_right_arithmetic3A_626 = arith.constant 31 : i32
      %shift_right_arithmetic3A_627 = vector.broadcast %shift_right_arithmetic3A_626 : i32 to vector<16xi32>
      %shift_right_arithmetic3A_628 = arith.shrsi %bitcast_convert_type3A_625, %shift_right_arithmetic3A_627 : vector<16xi32>
      %and3A_629 = arith.constant 2147483647 : i32
      %and3A_630 = vector.broadcast %and3A_629 : i32 to vector<16xi32>
      %and3A_631 = arith.andi %shift_right_arithmetic3A_628, %and3A_630 : vector<16xi32>
      %xor3A_632 = arith.xori %bitcast_convert_type3A_625, %and3A_631 : vector<16xi32>
      %eq3A_633 = arith.constant -1 : i32
      %eq3A_634 = vector.broadcast %eq3A_633 : i32 to vector<16xi32>
      %eq3A_635 = arith.cmpi eq, %xor3A_632, %eq3A_634 : vector<16xi32>
      %jit3A_636 = arith.constant 0 : i32
      %broadcast_in_dim3A_637 = vector.broadcast %jit3A_636 : i32 to vector<16xi32>
      %select_n3A_638 = arith.select %eq3A_635, %broadcast_in_dim3A_637, %xor3A_632 : vector<16xi1>, vector<16xi32>
      %add3A_639 = arith.constant 144 : i32
      %add3A_640 = arith.addi %mul3A_425, %add3A_639 : i32
      %swap3A_641 = arith.index_cast %add3A_640 : i32 to index
      %swap3A_642 = tpu.vector_load %arg7[%swap3A_641] {strides = array<i32>} : memref<4096xi32, #tpu.memory_space<vmem>>, vector<16xi32>,
      tpu.vector_store %arg7[%swap3A_641], %select_n3A_638 {strides = array<i32>} : memref<4096xi32, #tpu.memory_space<vmem>>, vector<16xi32>,
      %add3A_643 = arith.constant 160 : i32
      %add3A_644 = arith.addi %mul3A_425, %add3A_643 : i32
      %get3A_645 = arith.index_cast %add3A_644 : i32 to index
      %get3A_646 = tpu.vector_load %arg6[%get3A_645] {strides = array<i32>} : memref<4096xf32, #tpu.memory_space<vmem>>, vector<16xf32>,
      %bitcast_convert_type3A_647 = tpu.bitcast %get3A_646 : vector<16xf32> -> vector<16xi32>
      %shift_right_arithmetic3A_648 = arith.constant 31 : i32
      %shift_right_arithmetic3A_649 = vector.broadcast %shift_right_arithmetic3A_648 : i32 to vector<16xi32>
      %shift_right_arithmetic3A_650 = arith.shrsi %bitcast_convert_type3A_647, %shift_right_arithmetic3A_649 : vector<16xi32>
      %and3A_651 = arith.constant 2147483647 : i32
      %and3A_652 = vector.broadcast %and3A_651 : i32 to vector<16xi32>
      %and3A_653 = arith.andi %shift_right_arithmetic3A_650, %and3A_652 : vector<16xi32>
      %xor3A_654 = arith.xori %bitcast_convert_type3A_647, %and3A_653 : vector<16xi32>
      %eq3A_655 = arith.constant -1 : i32
      %eq3A_656 = vector.broadcast %eq3A_655 : i32 to vector<16xi32>
      %eq3A_657 = arith.cmpi eq, %xor3A_654, %eq3A_656 : vector<16xi32>
      %jit3A_658 = arith.constant 0 : i32
      %broadcast_in_dim3A_659 = vector.broadcast %jit3A_658 : i32 to vector<16xi32>
      %select_n3A_660 = arith.select %eq3A_657, %broadcast_in_dim3A_659, %xor3A_654 : vector<16xi1>, vector<16xi32>
      %add3A_661 = arith.constant 160 : i32
      %add3A_662 = arith.addi %mul3A_425, %add3A_661 : i32
      %swap3A_663 = arith.index_cast %add3A_662 : i32 to index
      %swap3A_664 = tpu.vector_load %arg7[%swap3A_663] {strides = array<i32>} : memref<4096xi32, #tpu.memory_space<vmem>>, vector<16xi32>,
      tpu.vector_store %arg7[%swap3A_663], %select_n3A_660 {strides = array<i32>} : memref<4096xi32, #tpu.memory_space<vmem>>, vector<16xi32>,
      %add3A_665 = arith.constant 176 : i32
      %add3A_666 = arith.addi %mul3A_425, %add3A_665 : i32
      %get3A_667 = arith.index_cast %add3A_666 : i32 to index
      %get3A_668 = tpu.vector_load %arg6[%get3A_667] {strides = array<i32>} : memref<4096xf32, #tpu.memory_space<vmem>>, vector<16xf32>,
      %bitcast_convert_type3A_669 = tpu.bitcast %get3A_668 : vector<16xf32> -> vector<16xi32>
      %shift_right_arithmetic3A_670 = arith.constant 31 : i32
      %shift_right_arithmetic3A_671 = vector.broadcast %shift_right_arithmetic3A_670 : i32 to vector<16xi32>
      %shift_right_arithmetic3A_672 = arith.shrsi %bitcast_convert_type3A_669, %shift_right_arithmetic3A_671 : vector<16xi32>
      %and3A_673 = arith.constant 2147483647 : i32
      %and3A_674 = vector.broadcast %and3A_673 : i32 to vector<16xi32>
      %and3A_675 = arith.andi %shift_right_arithmetic3A_672, %and3A_674 : vector<16xi32>
      %xor3A_676 = arith.xori %bitcast_convert_type3A_669, %and3A_675 : vector<16xi32>
      %eq3A_677 = arith.constant -1 : i32
      %eq3A_678 = vector.broadcast %eq3A_677 : i32 to vector<16xi32>
      %eq3A_679 = arith.cmpi eq, %xor3A_676, %eq3A_678 : vector<16xi32>
      %jit3A_680 = arith.constant 0 : i32
      %broadcast_in_dim3A_681 = vector.broadcast %jit3A_680 : i32 to vector<16xi32>
      %select_n3A_682 = arith.select %eq3A_679, %broadcast_in_dim3A_681, %xor3A_676 : vector<16xi1>, vector<16xi32>
      %add3A_683 = arith.constant 176 : i32
      %add3A_684 = arith.addi %mul3A_425, %add3A_683 : i32
      %swap3A_685 = arith.index_cast %add3A_684 : i32 to index
      %swap3A_686 = tpu.vector_load %arg7[%swap3A_685] {strides = array<i32>} : memref<4096xi32, #tpu.memory_space<vmem>>, vector<16xi32>,
      tpu.vector_store %arg7[%swap3A_685], %select_n3A_682 {strides = array<i32>} : memref<4096xi32, #tpu.memory_space<vmem>>, vector<16xi32>,
      %add3A_687 = arith.constant 192 : i32
      %add3A_688 = arith.addi %mul3A_425, %add3A_687 : i32
      %get3A_689 = arith.index_cast %add3A_688 : i32 to index
      %get3A_690 = tpu.vector_load %arg6[%get3A_689] {strides = array<i32>} : memref<4096xf32, #tpu.memory_space<vmem>>, vector<16xf32>,
      %bitcast_convert_type3A_691 = tpu.bitcast %get3A_690 : vector<16xf32> -> vector<16xi32>
      %shift_right_arithmetic3A_692 = arith.constant 31 : i32
      %shift_right_arithmetic3A_693 = vector.broadcast %shift_right_arithmetic3A_692 : i32 to vector<16xi32>
      %shift_right_arithmetic3A_694 = arith.shrsi %bitcast_convert_type3A_691, %shift_right_arithmetic3A_693 : vector<16xi32>
      %and3A_695 = arith.constant 2147483647 : i32
      %and3A_696 = vector.broadcast %and3A_695 : i32 to vector<16xi32>
      %and3A_697 = arith.andi %shift_right_arithmetic3A_694, %and3A_696 : vector<16xi32>
      %xor3A_698 = arith.xori %bitcast_convert_type3A_691, %and3A_697 : vector<16xi32>
      %eq3A_699 = arith.constant -1 : i32
      %eq3A_700 = vector.broadcast %eq3A_699 : i32 to vector<16xi32>
      %eq3A_701 = arith.cmpi eq, %xor3A_698, %eq3A_700 : vector<16xi32>
      %jit3A_702 = arith.constant 0 : i32
      %broadcast_in_dim3A_703 = vector.broadcast %jit3A_702 : i32 to vector<16xi32>
      %select_n3A_704 = arith.select %eq3A_701, %broadcast_in_dim3A_703, %xor3A_698 : vector<16xi1>, vector<16xi32>
      %add3A_705 = arith.constant 192 : i32
      %add3A_706 = arith.addi %mul3A_425, %add3A_705 : i32
      %swap3A_707 = arith.index_cast %add3A_706 : i32 to index
      %swap3A_708 = tpu.vector_load %arg7[%swap3A_707] {strides = array<i32>} : memref<4096xi32, #tpu.memory_space<vmem>>, vector<16xi32>,
      tpu.vector_store %arg7[%swap3A_707], %select_n3A_704 {strides = array<i32>} : memref<4096xi32, #tpu.memory_space<vmem>>, vector<16xi32>,
      %add3A_709 = arith.constant 208 : i32
      %add3A_710 = arith.addi %mul3A_425, %add3A_709 : i32
      %get3A_711 = arith.index_cast %add3A_710 : i32 to index
      %get3A_712 = tpu.vector_load %arg6[%get3A_711] {strides = array<i32>} : memref<4096xf32, #tpu.memory_space<vmem>>, vector<16xf32>,
      %bitcast_convert_type3A_713 = tpu.bitcast %get3A_712 : vector<16xf32> -> vector<16xi32>
      %shift_right_arithmetic3A_714 = arith.constant 31 : i32
      %shift_right_arithmetic3A_715 = vector.broadcast %shift_right_arithmetic3A_714 : i32 to vector<16xi32>
      %shift_right_arithmetic3A_716 = arith.shrsi %bitcast_convert_type3A_713, %shift_right_arithmetic3A_715 : vector<16xi32>
      %and3A_717 = arith.constant 2147483647 : i32
      %and3A_718 = vector.broadcast %and3A_717 : i32 to vector<16xi32>
      %and3A_719 = arith.andi %shift_right_arithmetic3A_716, %and3A_718 : vector<16xi32>
      %xor3A_720 = arith.xori %bitcast_convert_type3A_713, %and3A_719 : vector<16xi32>
      %eq3A_721 = arith.constant -1 : i32
      %eq3A_722 = vector.broadcast %eq3A_721 : i32 to vector<16xi32>
      %eq3A_723 = arith.cmpi eq, %xor3A_720, %eq3A_722 : vector<16xi32>
      %jit3A_724 = arith.constant 0 : i32
      %broadcast_in_dim3A_725 = vector.broadcast %jit3A_724 : i32 to vector<16xi32>
      %select_n3A_726 = arith.select %eq3A_723, %broadcast_in_dim3A_725, %xor3A_720 : vector<16xi1>, vector<16xi32>
      %add3A_727 = arith.constant 208 : i32
      %add3A_728 = arith.addi %mul3A_425, %add3A_727 : i32
      %swap3A_729 = arith.index_cast %add3A_728 : i32 to index
      %swap3A_730 = tpu.vector_load %arg7[%swap3A_729] {strides = array<i32>} : memref<4096xi32, #tpu.memory_space<vmem>>, vector<16xi32>,
      tpu.vector_store %arg7[%swap3A_729], %select_n3A_726 {strides = array<i32>} : memref<4096xi32, #tpu.memory_space<vmem>>, vector<16xi32>,
      %add3A_731 = arith.constant 224 : i32
      %add3A_732 = arith.addi %mul3A_425, %add3A_731 : i32
      %get3A_733 = arith.index_cast %add3A_732 : i32 to index
      %get3A_734 = tpu.vector_load %arg6[%get3A_733] {strides = array<i32>} : memref<4096xf32, #tpu.memory_space<vmem>>, vector<16xf32>,
      %bitcast_convert_type3A_735 = tpu.bitcast %get3A_734 : vector<16xf32> -> vector<16xi32>
      %shift_right_arithmetic3A_736 = arith.constant 31 : i32
      %shift_right_arithmetic3A_737 = vector.broadcast %shift_right_arithmetic3A_736 : i32 to vector<16xi32>
      %shift_right_arithmetic3A_738 = arith.shrsi %bitcast_convert_type3A_735, %shift_right_arithmetic3A_737 : vector<16xi32>
      %and3A_739 = arith.constant 2147483647 : i32
      %and3A_740 = vector.broadcast %and3A_739 : i32 to vector<16xi32>
      %and3A_741 = arith.andi %shift_right_arithmetic3A_738, %and3A_740 : vector<16xi32>
      %xor3A_742 = arith.xori %bitcast_convert_type3A_735, %and3A_741 : vector<16xi32>
      %eq3A_743 = arith.constant -1 : i32
      %eq3A_744 = vector.broadcast %eq3A_743 : i32 to vector<16xi32>
      %eq3A_745 = arith.cmpi eq, %xor3A_742, %eq3A_744 : vector<16xi32>
      %jit3A_746 = arith.constant 0 : i32
      %broadcast_in_dim3A_747 = vector.broadcast %jit3A_746 : i32 to vector<16xi32>
      %select_n3A_748 = arith.select %eq3A_745, %broadcast_in_dim3A_747, %xor3A_742 : vector<16xi1>, vector<16xi32>
      %add3A_749 = arith.constant 224 : i32
      %add3A_750 = arith.addi %mul3A_425, %add3A_749 : i32
      %swap3A_751 = arith.index_cast %add3A_750 : i32 to index
      %swap3A_752 = tpu.vector_load %arg7[%swap3A_751] {strides = array<i32>} : memref<4096xi32, #tpu.memory_space<vmem>>, vector<16xi32>,
      tpu.vector_store %arg7[%swap3A_751], %select_n3A_748 {strides = array<i32>} : memref<4096xi32, #tpu.memory_space<vmem>>, vector<16xi32>,
      %add3A_753 = arith.constant 240 : i32
      %add3A_754 = arith.addi %mul3A_425, %add3A_753 : i32
      %get3A_755 = arith.index_cast %add3A_754 : i32 to index
      %get3A_756 = tpu.vector_load %arg6[%get3A_755] {strides = array<i32>} : memref<4096xf32, #tpu.memory_space<vmem>>, vector<16xf32>,
      %bitcast_convert_type3A_757 = tpu.bitcast %get3A_756 : vector<16xf32> -> vector<16xi32>
      %shift_right_arithmetic3A_758 = arith.constant 31 : i32
      %shift_right_arithmetic3A_759 = vector.broadcast %shift_right_arithmetic3A_758 : i32 to vector<16xi32>
      %shift_right_arithmetic3A_760 = arith.shrsi %bitcast_convert_type3A_757, %shift_right_arithmetic3A_759 : vector<16xi32>
      %and3A_761 = arith.constant 2147483647 : i32
      %and3A_762 = vector.broadcast %and3A_761 : i32 to vector<16xi32>
      %and3A_763 = arith.andi %shift_right_arithmetic3A_760, %and3A_762 : vector<16xi32>
      %xor3A_764 = arith.xori %bitcast_convert_type3A_757, %and3A_763 : vector<16xi32>
      %eq3A_765 = arith.constant -1 : i32
      %eq3A_766 = vector.broadcast %eq3A_765 : i32 to vector<16xi32>
      %eq3A_767 = arith.cmpi eq, %xor3A_764, %eq3A_766 : vector<16xi32>
      %jit3A_768 = arith.constant 0 : i32
      %broadcast_in_dim3A_769 = vector.broadcast %jit3A_768 : i32 to vector<16xi32>
      %select_n3A_770 = arith.select %eq3A_767, %broadcast_in_dim3A_769, %xor3A_764 : vector<16xi1>, vector<16xi32>
      %add3A_771 = arith.constant 240 : i32
      %add3A_772 = arith.addi %mul3A_425, %add3A_771 : i32
      %swap3A_773 = arith.index_cast %add3A_772 : i32 to index
      %swap3A_774 = tpu.vector_load %arg7[%swap3A_773] {strides = array<i32>} : memref<4096xi32, #tpu.memory_space<vmem>>, vector<16xi32>,
      tpu.vector_store %arg7[%swap3A_773], %select_n3A_770 {strides = array<i32>} : memref<4096xi32, #tpu.memory_space<vmem>>, vector<16xi32>,
    }
    %scan3A_35 = arith.constant 16 : i32
    %scan3A_36 = arith.constant 0 : i32
    %scan3A_37 = arith.constant 0 : i32
    %scan3A_38 = arith.constant 32 : i32
    %scan3A_39 = arith.addi %scan3A_37, %scan3A_38 : i32
    %scan3A_40 = arith.constant 1 : i32
    %scan3A_41 = scf.for %scan3A_423 = %scan3A_37 to %scan3A_39 step %scan3A_40 iter_args(%scan3A_424 = %scan3A_36) -> (i32)  : i32 {
      %sub3A_425 = arith.constant 31 : i32
      %sub3A_426 = arith.subi %sub3A_425, %scan3A_423 : i32
      %shift_left3A = arith.constant 1 : i32
      %shift_left3A_427 = arith.shli %shift_left3A, %sub3A_426 : i32
      %or3A = arith.ori %scan3A_424, %shift_left3A_427 : i32
      %xor3A_428 = arith.constant -2147483648 : i32
      %xor3A_429 = arith.xori %or3A, %xor3A_428 : i32
      %broadcast_in_dim3A_430 = arith.constant 0 : i32
      %broadcast_in_dim3A_431 = vector.broadcast %broadcast_in_dim3A_430 : i32 to vector<16xi32>
      %scan3A_432 = arith.constant 0 : i32
      %scan3A_433 = arith.constant 16 : i32
      %scan3A_434 = arith.addi %scan3A_432, %scan3A_433 : i32
      %scan3A_435 = arith.constant 1 : i32
      %scan3A_436 = scf.for %scan3A_444 = %scan3A_432 to %scan3A_434 step %scan3A_435 iter_args(%scan3A_445 = %broadcast_in_dim3A_431) -> (vector<16xi32>)  : i32 {
        %mul3A_446 = arith.constant 256 : i32
        %mul3A_447 = arith.muli %scan3A_444, %mul3A_446 : i32
        %add3A_448 = arith.constant 0 : i32
        %add3A_449 = arith.addi %mul3A_447, %add3A_448 : i32
        %get3A_450 = arith.index_cast %add3A_449 : i32 to index
        %get3A_451 = tpu.vector_load %arg7[%get3A_450] {strides = array<i32>} : memref<4096xi32, #tpu.memory_space<vmem>>, vector<16xi32>,
        %ge3A_452 = vector.broadcast %xor3A_429 : i32 to vector<16xi32>
        %ge3A_453 = arith.cmpi sge, %get3A_451, %ge3A_452 : vector<16xi32>
        %jit3A_454 = arith.constant 1 : i32
        %jit3A_455 = arith.constant 0 : i32
        %broadcast_in_dim3A_456 = vector.broadcast %jit3A_454 : i32 to vector<16xi32>
        %broadcast_in_dim3A_457 = vector.broadcast %jit3A_455 : i32 to vector<16xi32>
        %select_n3A_458 = arith.select %ge3A_453, %broadcast_in_dim3A_456, %broadcast_in_dim3A_457 : vector<16xi1>, vector<16xi32>
        %add3A_459 = arith.addi %scan3A_445, %select_n3A_458 : vector<16xi32>
        %add3A_460 = arith.constant 16 : i32
        %add3A_461 = arith.addi %mul3A_447, %add3A_460 : i32
        %get3A_462 = arith.index_cast %add3A_461 : i32 to index
        %get3A_463 = tpu.vector_load %arg7[%get3A_462] {strides = array<i32>} : memref<4096xi32, #tpu.memory_space<vmem>>, vector<16xi32>,
        %ge3A_464 = vector.broadcast %xor3A_429 : i32 to vector<16xi32>
        %ge3A_465 = arith.cmpi sge, %get3A_463, %ge3A_464 : vector<16xi32>
        %jit3A_466 = arith.constant 1 : i32
        %jit3A_467 = arith.constant 0 : i32
        %broadcast_in_dim3A_468 = vector.broadcast %jit3A_466 : i32 to vector<16xi32>
        %broadcast_in_dim3A_469 = vector.broadcast %jit3A_467 : i32 to vector<16xi32>
        %select_n3A_470 = arith.select %ge3A_465, %broadcast_in_dim3A_468, %broadcast_in_dim3A_469 : vector<16xi1>, vector<16xi32>
        %add3A_471 = arith.addi %add3A_459, %select_n3A_470 : vector<16xi32>
        %add3A_472 = arith.constant 32 : i32
        %add3A_473 = arith.addi %mul3A_447, %add3A_472 : i32
        %get3A_474 = arith.index_cast %add3A_473 : i32 to index
        %get3A_475 = tpu.vector_load %arg7[%get3A_474] {strides = array<i32>} : memref<4096xi32, #tpu.memory_space<vmem>>, vector<16xi32>,
        %ge3A_476 = vector.broadcast %xor3A_429 : i32 to vector<16xi32>
        %ge3A_477 = arith.cmpi sge, %get3A_475, %ge3A_476 : vector<16xi32>
        %jit3A_478 = arith.constant 1 : i32
        %jit3A_479 = arith.constant 0 : i32
        %broadcast_in_dim3A_480 = vector.broadcast %jit3A_478 : i32 to vector<16xi32>
        %broadcast_in_dim3A_481 = vector.broadcast %jit3A_479 : i32 to vector<16xi32>
        %select_n3A_482 = arith.select %ge3A_477, %broadcast_in_dim3A_480, %broadcast_in_dim3A_481 : vector<16xi1>, vector<16xi32>
        %add3A_483 = arith.addi %add3A_471, %select_n3A_482 : vector<16xi32>
        %add3A_484 = arith.constant 48 : i32
        %add3A_485 = arith.addi %mul3A_447, %add3A_484 : i32
        %get3A_486 = arith.index_cast %add3A_485 : i32 to index
        %get3A_487 = tpu.vector_load %arg7[%get3A_486] {strides = array<i32>} : memref<4096xi32, #tpu.memory_space<vmem>>, vector<16xi32>,
        %ge3A_488 = vector.broadcast %xor3A_429 : i32 to vector<16xi32>
        %ge3A_489 = arith.cmpi sge, %get3A_487, %ge3A_488 : vector<16xi32>
        %jit3A_490 = arith.constant 1 : i32
        %jit3A_491 = arith.constant 0 : i32
        %broadcast_in_dim3A_492 = vector.broadcast %jit3A_490 : i32 to vector<16xi32>
        %broadcast_in_dim3A_493 = vector.broadcast %jit3A_491 : i32 to vector<16xi32>
        %select_n3A_494 = arith.select %ge3A_489, %broadcast_in_dim3A_492, %broadcast_in_dim3A_493 : vector<16xi1>, vector<16xi32>
        %add3A_495 = arith.addi %add3A_483, %select_n3A_494 : vector<16xi32>
        %add3A_496 = arith.constant 64 : i32
        %add3A_497 = arith.addi %mul3A_447, %add3A_496 : i32
        %get3A_498 = arith.index_cast %add3A_497 : i32 to index
        %get3A_499 = tpu.vector_load %arg7[%get3A_498] {strides = array<i32>} : memref<4096xi32, #tpu.memory_space<vmem>>, vector<16xi32>,
        %ge3A_500 = vector.broadcast %xor3A_429 : i32 to vector<16xi32>
        %ge3A_501 = arith.cmpi sge, %get3A_499, %ge3A_500 : vector<16xi32>
        %jit3A_502 = arith.constant 1 : i32
        %jit3A_503 = arith.constant 0 : i32
        %broadcast_in_dim3A_504 = vector.broadcast %jit3A_502 : i32 to vector<16xi32>
        %broadcast_in_dim3A_505 = vector.broadcast %jit3A_503 : i32 to vector<16xi32>
        %select_n3A_506 = arith.select %ge3A_501, %broadcast_in_dim3A_504, %broadcast_in_dim3A_505 : vector<16xi1>, vector<16xi32>
        %add3A_507 = arith.addi %add3A_495, %select_n3A_506 : vector<16xi32>
        %add3A_508 = arith.constant 80 : i32
        %add3A_509 = arith.addi %mul3A_447, %add3A_508 : i32
        %get3A_510 = arith.index_cast %add3A_509 : i32 to index
        %get3A_511 = tpu.vector_load %arg7[%get3A_510] {strides = array<i32>} : memref<4096xi32, #tpu.memory_space<vmem>>, vector<16xi32>,
        %ge3A_512 = vector.broadcast %xor3A_429 : i32 to vector<16xi32>
        %ge3A_513 = arith.cmpi sge, %get3A_511, %ge3A_512 : vector<16xi32>
        %jit3A_514 = arith.constant 1 : i32
        %jit3A_515 = arith.constant 0 : i32
        %broadcast_in_dim3A_516 = vector.broadcast %jit3A_514 : i32 to vector<16xi32>
        %broadcast_in_dim3A_517 = vector.broadcast %jit3A_515 : i32 to vector<16xi32>
        %select_n3A_518 = arith.select %ge3A_513, %broadcast_in_dim3A_516, %broadcast_in_dim3A_517 : vector<16xi1>, vector<16xi32>
        %add3A_519 = arith.addi %add3A_507, %select_n3A_518 : vector<16xi32>
        %add3A_520 = arith.constant 96 : i32
        %add3A_521 = arith.addi %mul3A_447, %add3A_520 : i32
        %get3A_522 = arith.index_cast %add3A_521 : i32 to index
        %get3A_523 = tpu.vector_load %arg7[%get3A_522] {strides = array<i32>} : memref<4096xi32, #tpu.memory_space<vmem>>, vector<16xi32>,
        %ge3A_524 = vector.broadcast %xor3A_429 : i32 to vector<16xi32>
        %ge3A_525 = arith.cmpi sge, %get3A_523, %ge3A_524 : vector<16xi32>
        %jit3A_526 = arith.constant 1 : i32
        %jit3A_527 = arith.constant 0 : i32
        %broadcast_in_dim3A_528 = vector.broadcast %jit3A_526 : i32 to vector<16xi32>
        %broadcast_in_dim3A_529 = vector.broadcast %jit3A_527 : i32 to vector<16xi32>
        %select_n3A_530 = arith.select %ge3A_525, %broadcast_in_dim3A_528, %broadcast_in_dim3A_529 : vector<16xi1>, vector<16xi32>
        %add3A_531 = arith.addi %add3A_519, %select_n3A_530 : vector<16xi32>
        %add3A_532 = arith.constant 112 : i32
        %add3A_533 = arith.addi %mul3A_447, %add3A_532 : i32
        %get3A_534 = arith.index_cast %add3A_533 : i32 to index
        %get3A_535 = tpu.vector_load %arg7[%get3A_534] {strides = array<i32>} : memref<4096xi32, #tpu.memory_space<vmem>>, vector<16xi32>,
        %ge3A_536 = vector.broadcast %xor3A_429 : i32 to vector<16xi32>
        %ge3A_537 = arith.cmpi sge, %get3A_535, %ge3A_536 : vector<16xi32>
        %jit3A_538 = arith.constant 1 : i32
        %jit3A_539 = arith.constant 0 : i32
        %broadcast_in_dim3A_540 = vector.broadcast %jit3A_538 : i32 to vector<16xi32>
        %broadcast_in_dim3A_541 = vector.broadcast %jit3A_539 : i32 to vector<16xi32>
        %select_n3A_542 = arith.select %ge3A_537, %broadcast_in_dim3A_540, %broadcast_in_dim3A_541 : vector<16xi1>, vector<16xi32>
        %add3A_543 = arith.addi %add3A_531, %select_n3A_542 : vector<16xi32>
        %add3A_544 = arith.constant 128 : i32
        %add3A_545 = arith.addi %mul3A_447, %add3A_544 : i32
        %get3A_546 = arith.index_cast %add3A_545 : i32 to index
        %get3A_547 = tpu.vector_load %arg7[%get3A_546] {strides = array<i32>} : memref<4096xi32, #tpu.memory_space<vmem>>, vector<16xi32>,
        %ge3A_548 = vector.broadcast %xor3A_429 : i32 to vector<16xi32>
        %ge3A_549 = arith.cmpi sge, %get3A_547, %ge3A_548 : vector<16xi32>
        %jit3A_550 = arith.constant 1 : i32
        %jit3A_551 = arith.constant 0 : i32
        %broadcast_in_dim3A_552 = vector.broadcast %jit3A_550 : i32 to vector<16xi32>
        %broadcast_in_dim3A_553 = vector.broadcast %jit3A_551 : i32 to vector<16xi32>
        %select_n3A_554 = arith.select %ge3A_549, %broadcast_in_dim3A_552, %broadcast_in_dim3A_553 : vector<16xi1>, vector<16xi32>
        %add3A_555 = arith.addi %add3A_543, %select_n3A_554 : vector<16xi32>
        %add3A_556 = arith.constant 144 : i32
        %add3A_557 = arith.addi %mul3A_447, %add3A_556 : i32
        %get3A_558 = arith.index_cast %add3A_557 : i32 to index
        %get3A_559 = tpu.vector_load %arg7[%get3A_558] {strides = array<i32>} : memref<4096xi32, #tpu.memory_space<vmem>>, vector<16xi32>,
        %ge3A_560 = vector.broadcast %xor3A_429 : i32 to vector<16xi32>
        %ge3A_561 = arith.cmpi sge, %get3A_559, %ge3A_560 : vector<16xi32>
        %jit3A_562 = arith.constant 1 : i32
        %jit3A_563 = arith.constant 0 : i32
        %broadcast_in_dim3A_564 = vector.broadcast %jit3A_562 : i32 to vector<16xi32>
        %broadcast_in_dim3A_565 = vector.broadcast %jit3A_563 : i32 to vector<16xi32>
        %select_n3A_566 = arith.select %ge3A_561, %broadcast_in_dim3A_564, %broadcast_in_dim3A_565 : vector<16xi1>, vector<16xi32>
        %add3A_567 = arith.addi %add3A_555, %select_n3A_566 : vector<16xi32>
        %add3A_568 = arith.constant 160 : i32
        %add3A_569 = arith.addi %mul3A_447, %add3A_568 : i32
        %get3A_570 = arith.index_cast %add3A_569 : i32 to index
        %get3A_571 = tpu.vector_load %arg7[%get3A_570] {strides = array<i32>} : memref<4096xi32, #tpu.memory_space<vmem>>, vector<16xi32>,
        %ge3A_572 = vector.broadcast %xor3A_429 : i32 to vector<16xi32>
        %ge3A_573 = arith.cmpi sge, %get3A_571, %ge3A_572 : vector<16xi32>
        %jit3A_574 = arith.constant 1 : i32
        %jit3A_575 = arith.constant 0 : i32
        %broadcast_in_dim3A_576 = vector.broadcast %jit3A_574 : i32 to vector<16xi32>
        %broadcast_in_dim3A_577 = vector.broadcast %jit3A_575 : i32 to vector<16xi32>
        %select_n3A_578 = arith.select %ge3A_573, %broadcast_in_dim3A_576, %broadcast_in_dim3A_577 : vector<16xi1>, vector<16xi32>
        %add3A_579 = arith.addi %add3A_567, %select_n3A_578 : vector<16xi32>
        %add3A_580 = arith.constant 176 : i32
        %add3A_581 = arith.addi %mul3A_447, %add3A_580 : i32
        %get3A_582 = arith.index_cast %add3A_581 : i32 to index
        %get3A_583 = tpu.vector_load %arg7[%get3A_582] {strides = array<i32>} : memref<4096xi32, #tpu.memory_space<vmem>>, vector<16xi32>,
        %ge3A_584 = vector.broadcast %xor3A_429 : i32 to vector<16xi32>
        %ge3A_585 = arith.cmpi sge, %get3A_583, %ge3A_584 : vector<16xi32>
        %jit3A_586 = arith.constant 1 : i32
        %jit3A_587 = arith.constant 0 : i32
        %broadcast_in_dim3A_588 = vector.broadcast %jit3A_586 : i32 to vector<16xi32>
        %broadcast_in_dim3A_589 = vector.broadcast %jit3A_587 : i32 to vector<16xi32>
        %select_n3A_590 = arith.select %ge3A_585, %broadcast_in_dim3A_588, %broadcast_in_dim3A_589 : vector<16xi1>, vector<16xi32>
        %add3A_591 = arith.addi %add3A_579, %select_n3A_590 : vector<16xi32>
        %add3A_592 = arith.constant 192 : i32
        %add3A_593 = arith.addi %mul3A_447, %add3A_592 : i32
        %get3A_594 = arith.index_cast %add3A_593 : i32 to index
        %get3A_595 = tpu.vector_load %arg7[%get3A_594] {strides = array<i32>} : memref<4096xi32, #tpu.memory_space<vmem>>, vector<16xi32>,
        %ge3A_596 = vector.broadcast %xor3A_429 : i32 to vector<16xi32>
        %ge3A_597 = arith.cmpi sge, %get3A_595, %ge3A_596 : vector<16xi32>
        %jit3A_598 = arith.constant 1 : i32
        %jit3A_599 = arith.constant 0 : i32
        %broadcast_in_dim3A_600 = vector.broadcast %jit3A_598 : i32 to vector<16xi32>
        %broadcast_in_dim3A_601 = vector.broadcast %jit3A_599 : i32 to vector<16xi32>
        %select_n3A_602 = arith.select %ge3A_597, %broadcast_in_dim3A_600, %broadcast_in_dim3A_601 : vector<16xi1>, vector<16xi32>
        %add3A_603 = arith.addi %add3A_591, %select_n3A_602 : vector<16xi32>
        %add3A_604 = arith.constant 208 : i32
        %add3A_605 = arith.addi %mul3A_447, %add3A_604 : i32
        %get3A_606 = arith.index_cast %add3A_605 : i32 to index
        %get3A_607 = tpu.vector_load %arg7[%get3A_606] {strides = array<i32>} : memref<4096xi32, #tpu.memory_space<vmem>>, vector<16xi32>,
        %ge3A_608 = vector.broadcast %xor3A_429 : i32 to vector<16xi32>
        %ge3A_609 = arith.cmpi sge, %get3A_607, %ge3A_608 : vector<16xi32>
        %jit3A_610 = arith.constant 1 : i32
        %jit3A_611 = arith.constant 0 : i32
        %broadcast_in_dim3A_612 = vector.broadcast %jit3A_610 : i32 to vector<16xi32>
        %broadcast_in_dim3A_613 = vector.broadcast %jit3A_611 : i32 to vector<16xi32>
        %select_n3A_614 = arith.select %ge3A_609, %broadcast_in_dim3A_612, %broadcast_in_dim3A_613 : vector<16xi1>, vector<16xi32>
        %add3A_615 = arith.addi %add3A_603, %select_n3A_614 : vector<16xi32>
        %add3A_616 = arith.constant 224 : i32
        %add3A_617 = arith.addi %mul3A_447, %add3A_616 : i32
        %get3A_618 = arith.index_cast %add3A_617 : i32 to index
        %get3A_619 = tpu.vector_load %arg7[%get3A_618] {strides = array<i32>} : memref<4096xi32, #tpu.memory_space<vmem>>, vector<16xi32>,
        %ge3A_620 = vector.broadcast %xor3A_429 : i32 to vector<16xi32>
        %ge3A_621 = arith.cmpi sge, %get3A_619, %ge3A_620 : vector<16xi32>
        %jit3A_622 = arith.constant 1 : i32
        %jit3A_623 = arith.constant 0 : i32
        %broadcast_in_dim3A_624 = vector.broadcast %jit3A_622 : i32 to vector<16xi32>
        %broadcast_in_dim3A_625 = vector.broadcast %jit3A_623 : i32 to vector<16xi32>
        %select_n3A_626 = arith.select %ge3A_621, %broadcast_in_dim3A_624, %broadcast_in_dim3A_625 : vector<16xi1>, vector<16xi32>
        %add3A_627 = arith.addi %add3A_615, %select_n3A_626 : vector<16xi32>
        %add3A_628 = arith.constant 240 : i32
        %add3A_629 = arith.addi %mul3A_447, %add3A_628 : i32
        %get3A_630 = arith.index_cast %add3A_629 : i32 to index
        %get3A_631 = tpu.vector_load %arg7[%get3A_630] {strides = array<i32>} : memref<4096xi32, #tpu.memory_space<vmem>>, vector<16xi32>,
        %ge3A_632 = vector.broadcast %xor3A_429 : i32 to vector<16xi32>
        %ge3A_633 = arith.cmpi sge, %get3A_631, %ge3A_632 : vector<16xi32>
        %jit3A_634 = arith.constant 1 : i32
        %jit3A_635 = arith.constant 0 : i32
        %broadcast_in_dim3A_636 = vector.broadcast %jit3A_634 : i32 to vector<16xi32>
        %broadcast_in_dim3A_637 = vector.broadcast %jit3A_635 : i32 to vector<16xi32>
        %select_n3A_638 = arith.select %ge3A_633, %broadcast_in_dim3A_636, %broadcast_in_dim3A_637 : vector<16xi1>, vector<16xi32>
        %add3A_639 = arith.addi %add3A_627, %select_n3A_638 : vector<16xi32>
        scf.yield %add3A_639 : vector<16xi32>
      }
      %scan3A_437 = arith.constant 16 : i32
      %reduce_sum3A_438 = arith.constant true
      %reduce_sum3A_439 = vector.broadcast %reduce_sum3A_438 : i1 to vector<16xi1>
      %reduce_sum3A_440 = tpu.scan <sum>, %scan3A_436 masked %reduce_sum3A_439 : vector<16xi32>, vector<16xi1> -> vector<16xi32>
      %reduce_sum3A_441 = vector.extract %reduce_sum3A_440[15] : i32 from vector<16xi32>
      %ge3A = arith.constant 2048 : i32
      %ge3A_442 = arith.cmpi sge, %reduce_sum3A_441, %ge3A : i32
      %select_n3A_443 = arith.select %ge3A_442, %or3A, %scan3A_424 : i32
      scf.yield %select_n3A_443 : i32
    }
    %scan3A_42 = arith.constant 32 : i32
    %xor3A = arith.constant -2147483648 : i32
    %xor3A_43 = arith.xori %scan3A_41, %xor3A : i32
    %broadcast_in_dim3A = arith.constant 0 : i32
    %broadcast_in_dim3A_44 = vector.broadcast %broadcast_in_dim3A : i32 to vector<16xi32>
    %scan3A_45 = arith.constant 0 : i32
    %scan3A_46 = arith.constant 16 : i32
    %scan3A_47 = arith.addi %scan3A_45, %scan3A_46 : i32
    %scan3A_48 = arith.constant 1 : i32
    %scan3A_49 = scf.for %scan3A_423 = %scan3A_45 to %scan3A_47 step %scan3A_48 iter_args(%scan3A_424 = %broadcast_in_dim3A_44) -> (vector<16xi32>)  : i32 {
      %mul3A_425 = arith.constant 256 : i32
      %mul3A_426 = arith.muli %scan3A_423, %mul3A_425 : i32
      %add3A_427 = arith.constant 0 : i32
      %add3A_428 = arith.addi %mul3A_426, %add3A_427 : i32
      %get3A_429 = arith.index_cast %add3A_428 : i32 to index
      %get3A_430 = tpu.vector_load %arg7[%get3A_429] {strides = array<i32>} : memref<4096xi32, #tpu.memory_space<vmem>>, vector<16xi32>,
      %gt3A = vector.broadcast %xor3A_43 : i32 to vector<16xi32>
      %gt3A_431 = arith.cmpi sgt, %get3A_430, %gt3A : vector<16xi32>
      %jit3A_432 = arith.constant 1 : i32
      %jit3A_433 = arith.constant 0 : i32
      %broadcast_in_dim3A_434 = vector.broadcast %jit3A_432 : i32 to vector<16xi32>
      %broadcast_in_dim3A_435 = vector.broadcast %jit3A_433 : i32 to vector<16xi32>
      %select_n3A_436 = arith.select %gt3A_431, %broadcast_in_dim3A_434, %broadcast_in_dim3A_435 : vector<16xi1>, vector<16xi32>
      %add3A_437 = arith.addi %scan3A_424, %select_n3A_436 : vector<16xi32>
      %add3A_438 = arith.constant 16 : i32
      %add3A_439 = arith.addi %mul3A_426, %add3A_438 : i32
      %get3A_440 = arith.index_cast %add3A_439 : i32 to index
      %get3A_441 = tpu.vector_load %arg7[%get3A_440] {strides = array<i32>} : memref<4096xi32, #tpu.memory_space<vmem>>, vector<16xi32>,
      %gt3A_442 = vector.broadcast %xor3A_43 : i32 to vector<16xi32>
      %gt3A_443 = arith.cmpi sgt, %get3A_441, %gt3A_442 : vector<16xi32>
      %jit3A_444 = arith.constant 1 : i32
      %jit3A_445 = arith.constant 0 : i32
      %broadcast_in_dim3A_446 = vector.broadcast %jit3A_444 : i32 to vector<16xi32>
      %broadcast_in_dim3A_447 = vector.broadcast %jit3A_445 : i32 to vector<16xi32>
      %select_n3A_448 = arith.select %gt3A_443, %broadcast_in_dim3A_446, %broadcast_in_dim3A_447 : vector<16xi1>, vector<16xi32>
      %add3A_449 = arith.addi %add3A_437, %select_n3A_448 : vector<16xi32>
      %add3A_450 = arith.constant 32 : i32
      %add3A_451 = arith.addi %mul3A_426, %add3A_450 : i32
      %get3A_452 = arith.index_cast %add3A_451 : i32 to index
      %get3A_453 = tpu.vector_load %arg7[%get3A_452] {strides = array<i32>} : memref<4096xi32, #tpu.memory_space<vmem>>, vector<16xi32>,
      %gt3A_454 = vector.broadcast %xor3A_43 : i32 to vector<16xi32>
      %gt3A_455 = arith.cmpi sgt, %get3A_453, %gt3A_454 : vector<16xi32>
      %jit3A_456 = arith.constant 1 : i32
      %jit3A_457 = arith.constant 0 : i32
      %broadcast_in_dim3A_458 = vector.broadcast %jit3A_456 : i32 to vector<16xi32>
      %broadcast_in_dim3A_459 = vector.broadcast %jit3A_457 : i32 to vector<16xi32>
      %select_n3A_460 = arith.select %gt3A_455, %broadcast_in_dim3A_458, %broadcast_in_dim3A_459 : vector<16xi1>, vector<16xi32>
      %add3A_461 = arith.addi %add3A_449, %select_n3A_460 : vector<16xi32>
      %add3A_462 = arith.constant 48 : i32
      %add3A_463 = arith.addi %mul3A_426, %add3A_462 : i32
      %get3A_464 = arith.index_cast %add3A_463 : i32 to index
      %get3A_465 = tpu.vector_load %arg7[%get3A_464] {strides = array<i32>} : memref<4096xi32, #tpu.memory_space<vmem>>, vector<16xi32>,
      %gt3A_466 = vector.broadcast %xor3A_43 : i32 to vector<16xi32>
      %gt3A_467 = arith.cmpi sgt, %get3A_465, %gt3A_466 : vector<16xi32>
      %jit3A_468 = arith.constant 1 : i32
      %jit3A_469 = arith.constant 0 : i32
      %broadcast_in_dim3A_470 = vector.broadcast %jit3A_468 : i32 to vector<16xi32>
      %broadcast_in_dim3A_471 = vector.broadcast %jit3A_469 : i32 to vector<16xi32>
      %select_n3A_472 = arith.select %gt3A_467, %broadcast_in_dim3A_470, %broadcast_in_dim3A_471 : vector<16xi1>, vector<16xi32>
      %add3A_473 = arith.addi %add3A_461, %select_n3A_472 : vector<16xi32>
      %add3A_474 = arith.constant 64 : i32
      %add3A_475 = arith.addi %mul3A_426, %add3A_474 : i32
      %get3A_476 = arith.index_cast %add3A_475 : i32 to index
      %get3A_477 = tpu.vector_load %arg7[%get3A_476] {strides = array<i32>} : memref<4096xi32, #tpu.memory_space<vmem>>, vector<16xi32>,
      %gt3A_478 = vector.broadcast %xor3A_43 : i32 to vector<16xi32>
      %gt3A_479 = arith.cmpi sgt, %get3A_477, %gt3A_478 : vector<16xi32>
      %jit3A_480 = arith.constant 1 : i32
      %jit3A_481 = arith.constant 0 : i32
      %broadcast_in_dim3A_482 = vector.broadcast %jit3A_480 : i32 to vector<16xi32>
      %broadcast_in_dim3A_483 = vector.broadcast %jit3A_481 : i32 to vector<16xi32>
      %select_n3A_484 = arith.select %gt3A_479, %broadcast_in_dim3A_482, %broadcast_in_dim3A_483 : vector<16xi1>, vector<16xi32>
      %add3A_485 = arith.addi %add3A_473, %select_n3A_484 : vector<16xi32>
      %add3A_486 = arith.constant 80 : i32
      %add3A_487 = arith.addi %mul3A_426, %add3A_486 : i32
      %get3A_488 = arith.index_cast %add3A_487 : i32 to index
      %get3A_489 = tpu.vector_load %arg7[%get3A_488] {strides = array<i32>} : memref<4096xi32, #tpu.memory_space<vmem>>, vector<16xi32>,
      %gt3A_490 = vector.broadcast %xor3A_43 : i32 to vector<16xi32>
      %gt3A_491 = arith.cmpi sgt, %get3A_489, %gt3A_490 : vector<16xi32>
      %jit3A_492 = arith.constant 1 : i32
      %jit3A_493 = arith.constant 0 : i32
      %broadcast_in_dim3A_494 = vector.broadcast %jit3A_492 : i32 to vector<16xi32>
      %broadcast_in_dim3A_495 = vector.broadcast %jit3A_493 : i32 to vector<16xi32>
      %select_n3A_496 = arith.select %gt3A_491, %broadcast_in_dim3A_494, %broadcast_in_dim3A_495 : vector<16xi1>, vector<16xi32>
      %add3A_497 = arith.addi %add3A_485, %select_n3A_496 : vector<16xi32>
      %add3A_498 = arith.constant 96 : i32
      %add3A_499 = arith.addi %mul3A_426, %add3A_498 : i32
      %get3A_500 = arith.index_cast %add3A_499 : i32 to index
      %get3A_501 = tpu.vector_load %arg7[%get3A_500] {strides = array<i32>} : memref<4096xi32, #tpu.memory_space<vmem>>, vector<16xi32>,
      %gt3A_502 = vector.broadcast %xor3A_43 : i32 to vector<16xi32>
      %gt3A_503 = arith.cmpi sgt, %get3A_501, %gt3A_502 : vector<16xi32>
      %jit3A_504 = arith.constant 1 : i32
      %jit3A_505 = arith.constant 0 : i32
      %broadcast_in_dim3A_506 = vector.broadcast %jit3A_504 : i32 to vector<16xi32>
      %broadcast_in_dim3A_507 = vector.broadcast %jit3A_505 : i32 to vector<16xi32>
      %select_n3A_508 = arith.select %gt3A_503, %broadcast_in_dim3A_506, %broadcast_in_dim3A_507 : vector<16xi1>, vector<16xi32>
      %add3A_509 = arith.addi %add3A_497, %select_n3A_508 : vector<16xi32>
      %add3A_510 = arith.constant 112 : i32
      %add3A_511 = arith.addi %mul3A_426, %add3A_510 : i32
      %get3A_512 = arith.index_cast %add3A_511 : i32 to index
      %get3A_513 = tpu.vector_load %arg7[%get3A_512] {strides = array<i32>} : memref<4096xi32, #tpu.memory_space<vmem>>, vector<16xi32>,
      %gt3A_514 = vector.broadcast %xor3A_43 : i32 to vector<16xi32>
      %gt3A_515 = arith.cmpi sgt, %get3A_513, %gt3A_514 : vector<16xi32>
      %jit3A_516 = arith.constant 1 : i32
      %jit3A_517 = arith.constant 0 : i32
      %broadcast_in_dim3A_518 = vector.broadcast %jit3A_516 : i32 to vector<16xi32>
      %broadcast_in_dim3A_519 = vector.broadcast %jit3A_517 : i32 to vector<16xi32>
      %select_n3A_520 = arith.select %gt3A_515, %broadcast_in_dim3A_518, %broadcast_in_dim3A_519 : vector<16xi1>, vector<16xi32>
      %add3A_521 = arith.addi %add3A_509, %select_n3A_520 : vector<16xi32>
      %add3A_522 = arith.constant 128 : i32
      %add3A_523 = arith.addi %mul3A_426, %add3A_522 : i32
      %get3A_524 = arith.index_cast %add3A_523 : i32 to index
      %get3A_525 = tpu.vector_load %arg7[%get3A_524] {strides = array<i32>} : memref<4096xi32, #tpu.memory_space<vmem>>, vector<16xi32>,
      %gt3A_526 = vector.broadcast %xor3A_43 : i32 to vector<16xi32>
      %gt3A_527 = arith.cmpi sgt, %get3A_525, %gt3A_526 : vector<16xi32>
      %jit3A_528 = arith.constant 1 : i32
      %jit3A_529 = arith.constant 0 : i32
      %broadcast_in_dim3A_530 = vector.broadcast %jit3A_528 : i32 to vector<16xi32>
      %broadcast_in_dim3A_531 = vector.broadcast %jit3A_529 : i32 to vector<16xi32>
      %select_n3A_532 = arith.select %gt3A_527, %broadcast_in_dim3A_530, %broadcast_in_dim3A_531 : vector<16xi1>, vector<16xi32>
      %add3A_533 = arith.addi %add3A_521, %select_n3A_532 : vector<16xi32>
      %add3A_534 = arith.constant 144 : i32
      %add3A_535 = arith.addi %mul3A_426, %add3A_534 : i32
      %get3A_536 = arith.index_cast %add3A_535 : i32 to index
      %get3A_537 = tpu.vector_load %arg7[%get3A_536] {strides = array<i32>} : memref<4096xi32, #tpu.memory_space<vmem>>, vector<16xi32>,
      %gt3A_538 = vector.broadcast %xor3A_43 : i32 to vector<16xi32>
      %gt3A_539 = arith.cmpi sgt, %get3A_537, %gt3A_538 : vector<16xi32>
      %jit3A_540 = arith.constant 1 : i32
      %jit3A_541 = arith.constant 0 : i32
      %broadcast_in_dim3A_542 = vector.broadcast %jit3A_540 : i32 to vector<16xi32>
      %broadcast_in_dim3A_543 = vector.broadcast %jit3A_541 : i32 to vector<16xi32>
      %select_n3A_544 = arith.select %gt3A_539, %broadcast_in_dim3A_542, %broadcast_in_dim3A_543 : vector<16xi1>, vector<16xi32>
      %add3A_545 = arith.addi %add3A_533, %select_n3A_544 : vector<16xi32>
      %add3A_546 = arith.constant 160 : i32
      %add3A_547 = arith.addi %mul3A_426, %add3A_546 : i32
      %get3A_548 = arith.index_cast %add3A_547 : i32 to index
      %get3A_549 = tpu.vector_load %arg7[%get3A_548] {strides = array<i32>} : memref<4096xi32, #tpu.memory_space<vmem>>, vector<16xi32>,
      %gt3A_550 = vector.broadcast %xor3A_43 : i32 to vector<16xi32>
      %gt3A_551 = arith.cmpi sgt, %get3A_549, %gt3A_550 : vector<16xi32>
      %jit3A_552 = arith.constant 1 : i32
      %jit3A_553 = arith.constant 0 : i32
      %broadcast_in_dim3A_554 = vector.broadcast %jit3A_552 : i32 to vector<16xi32>
      %broadcast_in_dim3A_555 = vector.broadcast %jit3A_553 : i32 to vector<16xi32>
      %select_n3A_556 = arith.select %gt3A_551, %broadcast_in_dim3A_554, %broadcast_in_dim3A_555 : vector<16xi1>, vector<16xi32>
      %add3A_557 = arith.addi %add3A_545, %select_n3A_556 : vector<16xi32>
      %add3A_558 = arith.constant 176 : i32
      %add3A_559 = arith.addi %mul3A_426, %add3A_558 : i32
      %get3A_560 = arith.index_cast %add3A_559 : i32 to index
      %get3A_561 = tpu.vector_load %arg7[%get3A_560] {strides = array<i32>} : memref<4096xi32, #tpu.memory_space<vmem>>, vector<16xi32>,
      %gt3A_562 = vector.broadcast %xor3A_43 : i32 to vector<16xi32>
      %gt3A_563 = arith.cmpi sgt, %get3A_561, %gt3A_562 : vector<16xi32>
      %jit3A_564 = arith.constant 1 : i32
      %jit3A_565 = arith.constant 0 : i32
      %broadcast_in_dim3A_566 = vector.broadcast %jit3A_564 : i32 to vector<16xi32>
      %broadcast_in_dim3A_567 = vector.broadcast %jit3A_565 : i32 to vector<16xi32>
      %select_n3A_568 = arith.select %gt3A_563, %broadcast_in_dim3A_566, %broadcast_in_dim3A_567 : vector<16xi1>, vector<16xi32>
      %add3A_569 = arith.addi %add3A_557, %select_n3A_568 : vector<16xi32>
      %add3A_570 = arith.constant 192 : i32
      %add3A_571 = arith.addi %mul3A_426, %add3A_570 : i32
      %get3A_572 = arith.index_cast %add3A_571 : i32 to index
      %get3A_573 = tpu.vector_load %arg7[%get3A_572] {strides = array<i32>} : memref<4096xi32, #tpu.memory_space<vmem>>, vector<16xi32>,
      %gt3A_574 = vector.broadcast %xor3A_43 : i32 to vector<16xi32>
      %gt3A_575 = arith.cmpi sgt, %get3A_573, %gt3A_574 : vector<16xi32>
      %jit3A_576 = arith.constant 1 : i32
      %jit3A_577 = arith.constant 0 : i32
      %broadcast_in_dim3A_578 = vector.broadcast %jit3A_576 : i32 to vector<16xi32>
      %broadcast_in_dim3A_579 = vector.broadcast %jit3A_577 : i32 to vector<16xi32>
      %select_n3A_580 = arith.select %gt3A_575, %broadcast_in_dim3A_578, %broadcast_in_dim3A_579 : vector<16xi1>, vector<16xi32>
      %add3A_581 = arith.addi %add3A_569, %select_n3A_580 : vector<16xi32>
      %add3A_582 = arith.constant 208 : i32
      %add3A_583 = arith.addi %mul3A_426, %add3A_582 : i32
      %get3A_584 = arith.index_cast %add3A_583 : i32 to index
      %get3A_585 = tpu.vector_load %arg7[%get3A_584] {strides = array<i32>} : memref<4096xi32, #tpu.memory_space<vmem>>, vector<16xi32>,
      %gt3A_586 = vector.broadcast %xor3A_43 : i32 to vector<16xi32>
      %gt3A_587 = arith.cmpi sgt, %get3A_585, %gt3A_586 : vector<16xi32>
      %jit3A_588 = arith.constant 1 : i32
      %jit3A_589 = arith.constant 0 : i32
      %broadcast_in_dim3A_590 = vector.broadcast %jit3A_588 : i32 to vector<16xi32>
      %broadcast_in_dim3A_591 = vector.broadcast %jit3A_589 : i32 to vector<16xi32>
      %select_n3A_592 = arith.select %gt3A_587, %broadcast_in_dim3A_590, %broadcast_in_dim3A_591 : vector<16xi1>, vector<16xi32>
      %add3A_593 = arith.addi %add3A_581, %select_n3A_592 : vector<16xi32>
      %add3A_594 = arith.constant 224 : i32
      %add3A_595 = arith.addi %mul3A_426, %add3A_594 : i32
      %get3A_596 = arith.index_cast %add3A_595 : i32 to index
      %get3A_597 = tpu.vector_load %arg7[%get3A_596] {strides = array<i32>} : memref<4096xi32, #tpu.memory_space<vmem>>, vector<16xi32>,
      %gt3A_598 = vector.broadcast %xor3A_43 : i32 to vector<16xi32>
      %gt3A_599 = arith.cmpi sgt, %get3A_597, %gt3A_598 : vector<16xi32>
      %jit3A_600 = arith.constant 1 : i32
      %jit3A_601 = arith.constant 0 : i32
      %broadcast_in_dim3A_602 = vector.broadcast %jit3A_600 : i32 to vector<16xi32>
      %broadcast_in_dim3A_603 = vector.broadcast %jit3A_601 : i32 to vector<16xi32>
      %select_n3A_604 = arith.select %gt3A_599, %broadcast_in_dim3A_602, %broadcast_in_dim3A_603 : vector<16xi1>, vector<16xi32>
      %add3A_605 = arith.addi %add3A_593, %select_n3A_604 : vector<16xi32>
      %add3A_606 = arith.constant 240 : i32
      %add3A_607 = arith.addi %mul3A_426, %add3A_606 : i32
      %get3A_608 = arith.index_cast %add3A_607 : i32 to index
      %get3A_609 = tpu.vector_load %arg7[%get3A_608] {strides = array<i32>} : memref<4096xi32, #tpu.memory_space<vmem>>, vector<16xi32>,
      %gt3A_610 = vector.broadcast %xor3A_43 : i32 to vector<16xi32>
      %gt3A_611 = arith.cmpi sgt, %get3A_609, %gt3A_610 : vector<16xi32>
      %jit3A_612 = arith.constant 1 : i32
      %jit3A_613 = arith.constant 0 : i32
      %broadcast_in_dim3A_614 = vector.broadcast %jit3A_612 : i32 to vector<16xi32>
      %broadcast_in_dim3A_615 = vector.broadcast %jit3A_613 : i32 to vector<16xi32>
      %select_n3A_616 = arith.select %gt3A_611, %broadcast_in_dim3A_614, %broadcast_in_dim3A_615 : vector<16xi1>, vector<16xi32>
      %add3A_617 = arith.addi %add3A_605, %select_n3A_616 : vector<16xi32>
      scf.yield %add3A_617 : vector<16xi32>
    }
    %scan3A_50 = arith.constant 16 : i32
    %reduce_sum3A = arith.constant true
    %reduce_sum3A_51 = vector.broadcast %reduce_sum3A : i1 to vector<16xi1>
    %reduce_sum3A_52 = tpu.scan <sum>, %scan3A_49 masked %reduce_sum3A_51 : vector<16xi32>, vector<16xi1> -> vector<16xi32>
    %reduce_sum3A_53 = vector.extract %reduce_sum3A_52[15] : i32 from vector<16xi32>
    %sub3A_54 = arith.constant 2048 : i32
    %sub3A_55 = arith.subi %sub3A_54, %reduce_sum3A_53 : i32
    %iota3A = tpu.iota {dimensions = array<i32: 0>} : vector<16xi32>
    %scan3A_56 = arith.constant 0 : i32
    %scan3A_57 = arith.constant 0 : i32
    %scan3A_58 = arith.constant 0 : i32
    %scan3A_59 = arith.constant 64 : i32
    %scan3A_60 = arith.addi %scan3A_58, %scan3A_59 : i32
    %scan3A_61 = arith.constant 1 : i32
    %scan3A_62:2 = scf.for %scan3A_423 = %scan3A_58 to %scan3A_60 step %scan3A_61 iter_args(%scan3A_424 = %scan3A_56, %scan3A_425 = %scan3A_57) -> (i32, i32)  : i32 {
      %mul3A_426 = arith.constant 64 : i32
      %mul3A_427 = arith.muli %scan3A_423, %mul3A_426 : i32
      %add3A_428 = arith.constant 0 : i32
      %add3A_429 = arith.addi %mul3A_427, %add3A_428 : i32
      %get3A_430 = arith.index_cast %add3A_429 : i32 to index
      %get3A_431 = tpu.vector_load %arg7[%get3A_430] {strides = array<i32>} : memref<4096xi32, #tpu.memory_space<vmem>>, vector<16xi32>,
      %gt3A = vector.broadcast %xor3A_43 : i32 to vector<16xi32>
      %gt3A_432 = arith.cmpi sgt, %get3A_431, %gt3A : vector<16xi32>
      %eq3A_433 = vector.broadcast %xor3A_43 : i32 to vector<16xi32>
      %eq3A_434 = arith.cmpi eq, %get3A_431, %eq3A_433 : vector<16xi32>
      %jit3A_435 = arith.constant 1 : i32
      %jit3A_436 = arith.constant 0 : i32
      %broadcast_in_dim3A_437 = vector.broadcast %jit3A_435 : i32 to vector<16xi32>
      %broadcast_in_dim3A_438 = vector.broadcast %jit3A_436 : i32 to vector<16xi32>
      %select_n3A_439 = arith.select %eq3A_434, %broadcast_in_dim3A_437, %broadcast_in_dim3A_438 : vector<16xi1>, vector<16xi32>
      %broadcast_in_dim3A_440 = arith.constant true
      %broadcast_in_dim3A_441 = vector.broadcast %broadcast_in_dim3A_440 : i1 to vector<16xi1>
      %masked_cumsum3A = tpu.scan <sum>, %select_n3A_439 masked %broadcast_in_dim3A_441 : vector<16xi32>, vector<16xi1> -> vector<16xi32>
      %add3A_442 = vector.broadcast %scan3A_425 : i32 to vector<16xi32>
      %add3A_443 = arith.addi %add3A_442, %masked_cumsum3A : vector<16xi32>
      %sub3A_444 = arith.constant 1 : i32
      %sub3A_445 = vector.broadcast %sub3A_444 : i32 to vector<16xi32>
      %sub3A_446 = arith.subi %add3A_443, %sub3A_445 : vector<16xi32>
      %lt3A_447 = vector.broadcast %sub3A_55 : i32 to vector<16xi32>
      %lt3A_448 = arith.cmpi slt, %sub3A_446, %lt3A_447 : vector<16xi32>
      %and3A_449 = arith.andi %eq3A_434, %lt3A_448 : vector<16xi1>
      %or3A = arith.ori %gt3A_432, %and3A_449 : vector<16xi1>
      %jit3A_450 = arith.constant 1 : i32
      %jit3A_451 = arith.constant 0 : i32
      %broadcast_in_dim3A_452 = vector.broadcast %jit3A_450 : i32 to vector<16xi32>
      %broadcast_in_dim3A_453 = vector.broadcast %jit3A_451 : i32 to vector<16xi32>
      %select_n3A_454 = arith.select %or3A, %broadcast_in_dim3A_452, %broadcast_in_dim3A_453 : vector<16xi1>, vector<16xi32>
      %broadcast_in_dim3A_455 = arith.constant true
      %broadcast_in_dim3A_456 = vector.broadcast %broadcast_in_dim3A_455 : i1 to vector<16xi1>
      %masked_cumsum3A_457 = tpu.scan <sum>, %select_n3A_454 masked %broadcast_in_dim3A_456 : vector<16xi32>, vector<16xi1> -> vector<16xi32>
      %add3A_458 = vector.broadcast %scan3A_424 : i32 to vector<16xi32>
      %add3A_459 = arith.addi %add3A_458, %masked_cumsum3A_457 : vector<16xi32>
      %sub3A_460 = arith.constant 1 : i32
      %sub3A_461 = vector.broadcast %sub3A_460 : i32 to vector<16xi32>
      %sub3A_462 = arith.subi %add3A_459, %sub3A_461 : vector<16xi32>
      %add3A_463 = arith.constant 0 : i32
      %add3A_464 = arith.addi %mul3A_427, %add3A_463 : i32
      %add3A_465 = vector.broadcast %add3A_464 : i32 to vector<16xi32>
      %add3A_466 = arith.addi %iota3A, %add3A_465 : vector<16xi32>
      tpu.vector_store_idx %arg8[%sub3A_462], %add3A_466 masked %or3A : memref<2048xi32, #tpu.memory_space<vmem>>[vector<16xi32>], vector<16xi32>, vector<16xi1>
      %jit3A_467 = arith.constant 1 : i32
      %jit3A_468 = arith.constant 0 : i32
      %broadcast_in_dim3A_469 = vector.broadcast %jit3A_467 : i32 to vector<16xi32>
      %broadcast_in_dim3A_470 = vector.broadcast %jit3A_468 : i32 to vector<16xi32>
      %select_n3A_471 = arith.select %or3A, %broadcast_in_dim3A_469, %broadcast_in_dim3A_470 : vector<16xi1>, vector<16xi32>
      %reduce_sum3A_472 = arith.constant true
      %reduce_sum3A_473 = vector.broadcast %reduce_sum3A_472 : i1 to vector<16xi1>
      %reduce_sum3A_474 = tpu.scan <sum>, %select_n3A_471 masked %reduce_sum3A_473 : vector<16xi32>, vector<16xi1> -> vector<16xi32>
      %reduce_sum3A_475 = vector.extract %reduce_sum3A_474[15] : i32 from vector<16xi32>
      %add3A_476 = arith.addi %scan3A_424, %reduce_sum3A_475 : i32
      %jit3A_477 = arith.constant 1 : i32
      %jit3A_478 = arith.constant 0 : i32
      %broadcast_in_dim3A_479 = vector.broadcast %jit3A_477 : i32 to vector<16xi32>
      %broadcast_in_dim3A_480 = vector.broadcast %jit3A_478 : i32 to vector<16xi32>
      %select_n3A_481 = arith.select %eq3A_434, %broadcast_in_dim3A_479, %broadcast_in_dim3A_480 : vector<16xi1>, vector<16xi32>
      %reduce_sum3A_482 = arith.constant true
      %reduce_sum3A_483 = vector.broadcast %reduce_sum3A_482 : i1 to vector<16xi1>
      %reduce_sum3A_484 = tpu.scan <sum>, %select_n3A_481 masked %reduce_sum3A_483 : vector<16xi32>, vector<16xi1> -> vector<16xi32>
      %reduce_sum3A_485 = vector.extract %reduce_sum3A_484[15] : i32 from vector<16xi32>
      %add3A_486 = arith.addi %scan3A_425, %reduce_sum3A_485 : i32
      %add3A_487 = arith.constant 16 : i32
      %add3A_488 = arith.addi %mul3A_427, %add3A_487 : i32
      %get3A_489 = arith.index_cast %add3A_488 : i32 to index
      %get3A_490 = tpu.vector_load %arg7[%get3A_489] {strides = array<i32>} : memref<4096xi32, #tpu.memory_space<vmem>>, vector<16xi32>,
      %gt3A_491 = vector.broadcast %xor3A_43 : i32 to vector<16xi32>
      %gt3A_492 = arith.cmpi sgt, %get3A_490, %gt3A_491 : vector<16xi32>
      %eq3A_493 = vector.broadcast %xor3A_43 : i32 to vector<16xi32>
      %eq3A_494 = arith.cmpi eq, %get3A_490, %eq3A_493 : vector<16xi32>
      %jit3A_495 = arith.constant 1 : i32
      %jit3A_496 = arith.constant 0 : i32
      %broadcast_in_dim3A_497 = vector.broadcast %jit3A_495 : i32 to vector<16xi32>
      %broadcast_in_dim3A_498 = vector.broadcast %jit3A_496 : i32 to vector<16xi32>
      %select_n3A_499 = arith.select %eq3A_494, %broadcast_in_dim3A_497, %broadcast_in_dim3A_498 : vector<16xi1>, vector<16xi32>
      %broadcast_in_dim3A_500 = arith.constant true
      %broadcast_in_dim3A_501 = vector.broadcast %broadcast_in_dim3A_500 : i1 to vector<16xi1>
      %masked_cumsum3A_502 = tpu.scan <sum>, %select_n3A_499 masked %broadcast_in_dim3A_501 : vector<16xi32>, vector<16xi1> -> vector<16xi32>
      %add3A_503 = vector.broadcast %add3A_486 : i32 to vector<16xi32>
      %add3A_504 = arith.addi %add3A_503, %masked_cumsum3A_502 : vector<16xi32>
      %sub3A_505 = arith.constant 1 : i32
      %sub3A_506 = vector.broadcast %sub3A_505 : i32 to vector<16xi32>
      %sub3A_507 = arith.subi %add3A_504, %sub3A_506 : vector<16xi32>
      %lt3A_508 = vector.broadcast %sub3A_55 : i32 to vector<16xi32>
      %lt3A_509 = arith.cmpi slt, %sub3A_507, %lt3A_508 : vector<16xi32>
      %and3A_510 = arith.andi %eq3A_494, %lt3A_509 : vector<16xi1>
      %or3A_511 = arith.ori %gt3A_492, %and3A_510 : vector<16xi1>
      %jit3A_512 = arith.constant 1 : i32
      %jit3A_513 = arith.constant 0 : i32
      %broadcast_in_dim3A_514 = vector.broadcast %jit3A_512 : i32 to vector<16xi32>
      %broadcast_in_dim3A_515 = vector.broadcast %jit3A_513 : i32 to vector<16xi32>
      %select_n3A_516 = arith.select %or3A_511, %broadcast_in_dim3A_514, %broadcast_in_dim3A_515 : vector<16xi1>, vector<16xi32>
      %broadcast_in_dim3A_517 = arith.constant true
      %broadcast_in_dim3A_518 = vector.broadcast %broadcast_in_dim3A_517 : i1 to vector<16xi1>
      %masked_cumsum3A_519 = tpu.scan <sum>, %select_n3A_516 masked %broadcast_in_dim3A_518 : vector<16xi32>, vector<16xi1> -> vector<16xi32>
      %add3A_520 = vector.broadcast %add3A_476 : i32 to vector<16xi32>
      %add3A_521 = arith.addi %add3A_520, %masked_cumsum3A_519 : vector<16xi32>
      %sub3A_522 = arith.constant 1 : i32
      %sub3A_523 = vector.broadcast %sub3A_522 : i32 to vector<16xi32>
      %sub3A_524 = arith.subi %add3A_521, %sub3A_523 : vector<16xi32>
      %add3A_525 = arith.constant 16 : i32
      %add3A_526 = arith.addi %mul3A_427, %add3A_525 : i32
      %add3A_527 = vector.broadcast %add3A_526 : i32 to vector<16xi32>
      %add3A_528 = arith.addi %iota3A, %add3A_527 : vector<16xi32>
      tpu.vector_store_idx %arg8[%sub3A_524], %add3A_528 masked %or3A_511 : memref<2048xi32, #tpu.memory_space<vmem>>[vector<16xi32>], vector<16xi32>, vector<16xi1>
      %jit3A_529 = arith.constant 1 : i32
      %jit3A_530 = arith.constant 0 : i32
      %broadcast_in_dim3A_531 = vector.broadcast %jit3A_529 : i32 to vector<16xi32>
      %broadcast_in_dim3A_532 = vector.broadcast %jit3A_530 : i32 to vector<16xi32>
      %select_n3A_533 = arith.select %or3A_511, %broadcast_in_dim3A_531, %broadcast_in_dim3A_532 : vector<16xi1>, vector<16xi32>
      %reduce_sum3A_534 = arith.constant true
      %reduce_sum3A_535 = vector.broadcast %reduce_sum3A_534 : i1 to vector<16xi1>
      %reduce_sum3A_536 = tpu.scan <sum>, %select_n3A_533 masked %reduce_sum3A_535 : vector<16xi32>, vector<16xi1> -> vector<16xi32>
      %reduce_sum3A_537 = vector.extract %reduce_sum3A_536[15] : i32 from vector<16xi32>
      %add3A_538 = arith.addi %add3A_476, %reduce_sum3A_537 : i32
      %jit3A_539 = arith.constant 1 : i32
      %jit3A_540 = arith.constant 0 : i32
      %broadcast_in_dim3A_541 = vector.broadcast %jit3A_539 : i32 to vector<16xi32>
      %broadcast_in_dim3A_542 = vector.broadcast %jit3A_540 : i32 to vector<16xi32>
      %select_n3A_543 = arith.select %eq3A_494, %broadcast_in_dim3A_541, %broadcast_in_dim3A_542 : vector<16xi1>, vector<16xi32>
      %reduce_sum3A_544 = arith.constant true
      %reduce_sum3A_545 = vector.broadcast %reduce_sum3A_544 : i1 to vector<16xi1>
      %reduce_sum3A_546 = tpu.scan <sum>, %select_n3A_543 masked %reduce_sum3A_545 : vector<16xi32>, vector<16xi1> -> vector<16xi32>
      %reduce_sum3A_547 = vector.extract %reduce_sum3A_546[15] : i32 from vector<16xi32>
      %add3A_548 = arith.addi %add3A_486, %reduce_sum3A_547 : i32
      %add3A_549 = arith.constant 32 : i32
      %add3A_550 = arith.addi %mul3A_427, %add3A_549 : i32
      %get3A_551 = arith.index_cast %add3A_550 : i32 to index
      %get3A_552 = tpu.vector_load %arg7[%get3A_551] {strides = array<i32>} : memref<4096xi32, #tpu.memory_space<vmem>>, vector<16xi32>,
      %gt3A_553 = vector.broadcast %xor3A_43 : i32 to vector<16xi32>
      %gt3A_554 = arith.cmpi sgt, %get3A_552, %gt3A_553 : vector<16xi32>
      %eq3A_555 = vector.broadcast %xor3A_43 : i32 to vector<16xi32>
      %eq3A_556 = arith.cmpi eq, %get3A_552, %eq3A_555 : vector<16xi32>
      %jit3A_557 = arith.constant 1 : i32
      %jit3A_558 = arith.constant 0 : i32
      %broadcast_in_dim3A_559 = vector.broadcast %jit3A_557 : i32 to vector<16xi32>
      %broadcast_in_dim3A_560 = vector.broadcast %jit3A_558 : i32 to vector<16xi32>
      %select_n3A_561 = arith.select %eq3A_556, %broadcast_in_dim3A_559, %broadcast_in_dim3A_560 : vector<16xi1>, vector<16xi32>
      %broadcast_in_dim3A_562 = arith.constant true
      %broadcast_in_dim3A_563 = vector.broadcast %broadcast_in_dim3A_562 : i1 to vector<16xi1>
      %masked_cumsum3A_564 = tpu.scan <sum>, %select_n3A_561 masked %broadcast_in_dim3A_563 : vector<16xi32>, vector<16xi1> -> vector<16xi32>
      %add3A_565 = vector.broadcast %add3A_548 : i32 to vector<16xi32>
      %add3A_566 = arith.addi %add3A_565, %masked_cumsum3A_564 : vector<16xi32>
      %sub3A_567 = arith.constant 1 : i32
      %sub3A_568 = vector.broadcast %sub3A_567 : i32 to vector<16xi32>
      %sub3A_569 = arith.subi %add3A_566, %sub3A_568 : vector<16xi32>
      %lt3A_570 = vector.broadcast %sub3A_55 : i32 to vector<16xi32>
      %lt3A_571 = arith.cmpi slt, %sub3A_569, %lt3A_570 : vector<16xi32>
      %and3A_572 = arith.andi %eq3A_556, %lt3A_571 : vector<16xi1>
      %or3A_573 = arith.ori %gt3A_554, %and3A_572 : vector<16xi1>
      %jit3A_574 = arith.constant 1 : i32
      %jit3A_575 = arith.constant 0 : i32
      %broadcast_in_dim3A_576 = vector.broadcast %jit3A_574 : i32 to vector<16xi32>
      %broadcast_in_dim3A_577 = vector.broadcast %jit3A_575 : i32 to vector<16xi32>
      %select_n3A_578 = arith.select %or3A_573, %broadcast_in_dim3A_576, %broadcast_in_dim3A_577 : vector<16xi1>, vector<16xi32>
      %broadcast_in_dim3A_579 = arith.constant true
      %broadcast_in_dim3A_580 = vector.broadcast %broadcast_in_dim3A_579 : i1 to vector<16xi1>
      %masked_cumsum3A_581 = tpu.scan <sum>, %select_n3A_578 masked %broadcast_in_dim3A_580 : vector<16xi32>, vector<16xi1> -> vector<16xi32>
      %add3A_582 = vector.broadcast %add3A_538 : i32 to vector<16xi32>
      %add3A_583 = arith.addi %add3A_582, %masked_cumsum3A_581 : vector<16xi32>
      %sub3A_584 = arith.constant 1 : i32
      %sub3A_585 = vector.broadcast %sub3A_584 : i32 to vector<16xi32>
      %sub3A_586 = arith.subi %add3A_583, %sub3A_585 : vector<16xi32>
      %add3A_587 = arith.constant 32 : i32
      %add3A_588 = arith.addi %mul3A_427, %add3A_587 : i32
      %add3A_589 = vector.broadcast %add3A_588 : i32 to vector<16xi32>
      %add3A_590 = arith.addi %iota3A, %add3A_589 : vector<16xi32>
      tpu.vector_store_idx %arg8[%sub3A_586], %add3A_590 masked %or3A_573 : memref<2048xi32, #tpu.memory_space<vmem>>[vector<16xi32>], vector<16xi32>, vector<16xi1>
      %jit3A_591 = arith.constant 1 : i32
      %jit3A_592 = arith.constant 0 : i32
      %broadcast_in_dim3A_593 = vector.broadcast %jit3A_591 : i32 to vector<16xi32>
      %broadcast_in_dim3A_594 = vector.broadcast %jit3A_592 : i32 to vector<16xi32>
      %select_n3A_595 = arith.select %or3A_573, %broadcast_in_dim3A_593, %broadcast_in_dim3A_594 : vector<16xi1>, vector<16xi32>
      %reduce_sum3A_596 = arith.constant true
      %reduce_sum3A_597 = vector.broadcast %reduce_sum3A_596 : i1 to vector<16xi1>
      %reduce_sum3A_598 = tpu.scan <sum>, %select_n3A_595 masked %reduce_sum3A_597 : vector<16xi32>, vector<16xi1> -> vector<16xi32>
      %reduce_sum3A_599 = vector.extract %reduce_sum3A_598[15] : i32 from vector<16xi32>
      %add3A_600 = arith.addi %add3A_538, %reduce_sum3A_599 : i32
      %jit3A_601 = arith.constant 1 : i32
      %jit3A_602 = arith.constant 0 : i32
      %broadcast_in_dim3A_603 = vector.broadcast %jit3A_601 : i32 to vector<16xi32>
      %broadcast_in_dim3A_604 = vector.broadcast %jit3A_602 : i32 to vector<16xi32>
      %select_n3A_605 = arith.select %eq3A_556, %broadcast_in_dim3A_603, %broadcast_in_dim3A_604 : vector<16xi1>, vector<16xi32>
      %reduce_sum3A_606 = arith.constant true
      %reduce_sum3A_607 = vector.broadcast %reduce_sum3A_606 : i1 to vector<16xi1>
      %reduce_sum3A_608 = tpu.scan <sum>, %select_n3A_605 masked %reduce_sum3A_607 : vector<16xi32>, vector<16xi1> -> vector<16xi32>
      %reduce_sum3A_609 = vector.extract %reduce_sum3A_608[15] : i32 from vector<16xi32>
      %add3A_610 = arith.addi %add3A_548, %reduce_sum3A_609 : i32
      %add3A_611 = arith.constant 48 : i32
      %add3A_612 = arith.addi %mul3A_427, %add3A_611 : i32
      %get3A_613 = arith.index_cast %add3A_612 : i32 to index
      %get3A_614 = tpu.vector_load %arg7[%get3A_613] {strides = array<i32>} : memref<4096xi32, #tpu.memory_space<vmem>>, vector<16xi32>,
      %gt3A_615 = vector.broadcast %xor3A_43 : i32 to vector<16xi32>
      %gt3A_616 = arith.cmpi sgt, %get3A_614, %gt3A_615 : vector<16xi32>
      %eq3A_617 = vector.broadcast %xor3A_43 : i32 to vector<16xi32>
      %eq3A_618 = arith.cmpi eq, %get3A_614, %eq3A_617 : vector<16xi32>
      %jit3A_619 = arith.constant 1 : i32
      %jit3A_620 = arith.constant 0 : i32
      %broadcast_in_dim3A_621 = vector.broadcast %jit3A_619 : i32 to vector<16xi32>
      %broadcast_in_dim3A_622 = vector.broadcast %jit3A_620 : i32 to vector<16xi32>
      %select_n3A_623 = arith.select %eq3A_618, %broadcast_in_dim3A_621, %broadcast_in_dim3A_622 : vector<16xi1>, vector<16xi32>
      %broadcast_in_dim3A_624 = arith.constant true
      %broadcast_in_dim3A_625 = vector.broadcast %broadcast_in_dim3A_624 : i1 to vector<16xi1>
      %masked_cumsum3A_626 = tpu.scan <sum>, %select_n3A_623 masked %broadcast_in_dim3A_625 : vector<16xi32>, vector<16xi1> -> vector<16xi32>
      %add3A_627 = vector.broadcast %add3A_610 : i32 to vector<16xi32>
      %add3A_628 = arith.addi %add3A_627, %masked_cumsum3A_626 : vector<16xi32>
      %sub3A_629 = arith.constant 1 : i32
      %sub3A_630 = vector.broadcast %sub3A_629 : i32 to vector<16xi32>
      %sub3A_631 = arith.subi %add3A_628, %sub3A_630 : vector<16xi32>
      %lt3A_632 = vector.broadcast %sub3A_55 : i32 to vector<16xi32>
      %lt3A_633 = arith.cmpi slt, %sub3A_631, %lt3A_632 : vector<16xi32>
      %and3A_634 = arith.andi %eq3A_618, %lt3A_633 : vector<16xi1>
      %or3A_635 = arith.ori %gt3A_616, %and3A_634 : vector<16xi1>
      %jit3A_636 = arith.constant 1 : i32
      %jit3A_637 = arith.constant 0 : i32
      %broadcast_in_dim3A_638 = vector.broadcast %jit3A_636 : i32 to vector<16xi32>
      %broadcast_in_dim3A_639 = vector.broadcast %jit3A_637 : i32 to vector<16xi32>
      %select_n3A_640 = arith.select %or3A_635, %broadcast_in_dim3A_638, %broadcast_in_dim3A_639 : vector<16xi1>, vector<16xi32>
      %broadcast_in_dim3A_641 = arith.constant true
      %broadcast_in_dim3A_642 = vector.broadcast %broadcast_in_dim3A_641 : i1 to vector<16xi1>
      %masked_cumsum3A_643 = tpu.scan <sum>, %select_n3A_640 masked %broadcast_in_dim3A_642 : vector<16xi32>, vector<16xi1> -> vector<16xi32>
      %add3A_644 = vector.broadcast %add3A_600 : i32 to vector<16xi32>
      %add3A_645 = arith.addi %add3A_644, %masked_cumsum3A_643 : vector<16xi32>
      %sub3A_646 = arith.constant 1 : i32
      %sub3A_647 = vector.broadcast %sub3A_646 : i32 to vector<16xi32>
      %sub3A_648 = arith.subi %add3A_645, %sub3A_647 : vector<16xi32>
      %add3A_649 = arith.constant 48 : i32
      %add3A_650 = arith.addi %mul3A_427, %add3A_649 : i32
      %add3A_651 = vector.broadcast %add3A_650 : i32 to vector<16xi32>
      %add3A_652 = arith.addi %iota3A, %add3A_651 : vector<16xi32>
      tpu.vector_store_idx %arg8[%sub3A_648], %add3A_652 masked %or3A_635 : memref<2048xi32, #tpu.memory_space<vmem>>[vector<16xi32>], vector<16xi32>, vector<16xi1>
      %jit3A_653 = arith.constant 1 : i32
      %jit3A_654 = arith.constant 0 : i32
      %broadcast_in_dim3A_655 = vector.broadcast %jit3A_653 : i32 to vector<16xi32>
      %broadcast_in_dim3A_656 = vector.broadcast %jit3A_654 : i32 to vector<16xi32>
      %select_n3A_657 = arith.select %or3A_635, %broadcast_in_dim3A_655, %broadcast_in_dim3A_656 : vector<16xi1>, vector<16xi32>
      %reduce_sum3A_658 = arith.constant true
      %reduce_sum3A_659 = vector.broadcast %reduce_sum3A_658 : i1 to vector<16xi1>
      %reduce_sum3A_660 = tpu.scan <sum>, %select_n3A_657 masked %reduce_sum3A_659 : vector<16xi32>, vector<16xi1> -> vector<16xi32>
      %reduce_sum3A_661 = vector.extract %reduce_sum3A_660[15] : i32 from vector<16xi32>
      %add3A_662 = arith.addi %add3A_600, %reduce_sum3A_661 : i32
      %jit3A_663 = arith.constant 1 : i32
      %jit3A_664 = arith.constant 0 : i32
      %broadcast_in_dim3A_665 = vector.broadcast %jit3A_663 : i32 to vector<16xi32>
      %broadcast_in_dim3A_666 = vector.broadcast %jit3A_664 : i32 to vector<16xi32>
      %select_n3A_667 = arith.select %eq3A_618, %broadcast_in_dim3A_665, %broadcast_in_dim3A_666 : vector<16xi1>, vector<16xi32>
      %reduce_sum3A_668 = arith.constant true
      %reduce_sum3A_669 = vector.broadcast %reduce_sum3A_668 : i1 to vector<16xi1>
      %reduce_sum3A_670 = tpu.scan <sum>, %select_n3A_667 masked %reduce_sum3A_669 : vector<16xi32>, vector<16xi1> -> vector<16xi32>
      %reduce_sum3A_671 = vector.extract %reduce_sum3A_670[15] : i32 from vector<16xi32>
      %add3A_672 = arith.addi %add3A_610, %reduce_sum3A_671 : i32
      scf.yield %add3A_662, %add3A_672 : i32, i32
    }
    %scan3A_63 = arith.constant 64 : i32
    %eq3A_64 = arith.constant 0 : i32
    %eq3A_65 = arith.cmpi eq, %select_n3A_30, %eq3A_64 : i32
    %convert_element_type3A = arith.extui %eq3A_65 : i1 to i32
    %cond3A = arith.constant 0 : i32
    %cond3A_66 = arith.cmpi ne, %convert_element_type3A, %cond3A : i32
    scf.if %cond3A_66 {
      %scan3A_423 = arith.constant 0 : i32
      %scan3A_424 = arith.constant 0 : i32
      %scan3A_425 = arith.constant 16 : i32
      %scan3A_426 = arith.addi %scan3A_424, %scan3A_425 : i32
      %scan3A_427 = arith.constant 1 : i32
      scf.for %scan3A_429 = %scan3A_424 to %scan3A_426 step %scan3A_427  : i32 {
        %mul3A_430 = arith.constant 128 : i32
        %mul3A_431 = arith.muli %scan3A_429, %mul3A_430 : i32
        %add3A_432 = arith.constant 0 : i32
        %add3A_433 = arith.addi %mul3A_431, %add3A_432 : i32
        %get3A_434 = arith.index_cast %add3A_433 : i32 to index
        %get3A_435 = tpu.vector_load %arg8[%get3A_434] {strides = array<i32>} : memref<2048xi32, #tpu.memory_space<vmem>>, vector<16xi32>,
        %gather3A = tpu.vector_load_idx %arg6[%get3A_435] : memref<4096xf32, #tpu.memory_space<vmem>>[vector<16xi32>], vector<16xf32>,
        %add3A_436 = arith.constant 0 : i32
        %add3A_437 = arith.addi %mul3A_431, %add3A_436 : i32
        %swap3A = arith.index_cast %add3A_437 : i32 to index
        %swap3A_438 = tpu.vector_load %arg9[%swap3A] {strides = array<i32>} : memref<2048xf32, #tpu.memory_space<vmem>>, vector<16xf32>,
        tpu.vector_store %arg9[%swap3A], %gather3A {strides = array<i32>} : memref<2048xf32, #tpu.memory_space<vmem>>, vector<16xf32>,
        %add3A_439 = arith.constant 16 : i32
        %add3A_440 = arith.addi %mul3A_431, %add3A_439 : i32
        %get3A_441 = arith.index_cast %add3A_440 : i32 to index
        %get3A_442 = tpu.vector_load %arg8[%get3A_441] {strides = array<i32>} : memref<2048xi32, #tpu.memory_space<vmem>>, vector<16xi32>,
        %gather3A_443 = tpu.vector_load_idx %arg6[%get3A_442] : memref<4096xf32, #tpu.memory_space<vmem>>[vector<16xi32>], vector<16xf32>,
        %add3A_444 = arith.constant 16 : i32
        %add3A_445 = arith.addi %mul3A_431, %add3A_444 : i32
        %swap3A_446 = arith.index_cast %add3A_445 : i32 to index
        %swap3A_447 = tpu.vector_load %arg9[%swap3A_446] {strides = array<i32>} : memref<2048xf32, #tpu.memory_space<vmem>>, vector<16xf32>,
        tpu.vector_store %arg9[%swap3A_446], %gather3A_443 {strides = array<i32>} : memref<2048xf32, #tpu.memory_space<vmem>>, vector<16xf32>,
        %add3A_448 = arith.constant 32 : i32
        %add3A_449 = arith.addi %mul3A_431, %add3A_448 : i32
        %get3A_450 = arith.index_cast %add3A_449 : i32 to index
        %get3A_451 = tpu.vector_load %arg8[%get3A_450] {strides = array<i32>} : memref<2048xi32, #tpu.memory_space<vmem>>, vector<16xi32>,
        %gather3A_452 = tpu.vector_load_idx %arg6[%get3A_451] : memref<4096xf32, #tpu.memory_space<vmem>>[vector<16xi32>], vector<16xf32>,
        %add3A_453 = arith.constant 32 : i32
        %add3A_454 = arith.addi %mul3A_431, %add3A_453 : i32
        %swap3A_455 = arith.index_cast %add3A_454 : i32 to index
        %swap3A_456 = tpu.vector_load %arg9[%swap3A_455] {strides = array<i32>} : memref<2048xf32, #tpu.memory_space<vmem>>, vector<16xf32>,
        tpu.vector_store %arg9[%swap3A_455], %gather3A_452 {strides = array<i32>} : memref<2048xf32, #tpu.memory_space<vmem>>, vector<16xf32>,
        %add3A_457 = arith.constant 48 : i32
        %add3A_458 = arith.addi %mul3A_431, %add3A_457 : i32
        %get3A_459 = arith.index_cast %add3A_458 : i32 to index
        %get3A_460 = tpu.vector_load %arg8[%get3A_459] {strides = array<i32>} : memref<2048xi32, #tpu.memory_space<vmem>>, vector<16xi32>,
        %gather3A_461 = tpu.vector_load_idx %arg6[%get3A_460] : memref<4096xf32, #tpu.memory_space<vmem>>[vector<16xi32>], vector<16xf32>,
        %add3A_462 = arith.constant 48 : i32
        %add3A_463 = arith.addi %mul3A_431, %add3A_462 : i32
        %swap3A_464 = arith.index_cast %add3A_463 : i32 to index
        %swap3A_465 = tpu.vector_load %arg9[%swap3A_464] {strides = array<i32>} : memref<2048xf32, #tpu.memory_space<vmem>>, vector<16xf32>,
        tpu.vector_store %arg9[%swap3A_464], %gather3A_461 {strides = array<i32>} : memref<2048xf32, #tpu.memory_space<vmem>>, vector<16xf32>,
        %add3A_466 = arith.constant 64 : i32
        %add3A_467 = arith.addi %mul3A_431, %add3A_466 : i32
        %get3A_468 = arith.index_cast %add3A_467 : i32 to index
        %get3A_469 = tpu.vector_load %arg8[%get3A_468] {strides = array<i32>} : memref<2048xi32, #tpu.memory_space<vmem>>, vector<16xi32>,
        %gather3A_470 = tpu.vector_load_idx %arg6[%get3A_469] : memref<4096xf32, #tpu.memory_space<vmem>>[vector<16xi32>], vector<16xf32>,
        %add3A_471 = arith.constant 64 : i32
        %add3A_472 = arith.addi %mul3A_431, %add3A_471 : i32
        %swap3A_473 = arith.index_cast %add3A_472 : i32 to index
        %swap3A_474 = tpu.vector_load %arg9[%swap3A_473] {strides = array<i32>} : memref<2048xf32, #tpu.memory_space<vmem>>, vector<16xf32>,
        tpu.vector_store %arg9[%swap3A_473], %gather3A_470 {strides = array<i32>} : memref<2048xf32, #tpu.memory_space<vmem>>, vector<16xf32>,
        %add3A_475 = arith.constant 80 : i32
        %add3A_476 = arith.addi %mul3A_431, %add3A_475 : i32
        %get3A_477 = arith.index_cast %add3A_476 : i32 to index
        %get3A_478 = tpu.vector_load %arg8[%get3A_477] {strides = array<i32>} : memref<2048xi32, #tpu.memory_space<vmem>>, vector<16xi32>,
        %gather3A_479 = tpu.vector_load_idx %arg6[%get3A_478] : memref<4096xf32, #tpu.memory_space<vmem>>[vector<16xi32>], vector<16xf32>,
        %add3A_480 = arith.constant 80 : i32
        %add3A_481 = arith.addi %mul3A_431, %add3A_480 : i32
        %swap3A_482 = arith.index_cast %add3A_481 : i32 to index
        %swap3A_483 = tpu.vector_load %arg9[%swap3A_482] {strides = array<i32>} : memref<2048xf32, #tpu.memory_space<vmem>>, vector<16xf32>,
        tpu.vector_store %arg9[%swap3A_482], %gather3A_479 {strides = array<i32>} : memref<2048xf32, #tpu.memory_space<vmem>>, vector<16xf32>,
        %add3A_484 = arith.constant 96 : i32
        %add3A_485 = arith.addi %mul3A_431, %add3A_484 : i32
        %get3A_486 = arith.index_cast %add3A_485 : i32 to index
        %get3A_487 = tpu.vector_load %arg8[%get3A_486] {strides = array<i32>} : memref<2048xi32, #tpu.memory_space<vmem>>, vector<16xi32>,
        %gather3A_488 = tpu.vector_load_idx %arg6[%get3A_487] : memref<4096xf32, #tpu.memory_space<vmem>>[vector<16xi32>], vector<16xf32>,
        %add3A_489 = arith.constant 96 : i32
        %add3A_490 = arith.addi %mul3A_431, %add3A_489 : i32
        %swap3A_491 = arith.index_cast %add3A_490 : i32 to index
        %swap3A_492 = tpu.vector_load %arg9[%swap3A_491] {strides = array<i32>} : memref<2048xf32, #tpu.memory_space<vmem>>, vector<16xf32>,
        tpu.vector_store %arg9[%swap3A_491], %gather3A_488 {strides = array<i32>} : memref<2048xf32, #tpu.memory_space<vmem>>, vector<16xf32>,
        %add3A_493 = arith.constant 112 : i32
        %add3A_494 = arith.addi %mul3A_431, %add3A_493 : i32
        %get3A_495 = arith.index_cast %add3A_494 : i32 to index
        %get3A_496 = tpu.vector_load %arg8[%get3A_495] {strides = array<i32>} : memref<2048xi32, #tpu.memory_space<vmem>>, vector<16xi32>,
        %gather3A_497 = tpu.vector_load_idx %arg6[%get3A_496] : memref<4096xf32, #tpu.memory_space<vmem>>[vector<16xi32>], vector<16xf32>,
        %add3A_498 = arith.constant 112 : i32
        %add3A_499 = arith.addi %mul3A_431, %add3A_498 : i32
        %swap3A_500 = arith.index_cast %add3A_499 : i32 to index
        %swap3A_501 = tpu.vector_load %arg9[%swap3A_500] {strides = array<i32>} : memref<2048xf32, #tpu.memory_space<vmem>>, vector<16xf32>,
        tpu.vector_store %arg9[%swap3A_500], %gather3A_497 {strides = array<i32>} : memref<2048xf32, #tpu.memory_space<vmem>>, vector<16xf32>,
      }
      %scan3A_428 = arith.constant 16 : i32
      "tpu.region"() ({
        %run_scoped3A = tpu.sem_alloc : memref<!tpu.dma_semaphore, #tpu.memory_space<semaphore_mem>>
        %dma_start3A_429 = arith.constant 0 : i32
        %dma_start3A_430 = tpu.memref_slice %arg5[%select_n3A, %dma_start3A_429] : memref<4x2048xf32, #tpu.memory_space<hbm>> -> memref<1x2048xf32, #tpu.memory_space<hbm>>
        %dma_start3A_431 = tpu.memref_squeeze %dma_start3A_430 : memref<1x2048xf32, #tpu.memory_space<hbm>> -> memref<2048xf32, #tpu.memory_space<hbm>>
        %dma_start3A_432 = arith.constant 0 : i32
        %dma_start3A_433 = tpu.memref_slice %arg5[%select_n3A, %dma_start3A_432] : memref<4x2048xf32, #tpu.memory_space<hbm>> -> memref<1x2048xf32, #tpu.memory_space<hbm>>
        %dma_start3A_434 = tpu.memref_squeeze %dma_start3A_433 : memref<1x2048xf32, #tpu.memory_space<hbm>> -> memref<2048xf32, #tpu.memory_space<hbm>>
        tpu.enqueue_dma source(%arg9 : memref<2048xf32, #tpu.memory_space<vmem>>) target(%dma_start3A_434 : memref<2048xf32, #tpu.memory_space<hbm>>) target_semaphore(%run_scoped3A : memref<!tpu.dma_semaphore, #tpu.memory_space<semaphore_mem>>)
        %dma_wait3A_435 = arith.constant 0 : i32
        %dma_wait3A_436 = tpu.memref_slice %arg5[%select_n3A, %dma_wait3A_435] : memref<4x2048xf32, #tpu.memory_space<hbm>> -> memref<1x2048xf32, #tpu.memory_space<hbm>>
        %dma_wait3A_437 = tpu.memref_squeeze %dma_wait3A_436 : memref<1x2048xf32, #tpu.memory_space<hbm>> -> memref<2048xf32, #tpu.memory_space<hbm>>
        %dma_wait3A_438 = arith.constant 0 : i32
        %dma_wait3A_439 = tpu.memref_slice %arg5[%select_n3A, %dma_wait3A_438] : memref<4x2048xf32, #tpu.memory_space<hbm>> -> memref<1x2048xf32, #tpu.memory_space<hbm>>
        %dma_wait3A_440 = tpu.memref_squeeze %dma_wait3A_439 : memref<1x2048xf32, #tpu.memory_space<hbm>> -> memref<2048xf32, #tpu.memory_space<hbm>>
        tpu.wait_dma2 semaphore(%run_scoped3A : memref<!tpu.dma_semaphore, #tpu.memory_space<semaphore_mem>>) src(%arg9 : memref<2048xf32, #tpu.memory_space<vmem>>) dst(%dma_wait3A_440 : memref<2048xf32, #tpu.memory_space<hbm>>)
        tpu.yield
      }) : () -> ()
    } else {
    }
    %mul3A_67 = arith.constant 256 : i32
    %mul3A_68 = arith.muli %select_n3A_30, %mul3A_67 : i32
    %mul3A_69 = arith.constant 2048 : i32
    %mul3A_70 = arith.muli %select_n3A, %mul3A_69 : i32
    %add3A_71 = arith.addi %mul3A_70, %mul3A_68 : i32
    %mul3A_72 = arith.constant 4096 : i32
    %mul3A_73 = arith.muli %select_n3A, %mul3A_72 : i32
    %add3A_74 = arith.constant 0 : i32
    %add3A_75 = arith.addi %mul3A_68, %add3A_74 : i32
    %get3A = arith.index_cast %add3A_75 : i32 to index
    %get3A_76 = tpu.vector_load %arg8[%get3A] {strides = array<i32>} : memref<2048xi32, #tpu.memory_space<vmem>>, vector<16xi32>,
    %add3A_77 = vector.broadcast %mul3A_73 : i32 to vector<16xi32>
    %add3A_78 = arith.addi %get3A_76, %add3A_77 : vector<16xi32>
    %dma_start3A = arith.constant 0 : i32
    %dma_start3A_79 = arith.constant 0 : i32
    %dma_start3A_80 = tpu.memref_slice %arg3[%dma_start3A, %dma_start3A_79] : memref<16384x2048xf32, #tpu.memory_space<hbm>> -> memref<16384x2048xf32, #tpu.memory_space<hbm>>
    tpu.enqueue_indirect_dma source(%dma_start3A_80 : memref<16384x2048xf32, #tpu.memory_space<hbm>>) target(%arg10 : memref<16x2048xf32, #tpu.memory_space<vmem>>) offsets(%add3A_78 : vector<16xi32>) semaphore(%arg13 : memref<!tpu.dma_semaphore, #tpu.memory_space<semaphore_mem>>)
    %add3A_81 = arith.constant 16 : i32
    %add3A_82 = arith.addi %mul3A_68, %add3A_81 : i32
    %get3A_83 = arith.index_cast %add3A_82 : i32 to index
    %get3A_84 = tpu.vector_load %arg8[%get3A_83] {strides = array<i32>} : memref<2048xi32, #tpu.memory_space<vmem>>, vector<16xi32>,
    %add3A_85 = vector.broadcast %mul3A_73 : i32 to vector<16xi32>
    %add3A_86 = arith.addi %get3A_84, %add3A_85 : vector<16xi32>
    %dma_start3A_87 = arith.constant 0 : i32
    %dma_start3A_88 = arith.constant 0 : i32
    %dma_start3A_89 = tpu.memref_slice %arg3[%dma_start3A_87, %dma_start3A_88] : memref<16384x2048xf32, #tpu.memory_space<hbm>> -> memref<16384x2048xf32, #tpu.memory_space<hbm>>
    tpu.enqueue_indirect_dma source(%dma_start3A_89 : memref<16384x2048xf32, #tpu.memory_space<hbm>>) target(%arg11 : memref<16x2048xf32, #tpu.memory_space<vmem>>) offsets(%add3A_86 : vector<16xi32>) semaphore(%arg14 : memref<!tpu.dma_semaphore, #tpu.memory_space<semaphore_mem>>)
    %dma_wait3A = arith.constant 0 : i32
    %dma_wait3A_90 = arith.constant 0 : i32
    %dma_wait3A_91 = tpu.memref_slice %arg3[%dma_wait3A, %dma_wait3A_90] : memref<16384x2048xf32, #tpu.memory_space<hbm>> -> memref<16384x2048xf32, #tpu.memory_space<hbm>>
    tpu.wait_indirect_dma semaphore(%arg13 : memref<!tpu.dma_semaphore, #tpu.memory_space<semaphore_mem>>) src(%dma_wait3A_91 : memref<16384x2048xf32, #tpu.memory_space<hbm>>) dst(%arg10 : memref<16x2048xf32, #tpu.memory_space<vmem>>)
    %add3A_92 = arith.constant 0 : i32
    %add3A_93 = arith.addi %add3A_71, %add3A_92 : i32
    %dma_start3A_94 = arith.constant 0 : i32
    %dma_start3A_95 = tpu.memref_slice %arg4[%add3A_93, %dma_start3A_94] : memref<8192x2048xf32, #tpu.memory_space<hbm>> -> memref<16x2048xf32, #tpu.memory_space<hbm>>
    %dma_start3A_96 = arith.constant 0 : i32
    %dma_start3A_97 = tpu.memref_slice %arg4[%add3A_93, %dma_start3A_96] : memref<8192x2048xf32, #tpu.memory_space<hbm>> -> memref<16x2048xf32, #tpu.memory_space<hbm>>
    tpu.enqueue_dma source(%arg10 : memref<16x2048xf32, #tpu.memory_space<vmem>>) target(%dma_start3A_97 : memref<16x2048xf32, #tpu.memory_space<hbm>>) target_semaphore(%arg16 : memref<!tpu.dma_semaphore, #tpu.memory_space<semaphore_mem>>)
    %add3A_98 = arith.constant 32 : i32
    %add3A_99 = arith.addi %mul3A_68, %add3A_98 : i32
    %get3A_100 = arith.index_cast %add3A_99 : i32 to index
    %get3A_101 = tpu.vector_load %arg8[%get3A_100] {strides = array<i32>} : memref<2048xi32, #tpu.memory_space<vmem>>, vector<16xi32>,
    %add3A_102 = vector.broadcast %mul3A_73 : i32 to vector<16xi32>
    %add3A_103 = arith.addi %get3A_101, %add3A_102 : vector<16xi32>
    %dma_start3A_104 = arith.constant 0 : i32
    %dma_start3A_105 = arith.constant 0 : i32
    %dma_start3A_106 = tpu.memref_slice %arg3[%dma_start3A_104, %dma_start3A_105] : memref<16384x2048xf32, #tpu.memory_space<hbm>> -> memref<16384x2048xf32, #tpu.memory_space<hbm>>
    tpu.enqueue_indirect_dma source(%dma_start3A_106 : memref<16384x2048xf32, #tpu.memory_space<hbm>>) target(%arg12 : memref<16x2048xf32, #tpu.memory_space<vmem>>) offsets(%add3A_103 : vector<16xi32>) semaphore(%arg15 : memref<!tpu.dma_semaphore, #tpu.memory_space<semaphore_mem>>)
    %dma_wait3A_107 = arith.constant 0 : i32
    %dma_wait3A_108 = arith.constant 0 : i32
    %dma_wait3A_109 = tpu.memref_slice %arg3[%dma_wait3A_107, %dma_wait3A_108] : memref<16384x2048xf32, #tpu.memory_space<hbm>> -> memref<16384x2048xf32, #tpu.memory_space<hbm>>
    tpu.wait_indirect_dma semaphore(%arg14 : memref<!tpu.dma_semaphore, #tpu.memory_space<semaphore_mem>>) src(%dma_wait3A_109 : memref<16384x2048xf32, #tpu.memory_space<hbm>>) dst(%arg11 : memref<16x2048xf32, #tpu.memory_space<vmem>>)
    %add3A_110 = arith.constant 16 : i32
    %add3A_111 = arith.addi %add3A_71, %add3A_110 : i32
    %dma_start3A_112 = arith.constant 0 : i32
    %dma_start3A_113 = tpu.memref_slice %arg4[%add3A_111, %dma_start3A_112] : memref<8192x2048xf32, #tpu.memory_space<hbm>> -> memref<16x2048xf32, #tpu.memory_space<hbm>>
    %dma_start3A_114 = arith.constant 0 : i32
    %dma_start3A_115 = tpu.memref_slice %arg4[%add3A_111, %dma_start3A_114] : memref<8192x2048xf32, #tpu.memory_space<hbm>> -> memref<16x2048xf32, #tpu.memory_space<hbm>>
    tpu.enqueue_dma source(%arg11 : memref<16x2048xf32, #tpu.memory_space<vmem>>) target(%dma_start3A_115 : memref<16x2048xf32, #tpu.memory_space<hbm>>) target_semaphore(%arg17 : memref<!tpu.dma_semaphore, #tpu.memory_space<semaphore_mem>>)
    %dma_wait3A_116 = arith.constant 0 : i32
    %dma_wait3A_117 = tpu.memref_slice %arg4[%add3A_93, %dma_wait3A_116] : memref<8192x2048xf32, #tpu.memory_space<hbm>> -> memref<16x2048xf32, #tpu.memory_space<hbm>>
    %dma_wait3A_118 = arith.constant 0 : i32
    %dma_wait3A_119 = tpu.memref_slice %arg4[%add3A_93, %dma_wait3A_118] : memref<8192x2048xf32, #tpu.memory_space<hbm>> -> memref<16x2048xf32, #tpu.memory_space<hbm>>
    tpu.wait_dma2 semaphore(%arg16 : memref<!tpu.dma_semaphore, #tpu.memory_space<semaphore_mem>>) src(%arg10 : memref<16x2048xf32, #tpu.memory_space<vmem>>) dst(%dma_wait3A_119 : memref<16x2048xf32, #tpu.memory_space<hbm>>)
    %add3A_120 = arith.constant 48 : i32
    %add3A_121 = arith.addi %mul3A_68, %add3A_120 : i32
    %get3A_122 = arith.index_cast %add3A_121 : i32 to index
    %get3A_123 = tpu.vector_load %arg8[%get3A_122] {strides = array<i32>} : memref<2048xi32, #tpu.memory_space<vmem>>, vector<16xi32>,
    %add3A_124 = vector.broadcast %mul3A_73 : i32 to vector<16xi32>
    %add3A_125 = arith.addi %get3A_123, %add3A_124 : vector<16xi32>
    %dma_start3A_126 = arith.constant 0 : i32
    %dma_start3A_127 = arith.constant 0 : i32
    %dma_start3A_128 = tpu.memref_slice %arg3[%dma_start3A_126, %dma_start3A_127] : memref<16384x2048xf32, #tpu.memory_space<hbm>> -> memref<16384x2048xf32, #tpu.memory_space<hbm>>
    tpu.enqueue_indirect_dma source(%dma_start3A_128 : memref<16384x2048xf32, #tpu.memory_space<hbm>>) target(%arg10 : memref<16x2048xf32, #tpu.memory_space<vmem>>) offsets(%add3A_125 : vector<16xi32>) semaphore(%arg13 : memref<!tpu.dma_semaphore, #tpu.memory_space<semaphore_mem>>)
    %dma_wait3A_129 = arith.constant 0 : i32
    %dma_wait3A_130 = arith.constant 0 : i32
    %dma_wait3A_131 = tpu.memref_slice %arg3[%dma_wait3A_129, %dma_wait3A_130] : memref<16384x2048xf32, #tpu.memory_space<hbm>> -> memref<16384x2048xf32, #tpu.memory_space<hbm>>
    tpu.wait_indirect_dma semaphore(%arg15 : memref<!tpu.dma_semaphore, #tpu.memory_space<semaphore_mem>>) src(%dma_wait3A_131 : memref<16384x2048xf32, #tpu.memory_space<hbm>>) dst(%arg12 : memref<16x2048xf32, #tpu.memory_space<vmem>>)
    %add3A_132 = arith.constant 32 : i32
    %add3A_133 = arith.addi %add3A_71, %add3A_132 : i32
    %dma_start3A_134 = arith.constant 0 : i32
    %dma_start3A_135 = tpu.memref_slice %arg4[%add3A_133, %dma_start3A_134] : memref<8192x2048xf32, #tpu.memory_space<hbm>> -> memref<16x2048xf32, #tpu.memory_space<hbm>>
    %dma_start3A_136 = arith.constant 0 : i32
    %dma_start3A_137 = tpu.memref_slice %arg4[%add3A_133, %dma_start3A_136] : memref<8192x2048xf32, #tpu.memory_space<hbm>> -> memref<16x2048xf32, #tpu.memory_space<hbm>>
    tpu.enqueue_dma source(%arg12 : memref<16x2048xf32, #tpu.memory_space<vmem>>) target(%dma_start3A_137 : memref<16x2048xf32, #tpu.memory_space<hbm>>) target_semaphore(%arg18 : memref<!tpu.dma_semaphore, #tpu.memory_space<semaphore_mem>>)
    %dma_wait3A_138 = arith.constant 0 : i32
    %dma_wait3A_139 = tpu.memref_slice %arg4[%add3A_111, %dma_wait3A_138] : memref<8192x2048xf32, #tpu.memory_space<hbm>> -> memref<16x2048xf32, #tpu.memory_space<hbm>>
    %dma_wait3A_140 = arith.constant 0 : i32
    %dma_wait3A_141 = tpu.memref_slice %arg4[%add3A_111, %dma_wait3A_140] : memref<8192x2048xf32, #tpu.memory_space<hbm>> -> memref<16x2048xf32, #tpu.memory_space<hbm>>
    tpu.wait_dma2 semaphore(%arg17 : memref<!tpu.dma_semaphore, #tpu.memory_space<semaphore_mem>>) src(%arg11 : memref<16x2048xf32, #tpu.memory_space<vmem>>) dst(%dma_wait3A_141 : memref<16x2048xf32, #tpu.memory_space<hbm>>)
    %add3A_142 = arith.constant 64 : i32
    %add3A_143 = arith.addi %mul3A_68, %add3A_142 : i32
    %get3A_144 = arith.index_cast %add3A_143 : i32 to index
    %get3A_145 = tpu.vector_load %arg8[%get3A_144] {strides = array<i32>} : memref<2048xi32, #tpu.memory_space<vmem>>, vector<16xi32>,
    %add3A_146 = vector.broadcast %mul3A_73 : i32 to vector<16xi32>
    %add3A_147 = arith.addi %get3A_145, %add3A_146 : vector<16xi32>
    %dma_start3A_148 = arith.constant 0 : i32
    %dma_start3A_149 = arith.constant 0 : i32
    %dma_start3A_150 = tpu.memref_slice %arg3[%dma_start3A_148, %dma_start3A_149] : memref<16384x2048xf32, #tpu.memory_space<hbm>> -> memref<16384x2048xf32, #tpu.memory_space<hbm>>
    tpu.enqueue_indirect_dma source(%dma_start3A_150 : memref<16384x2048xf32, #tpu.memory_space<hbm>>) target(%arg11 : memref<16x2048xf32, #tpu.memory_space<vmem>>) offsets(%add3A_147 : vector<16xi32>) semaphore(%arg14 : memref<!tpu.dma_semaphore, #tpu.memory_space<semaphore_mem>>)
    %dma_wait3A_151 = arith.constant 0 : i32
    %dma_wait3A_152 = arith.constant 0 : i32
    %dma_wait3A_153 = tpu.memref_slice %arg3[%dma_wait3A_151, %dma_wait3A_152] : memref<16384x2048xf32, #tpu.memory_space<hbm>> -> memref<16384x2048xf32, #tpu.memory_space<hbm>>
    tpu.wait_indirect_dma semaphore(%arg13 : memref<!tpu.dma_semaphore, #tpu.memory_space<semaphore_mem>>) src(%dma_wait3A_153 : memref<16384x2048xf32, #tpu.memory_space<hbm>>) dst(%arg10 : memref<16x2048xf32, #tpu.memory_space<vmem>>)
    %add3A_154 = arith.constant 48 : i32
    %add3A_155 = arith.addi %add3A_71, %add3A_154 : i32
    %dma_start3A_156 = arith.constant 0 : i32
    %dma_start3A_157 = tpu.memref_slice %arg4[%add3A_155, %dma_start3A_156] : memref<8192x2048xf32, #tpu.memory_space<hbm>> -> memref<16x2048xf32, #tpu.memory_space<hbm>>
    %dma_start3A_158 = arith.constant 0 : i32
    %dma_start3A_159 = tpu.memref_slice %arg4[%add3A_155, %dma_start3A_158] : memref<8192x2048xf32, #tpu.memory_space<hbm>> -> memref<16x2048xf32, #tpu.memory_space<hbm>>
    tpu.enqueue_dma source(%arg10 : memref<16x2048xf32, #tpu.memory_space<vmem>>) target(%dma_start3A_159 : memref<16x2048xf32, #tpu.memory_space<hbm>>) target_semaphore(%arg16 : memref<!tpu.dma_semaphore, #tpu.memory_space<semaphore_mem>>)
    %dma_wait3A_160 = arith.constant 0 : i32
    %dma_wait3A_161 = tpu.memref_slice %arg4[%add3A_133, %dma_wait3A_160] : memref<8192x2048xf32, #tpu.memory_space<hbm>> -> memref<16x2048xf32, #tpu.memory_space<hbm>>
    %dma_wait3A_162 = arith.constant 0 : i32
    %dma_wait3A_163 = tpu.memref_slice %arg4[%add3A_133, %dma_wait3A_162] : memref<8192x2048xf32, #tpu.memory_space<hbm>> -> memref<16x2048xf32, #tpu.memory_space<hbm>>
    tpu.wait_dma2 semaphore(%arg18 : memref<!tpu.dma_semaphore, #tpu.memory_space<semaphore_mem>>) src(%arg12 : memref<16x2048xf32, #tpu.memory_space<vmem>>) dst(%dma_wait3A_163 : memref<16x2048xf32, #tpu.memory_space<hbm>>)
    %add3A_164 = arith.constant 80 : i32
    %add3A_165 = arith.addi %mul3A_68, %add3A_164 : i32
    %get3A_166 = arith.index_cast %add3A_165 : i32 to index
    %get3A_167 = tpu.vector_load %arg8[%get3A_166] {strides = array<i32>} : memref<2048xi32, #tpu.memory_space<vmem>>, vector<16xi32>,
    %add3A_168 = vector.broadcast %mul3A_73 : i32 to vector<16xi32>
    %add3A_169 = arith.addi %get3A_167, %add3A_168 : vector<16xi32>
    %dma_start3A_170 = arith.constant 0 : i32
    %dma_start3A_171 = arith.constant 0 : i32
    %dma_start3A_172 = tpu.memref_slice %arg3[%dma_start3A_170, %dma_start3A_171] : memref<16384x2048xf32, #tpu.memory_space<hbm>> -> memref<16384x2048xf32, #tpu.memory_space<hbm>>
    tpu.enqueue_indirect_dma source(%dma_start3A_172 : memref<16384x2048xf32, #tpu.memory_space<hbm>>) target(%arg12 : memref<16x2048xf32, #tpu.memory_space<vmem>>) offsets(%add3A_169 : vector<16xi32>) semaphore(%arg15 : memref<!tpu.dma_semaphore, #tpu.memory_space<semaphore_mem>>)
    %dma_wait3A_173 = arith.constant 0 : i32
    %dma_wait3A_174 = arith.constant 0 : i32
    %dma_wait3A_175 = tpu.memref_slice %arg3[%dma_wait3A_173, %dma_wait3A_174] : memref<16384x2048xf32, #tpu.memory_space<hbm>> -> memref<16384x2048xf32, #tpu.memory_space<hbm>>
    tpu.wait_indirect_dma semaphore(%arg14 : memref<!tpu.dma_semaphore, #tpu.memory_space<semaphore_mem>>) src(%dma_wait3A_175 : memref<16384x2048xf32, #tpu.memory_space<hbm>>) dst(%arg11 : memref<16x2048xf32, #tpu.memory_space<vmem>>)
    %add3A_176 = arith.constant 64 : i32
    %add3A_177 = arith.addi %add3A_71, %add3A_176 : i32
    %dma_start3A_178 = arith.constant 0 : i32
    %dma_start3A_179 = tpu.memref_slice %arg4[%add3A_177, %dma_start3A_178] : memref<8192x2048xf32, #tpu.memory_space<hbm>> -> memref<16x2048xf32, #tpu.memory_space<hbm>>
    %dma_start3A_180 = arith.constant 0 : i32
    %dma_start3A_181 = tpu.memref_slice %arg4[%add3A_177, %dma_start3A_180] : memref<8192x2048xf32, #tpu.memory_space<hbm>> -> memref<16x2048xf32, #tpu.memory_space<hbm>>
    tpu.enqueue_dma source(%arg11 : memref<16x2048xf32, #tpu.memory_space<vmem>>) target(%dma_start3A_181 : memref<16x2048xf32, #tpu.memory_space<hbm>>) target_semaphore(%arg17 : memref<!tpu.dma_semaphore, #tpu.memory_space<semaphore_mem>>)
    %dma_wait3A_182 = arith.constant 0 : i32
    %dma_wait3A_183 = tpu.memref_slice %arg4[%add3A_155, %dma_wait3A_182] : memref<8192x2048xf32, #tpu.memory_space<hbm>> -> memref<16x2048xf32, #tpu.memory_space<hbm>>
    %dma_wait3A_184 = arith.constant 0 : i32
    %dma_wait3A_185 = tpu.memref_slice %arg4[%add3A_155, %dma_wait3A_184] : memref<8192x2048xf32, #tpu.memory_space<hbm>> -> memref<16x2048xf32, #tpu.memory_space<hbm>>
    tpu.wait_dma2 semaphore(%arg16 : memref<!tpu.dma_semaphore, #tpu.memory_space<semaphore_mem>>) src(%arg10 : memref<16x2048xf32, #tpu.memory_space<vmem>>) dst(%dma_wait3A_185 : memref<16x2048xf32, #tpu.memory_space<hbm>>)
    %add3A_186 = arith.constant 96 : i32
    %add3A_187 = arith.addi %mul3A_68, %add3A_186 : i32
    %get3A_188 = arith.index_cast %add3A_187 : i32 to index
    %get3A_189 = tpu.vector_load %arg8[%get3A_188] {strides = array<i32>} : memref<2048xi32, #tpu.memory_space<vmem>>, vector<16xi32>,
    %add3A_190 = vector.broadcast %mul3A_73 : i32 to vector<16xi32>
    %add3A_191 = arith.addi %get3A_189, %add3A_190 : vector<16xi32>
    %dma_start3A_192 = arith.constant 0 : i32
    %dma_start3A_193 = arith.constant 0 : i32
    %dma_start3A_194 = tpu.memref_slice %arg3[%dma_start3A_192, %dma_start3A_193] : memref<16384x2048xf32, #tpu.memory_space<hbm>> -> memref<16384x2048xf32, #tpu.memory_space<hbm>>
    tpu.enqueue_indirect_dma source(%dma_start3A_194 : memref<16384x2048xf32, #tpu.memory_space<hbm>>) target(%arg10 : memref<16x2048xf32, #tpu.memory_space<vmem>>) offsets(%add3A_191 : vector<16xi32>) semaphore(%arg13 : memref<!tpu.dma_semaphore, #tpu.memory_space<semaphore_mem>>)
    %dma_wait3A_195 = arith.constant 0 : i32
    %dma_wait3A_196 = arith.constant 0 : i32
    %dma_wait3A_197 = tpu.memref_slice %arg3[%dma_wait3A_195, %dma_wait3A_196] : memref<16384x2048xf32, #tpu.memory_space<hbm>> -> memref<16384x2048xf32, #tpu.memory_space<hbm>>
    tpu.wait_indirect_dma semaphore(%arg15 : memref<!tpu.dma_semaphore, #tpu.memory_space<semaphore_mem>>) src(%dma_wait3A_197 : memref<16384x2048xf32, #tpu.memory_space<hbm>>) dst(%arg12 : memref<16x2048xf32, #tpu.memory_space<vmem>>)
    %add3A_198 = arith.constant 80 : i32
    %add3A_199 = arith.addi %add3A_71, %add3A_198 : i32
    %dma_start3A_200 = arith.constant 0 : i32
    %dma_start3A_201 = tpu.memref_slice %arg4[%add3A_199, %dma_start3A_200] : memref<8192x2048xf32, #tpu.memory_space<hbm>> -> memref<16x2048xf32, #tpu.memory_space<hbm>>
    %dma_start3A_202 = arith.constant 0 : i32
    %dma_start3A_203 = tpu.memref_slice %arg4[%add3A_199, %dma_start3A_202] : memref<8192x2048xf32, #tpu.memory_space<hbm>> -> memref<16x2048xf32, #tpu.memory_space<hbm>>
    tpu.enqueue_dma source(%arg12 : memref<16x2048xf32, #tpu.memory_space<vmem>>) target(%dma_start3A_203 : memref<16x2048xf32, #tpu.memory_space<hbm>>) target_semaphore(%arg18 : memref<!tpu.dma_semaphore, #tpu.memory_space<semaphore_mem>>)
    %dma_wait3A_204 = arith.constant 0 : i32
    %dma_wait3A_205 = tpu.memref_slice %arg4[%add3A_177, %dma_wait3A_204] : memref<8192x2048xf32, #tpu.memory_space<hbm>> -> memref<16x2048xf32, #tpu.memory_space<hbm>>
    %dma_wait3A_206 = arith.constant 0 : i32
    %dma_wait3A_207 = tpu.memref_slice %arg4[%add3A_177, %dma_wait3A_206] : memref<8192x2048xf32, #tpu.memory_space<hbm>> -> memref<16x2048xf32, #tpu.memory_space<hbm>>
    tpu.wait_dma2 semaphore(%arg17 : memref<!tpu.dma_semaphore, #tpu.memory_space<semaphore_mem>>) src(%arg11 : memref<16x2048xf32, #tpu.memory_space<vmem>>) dst(%dma_wait3A_207 : memref<16x2048xf32, #tpu.memory_space<hbm>>)
    %add3A_208 = arith.constant 112 : i32
    %add3A_209 = arith.addi %mul3A_68, %add3A_208 : i32
    %get3A_210 = arith.index_cast %add3A_209 : i32 to index
    %get3A_211 = tpu.vector_load %arg8[%get3A_210] {strides = array<i32>} : memref<2048xi32, #tpu.memory_space<vmem>>, vector<16xi32>,
    %add3A_212 = vector.broadcast %mul3A_73 : i32 to vector<16xi32>
    %add3A_213 = arith.addi %get3A_211, %add3A_212 : vector<16xi32>
    %dma_start3A_214 = arith.constant 0 : i32
    %dma_start3A_215 = arith.constant 0 : i32
    %dma_start3A_216 = tpu.memref_slice %arg3[%dma_start3A_214, %dma_start3A_215] : memref<16384x2048xf32, #tpu.memory_space<hbm>> -> memref<16384x2048xf32, #tpu.memory_space<hbm>>
    tpu.enqueue_indirect_dma source(%dma_start3A_216 : memref<16384x2048xf32, #tpu.memory_space<hbm>>) target(%arg11 : memref<16x2048xf32, #tpu.memory_space<vmem>>) offsets(%add3A_213 : vector<16xi32>) semaphore(%arg14 : memref<!tpu.dma_semaphore, #tpu.memory_space<semaphore_mem>>)
    %dma_wait3A_217 = arith.constant 0 : i32
    %dma_wait3A_218 = arith.constant 0 : i32
    %dma_wait3A_219 = tpu.memref_slice %arg3[%dma_wait3A_217, %dma_wait3A_218] : memref<16384x2048xf32, #tpu.memory_space<hbm>> -> memref<16384x2048xf32, #tpu.memory_space<hbm>>
    tpu.wait_indirect_dma semaphore(%arg13 : memref<!tpu.dma_semaphore, #tpu.memory_space<semaphore_mem>>) src(%dma_wait3A_219 : memref<16384x2048xf32, #tpu.memory_space<hbm>>) dst(%arg10 : memref<16x2048xf32, #tpu.memory_space<vmem>>)
    %add3A_220 = arith.constant 96 : i32
    %add3A_221 = arith.addi %add3A_71, %add3A_220 : i32
    %dma_start3A_222 = arith.constant 0 : i32
    %dma_start3A_223 = tpu.memref_slice %arg4[%add3A_221, %dma_start3A_222] : memref<8192x2048xf32, #tpu.memory_space<hbm>> -> memref<16x2048xf32, #tpu.memory_space<hbm>>
    %dma_start3A_224 = arith.constant 0 : i32
    %dma_start3A_225 = tpu.memref_slice %arg4[%add3A_221, %dma_start3A_224] : memref<8192x2048xf32, #tpu.memory_space<hbm>> -> memref<16x2048xf32, #tpu.memory_space<hbm>>
    tpu.enqueue_dma source(%arg10 : memref<16x2048xf32, #tpu.memory_space<vmem>>) target(%dma_start3A_225 : memref<16x2048xf32, #tpu.memory_space<hbm>>) target_semaphore(%arg16 : memref<!tpu.dma_semaphore, #tpu.memory_space<semaphore_mem>>)
    %dma_wait3A_226 = arith.constant 0 : i32
    %dma_wait3A_227 = tpu.memref_slice %arg4[%add3A_199, %dma_wait3A_226] : memref<8192x2048xf32, #tpu.memory_space<hbm>> -> memref<16x2048xf32, #tpu.memory_space<hbm>>
    %dma_wait3A_228 = arith.constant 0 : i32
    %dma_wait3A_229 = tpu.memref_slice %arg4[%add3A_199, %dma_wait3A_228] : memref<8192x2048xf32, #tpu.memory_space<hbm>> -> memref<16x2048xf32, #tpu.memory_space<hbm>>
    tpu.wait_dma2 semaphore(%arg18 : memref<!tpu.dma_semaphore, #tpu.memory_space<semaphore_mem>>) src(%arg12 : memref<16x2048xf32, #tpu.memory_space<vmem>>) dst(%dma_wait3A_229 : memref<16x2048xf32, #tpu.memory_space<hbm>>)
    %add3A_230 = arith.constant 128 : i32
    %add3A_231 = arith.addi %mul3A_68, %add3A_230 : i32
    %get3A_232 = arith.index_cast %add3A_231 : i32 to index
    %get3A_233 = tpu.vector_load %arg8[%get3A_232] {strides = array<i32>} : memref<2048xi32, #tpu.memory_space<vmem>>, vector<16xi32>,
    %add3A_234 = vector.broadcast %mul3A_73 : i32 to vector<16xi32>
    %add3A_235 = arith.addi %get3A_233, %add3A_234 : vector<16xi32>
    %dma_start3A_236 = arith.constant 0 : i32
    %dma_start3A_237 = arith.constant 0 : i32
    %dma_start3A_238 = tpu.memref_slice %arg3[%dma_start3A_236, %dma_start3A_237] : memref<16384x2048xf32, #tpu.memory_space<hbm>> -> memref<16384x2048xf32, #tpu.memory_space<hbm>>
    tpu.enqueue_indirect_dma source(%dma_start3A_238 : memref<16384x2048xf32, #tpu.memory_space<hbm>>) target(%arg12 : memref<16x2048xf32, #tpu.memory_space<vmem>>) offsets(%add3A_235 : vector<16xi32>) semaphore(%arg15 : memref<!tpu.dma_semaphore, #tpu.memory_space<semaphore_mem>>)
    %dma_wait3A_239 = arith.constant 0 : i32
    %dma_wait3A_240 = arith.constant 0 : i32
    %dma_wait3A_241 = tpu.memref_slice %arg3[%dma_wait3A_239, %dma_wait3A_240] : memref<16384x2048xf32, #tpu.memory_space<hbm>> -> memref<16384x2048xf32, #tpu.memory_space<hbm>>
    tpu.wait_indirect_dma semaphore(%arg14 : memref<!tpu.dma_semaphore, #tpu.memory_space<semaphore_mem>>) src(%dma_wait3A_241 : memref<16384x2048xf32, #tpu.memory_space<hbm>>) dst(%arg11 : memref<16x2048xf32, #tpu.memory_space<vmem>>)
    %add3A_242 = arith.constant 112 : i32
    %add3A_243 = arith.addi %add3A_71, %add3A_242 : i32
    %dma_start3A_244 = arith.constant 0 : i32
    %dma_start3A_245 = tpu.memref_slice %arg4[%add3A_243, %dma_start3A_244] : memref<8192x2048xf32, #tpu.memory_space<hbm>> -> memref<16x2048xf32, #tpu.memory_space<hbm>>
    %dma_start3A_246 = arith.constant 0 : i32
    %dma_start3A_247 = tpu.memref_slice %arg4[%add3A_243, %dma_start3A_246] : memref<8192x2048xf32, #tpu.memory_space<hbm>> -> memref<16x2048xf32, #tpu.memory_space<hbm>>
    tpu.enqueue_dma source(%arg11 : memref<16x2048xf32, #tpu.memory_space<vmem>>) target(%dma_start3A_247 : memref<16x2048xf32, #tpu.memory_space<hbm>>) target_semaphore(%arg17 : memref<!tpu.dma_semaphore, #tpu.memory_space<semaphore_mem>>)
    %dma_wait3A_248 = arith.constant 0 : i32
    %dma_wait3A_249 = tpu.memref_slice %arg4[%add3A_221, %dma_wait3A_248] : memref<8192x2048xf32, #tpu.memory_space<hbm>> -> memref<16x2048xf32, #tpu.memory_space<hbm>>
    %dma_wait3A_250 = arith.constant 0 : i32
    %dma_wait3A_251 = tpu.memref_slice %arg4[%add3A_221, %dma_wait3A_250] : memref<8192x2048xf32, #tpu.memory_space<hbm>> -> memref<16x2048xf32, #tpu.memory_space<hbm>>
    tpu.wait_dma2 semaphore(%arg16 : memref<!tpu.dma_semaphore, #tpu.memory_space<semaphore_mem>>) src(%arg10 : memref<16x2048xf32, #tpu.memory_space<vmem>>) dst(%dma_wait3A_251 : memref<16x2048xf32, #tpu.memory_space<hbm>>)
    %add3A_252 = arith.constant 144 : i32
    %add3A_253 = arith.addi %mul3A_68, %add3A_252 : i32
    %get3A_254 = arith.index_cast %add3A_253 : i32 to index
    %get3A_255 = tpu.vector_load %arg8[%get3A_254] {strides = array<i32>} : memref<2048xi32, #tpu.memory_space<vmem>>, vector<16xi32>,
    %add3A_256 = vector.broadcast %mul3A_73 : i32 to vector<16xi32>
    %add3A_257 = arith.addi %get3A_255, %add3A_256 : vector<16xi32>
    %dma_start3A_258 = arith.constant 0 : i32
    %dma_start3A_259 = arith.constant 0 : i32
    %dma_start3A_260 = tpu.memref_slice %arg3[%dma_start3A_258, %dma_start3A_259] : memref<16384x2048xf32, #tpu.memory_space<hbm>> -> memref<16384x2048xf32, #tpu.memory_space<hbm>>
    tpu.enqueue_indirect_dma source(%dma_start3A_260 : memref<16384x2048xf32, #tpu.memory_space<hbm>>) target(%arg10 : memref<16x2048xf32, #tpu.memory_space<vmem>>) offsets(%add3A_257 : vector<16xi32>) semaphore(%arg13 : memref<!tpu.dma_semaphore, #tpu.memory_space<semaphore_mem>>)
    %dma_wait3A_261 = arith.constant 0 : i32
    %dma_wait3A_262 = arith.constant 0 : i32
    %dma_wait3A_263 = tpu.memref_slice %arg3[%dma_wait3A_261, %dma_wait3A_262] : memref<16384x2048xf32, #tpu.memory_space<hbm>> -> memref<16384x2048xf32, #tpu.memory_space<hbm>>
    tpu.wait_indirect_dma semaphore(%arg15 : memref<!tpu.dma_semaphore, #tpu.memory_space<semaphore_mem>>) src(%dma_wait3A_263 : memref<16384x2048xf32, #tpu.memory_space<hbm>>) dst(%arg12 : memref<16x2048xf32, #tpu.memory_space<vmem>>)
    %add3A_264 = arith.constant 128 : i32
    %add3A_265 = arith.addi %add3A_71, %add3A_264 : i32
    %dma_start3A_266 = arith.constant 0 : i32
    %dma_start3A_267 = tpu.memref_slice %arg4[%add3A_265, %dma_start3A_266] : memref<8192x2048xf32, #tpu.memory_space<hbm>> -> memref<16x2048xf32, #tpu.memory_space<hbm>>
    %dma_start3A_268 = arith.constant 0 : i32
    %dma_start3A_269 = tpu.memref_slice %arg4[%add3A_265, %dma_start3A_268] : memref<8192x2048xf32, #tpu.memory_space<hbm>> -> memref<16x2048xf32, #tpu.memory_space<hbm>>
    tpu.enqueue_dma source(%arg12 : memref<16x2048xf32, #tpu.memory_space<vmem>>) target(%dma_start3A_269 : memref<16x2048xf32, #tpu.memory_space<hbm>>) target_semaphore(%arg18 : memref<!tpu.dma_semaphore, #tpu.memory_space<semaphore_mem>>)
    %dma_wait3A_270 = arith.constant 0 : i32
    %dma_wait3A_271 = tpu.memref_slice %arg4[%add3A_243, %dma_wait3A_270] : memref<8192x2048xf32, #tpu.memory_space<hbm>> -> memref<16x2048xf32, #tpu.memory_space<hbm>>
    %dma_wait3A_272 = arith.constant 0 : i32
    %dma_wait3A_273 = tpu.memref_slice %arg4[%add3A_243, %dma_wait3A_272] : memref<8192x2048xf32, #tpu.memory_space<hbm>> -> memref<16x2048xf32, #tpu.memory_space<hbm>>
    tpu.wait_dma2 semaphore(%arg17 : memref<!tpu.dma_semaphore, #tpu.memory_space<semaphore_mem>>) src(%arg11 : memref<16x2048xf32, #tpu.memory_space<vmem>>) dst(%dma_wait3A_273 : memref<16x2048xf32, #tpu.memory_space<hbm>>)
    %add3A_274 = arith.constant 160 : i32
    %add3A_275 = arith.addi %mul3A_68, %add3A_274 : i32
    %get3A_276 = arith.index_cast %add3A_275 : i32 to index
    %get3A_277 = tpu.vector_load %arg8[%get3A_276] {strides = array<i32>} : memref<2048xi32, #tpu.memory_space<vmem>>, vector<16xi32>,
    %add3A_278 = vector.broadcast %mul3A_73 : i32 to vector<16xi32>
    %add3A_279 = arith.addi %get3A_277, %add3A_278 : vector<16xi32>
    %dma_start3A_280 = arith.constant 0 : i32
    %dma_start3A_281 = arith.constant 0 : i32
    %dma_start3A_282 = tpu.memref_slice %arg3[%dma_start3A_280, %dma_start3A_281] : memref<16384x2048xf32, #tpu.memory_space<hbm>> -> memref<16384x2048xf32, #tpu.memory_space<hbm>>
    tpu.enqueue_indirect_dma source(%dma_start3A_282 : memref<16384x2048xf32, #tpu.memory_space<hbm>>) target(%arg11 : memref<16x2048xf32, #tpu.memory_space<vmem>>) offsets(%add3A_279 : vector<16xi32>) semaphore(%arg14 : memref<!tpu.dma_semaphore, #tpu.memory_space<semaphore_mem>>)
    %dma_wait3A_283 = arith.constant 0 : i32
    %dma_wait3A_284 = arith.constant 0 : i32
    %dma_wait3A_285 = tpu.memref_slice %arg3[%dma_wait3A_283, %dma_wait3A_284] : memref<16384x2048xf32, #tpu.memory_space<hbm>> -> memref<16384x2048xf32, #tpu.memory_space<hbm>>
    tpu.wait_indirect_dma semaphore(%arg13 : memref<!tpu.dma_semaphore, #tpu.memory_space<semaphore_mem>>) src(%dma_wait3A_285 : memref<16384x2048xf32, #tpu.memory_space<hbm>>) dst(%arg10 : memref<16x2048xf32, #tpu.memory_space<vmem>>)
    %add3A_286 = arith.constant 144 : i32
    %add3A_287 = arith.addi %add3A_71, %add3A_286 : i32
    %dma_start3A_288 = arith.constant 0 : i32
    %dma_start3A_289 = tpu.memref_slice %arg4[%add3A_287, %dma_start3A_288] : memref<8192x2048xf32, #tpu.memory_space<hbm>> -> memref<16x2048xf32, #tpu.memory_space<hbm>>
    %dma_start3A_290 = arith.constant 0 : i32
    %dma_start3A_291 = tpu.memref_slice %arg4[%add3A_287, %dma_start3A_290] : memref<8192x2048xf32, #tpu.memory_space<hbm>> -> memref<16x2048xf32, #tpu.memory_space<hbm>>
    tpu.enqueue_dma source(%arg10 : memref<16x2048xf32, #tpu.memory_space<vmem>>) target(%dma_start3A_291 : memref<16x2048xf32, #tpu.memory_space<hbm>>) target_semaphore(%arg16 : memref<!tpu.dma_semaphore, #tpu.memory_space<semaphore_mem>>)
    %dma_wait3A_292 = arith.constant 0 : i32
    %dma_wait3A_293 = tpu.memref_slice %arg4[%add3A_265, %dma_wait3A_292] : memref<8192x2048xf32, #tpu.memory_space<hbm>> -> memref<16x2048xf32, #tpu.memory_space<hbm>>
    %dma_wait3A_294 = arith.constant 0 : i32
    %dma_wait3A_295 = tpu.memref_slice %arg4[%add3A_265, %dma_wait3A_294] : memref<8192x2048xf32, #tpu.memory_space<hbm>> -> memref<16x2048xf32, #tpu.memory_space<hbm>>
    tpu.wait_dma2 semaphore(%arg18 : memref<!tpu.dma_semaphore, #tpu.memory_space<semaphore_mem>>) src(%arg12 : memref<16x2048xf32, #tpu.memory_space<vmem>>) dst(%dma_wait3A_295 : memref<16x2048xf32, #tpu.memory_space<hbm>>)
    %add3A_296 = arith.constant 176 : i32
    %add3A_297 = arith.addi %mul3A_68, %add3A_296 : i32
    %get3A_298 = arith.index_cast %add3A_297 : i32 to index
    %get3A_299 = tpu.vector_load %arg8[%get3A_298] {strides = array<i32>} : memref<2048xi32, #tpu.memory_space<vmem>>, vector<16xi32>,
    %add3A_300 = vector.broadcast %mul3A_73 : i32 to vector<16xi32>
    %add3A_301 = arith.addi %get3A_299, %add3A_300 : vector<16xi32>
    %dma_start3A_302 = arith.constant 0 : i32
    %dma_start3A_303 = arith.constant 0 : i32
    %dma_start3A_304 = tpu.memref_slice %arg3[%dma_start3A_302, %dma_start3A_303] : memref<16384x2048xf32, #tpu.memory_space<hbm>> -> memref<16384x2048xf32, #tpu.memory_space<hbm>>
    tpu.enqueue_indirect_dma source(%dma_start3A_304 : memref<16384x2048xf32, #tpu.memory_space<hbm>>) target(%arg12 : memref<16x2048xf32, #tpu.memory_space<vmem>>) offsets(%add3A_301 : vector<16xi32>) semaphore(%arg15 : memref<!tpu.dma_semaphore, #tpu.memory_space<semaphore_mem>>)
    %dma_wait3A_305 = arith.constant 0 : i32
    %dma_wait3A_306 = arith.constant 0 : i32
    %dma_wait3A_307 = tpu.memref_slice %arg3[%dma_wait3A_305, %dma_wait3A_306] : memref<16384x2048xf32, #tpu.memory_space<hbm>> -> memref<16384x2048xf32, #tpu.memory_space<hbm>>
    tpu.wait_indirect_dma semaphore(%arg14 : memref<!tpu.dma_semaphore, #tpu.memory_space<semaphore_mem>>) src(%dma_wait3A_307 : memref<16384x2048xf32, #tpu.memory_space<hbm>>) dst(%arg11 : memref<16x2048xf32, #tpu.memory_space<vmem>>)
    %add3A_308 = arith.constant 160 : i32
    %add3A_309 = arith.addi %add3A_71, %add3A_308 : i32
    %dma_start3A_310 = arith.constant 0 : i32
    %dma_start3A_311 = tpu.memref_slice %arg4[%add3A_309, %dma_start3A_310] : memref<8192x2048xf32, #tpu.memory_space<hbm>> -> memref<16x2048xf32, #tpu.memory_space<hbm>>
    %dma_start3A_312 = arith.constant 0 : i32
    %dma_start3A_313 = tpu.memref_slice %arg4[%add3A_309, %dma_start3A_312] : memref<8192x2048xf32, #tpu.memory_space<hbm>> -> memref<16x2048xf32, #tpu.memory_space<hbm>>
    tpu.enqueue_dma source(%arg11 : memref<16x2048xf32, #tpu.memory_space<vmem>>) target(%dma_start3A_313 : memref<16x2048xf32, #tpu.memory_space<hbm>>) target_semaphore(%arg17 : memref<!tpu.dma_semaphore, #tpu.memory_space<semaphore_mem>>)
    %dma_wait3A_314 = arith.constant 0 : i32
    %dma_wait3A_315 = tpu.memref_slice %arg4[%add3A_287, %dma_wait3A_314] : memref<8192x2048xf32, #tpu.memory_space<hbm>> -> memref<16x2048xf32, #tpu.memory_space<hbm>>
    %dma_wait3A_316 = arith.constant 0 : i32
    %dma_wait3A_317 = tpu.memref_slice %arg4[%add3A_287, %dma_wait3A_316] : memref<8192x2048xf32, #tpu.memory_space<hbm>> -> memref<16x2048xf32, #tpu.memory_space<hbm>>
    tpu.wait_dma2 semaphore(%arg16 : memref<!tpu.dma_semaphore, #tpu.memory_space<semaphore_mem>>) src(%arg10 : memref<16x2048xf32, #tpu.memory_space<vmem>>) dst(%dma_wait3A_317 : memref<16x2048xf32, #tpu.memory_space<hbm>>)
    %add3A_318 = arith.constant 192 : i32
    %add3A_319 = arith.addi %mul3A_68, %add3A_318 : i32
    %get3A_320 = arith.index_cast %add3A_319 : i32 to index
    %get3A_321 = tpu.vector_load %arg8[%get3A_320] {strides = array<i32>} : memref<2048xi32, #tpu.memory_space<vmem>>, vector<16xi32>,
    %add3A_322 = vector.broadcast %mul3A_73 : i32 to vector<16xi32>
    %add3A_323 = arith.addi %get3A_321, %add3A_322 : vector<16xi32>
    %dma_start3A_324 = arith.constant 0 : i32
    %dma_start3A_325 = arith.constant 0 : i32
    %dma_start3A_326 = tpu.memref_slice %arg3[%dma_start3A_324, %dma_start3A_325] : memref<16384x2048xf32, #tpu.memory_space<hbm>> -> memref<16384x2048xf32, #tpu.memory_space<hbm>>
    tpu.enqueue_indirect_dma source(%dma_start3A_326 : memref<16384x2048xf32, #tpu.memory_space<hbm>>) target(%arg10 : memref<16x2048xf32, #tpu.memory_space<vmem>>) offsets(%add3A_323 : vector<16xi32>) semaphore(%arg13 : memref<!tpu.dma_semaphore, #tpu.memory_space<semaphore_mem>>)
    %dma_wait3A_327 = arith.constant 0 : i32
    %dma_wait3A_328 = arith.constant 0 : i32
    %dma_wait3A_329 = tpu.memref_slice %arg3[%dma_wait3A_327, %dma_wait3A_328] : memref<16384x2048xf32, #tpu.memory_space<hbm>> -> memref<16384x2048xf32, #tpu.memory_space<hbm>>
    tpu.wait_indirect_dma semaphore(%arg15 : memref<!tpu.dma_semaphore, #tpu.memory_space<semaphore_mem>>) src(%dma_wait3A_329 : memref<16384x2048xf32, #tpu.memory_space<hbm>>) dst(%arg12 : memref<16x2048xf32, #tpu.memory_space<vmem>>)
    %add3A_330 = arith.constant 176 : i32
    %add3A_331 = arith.addi %add3A_71, %add3A_330 : i32
    %dma_start3A_332 = arith.constant 0 : i32
    %dma_start3A_333 = tpu.memref_slice %arg4[%add3A_331, %dma_start3A_332] : memref<8192x2048xf32, #tpu.memory_space<hbm>> -> memref<16x2048xf32, #tpu.memory_space<hbm>>
    %dma_start3A_334 = arith.constant 0 : i32
    %dma_start3A_335 = tpu.memref_slice %arg4[%add3A_331, %dma_start3A_334] : memref<8192x2048xf32, #tpu.memory_space<hbm>> -> memref<16x2048xf32, #tpu.memory_space<hbm>>
    tpu.enqueue_dma source(%arg12 : memref<16x2048xf32, #tpu.memory_space<vmem>>) target(%dma_start3A_335 : memref<16x2048xf32, #tpu.memory_space<hbm>>) target_semaphore(%arg18 : memref<!tpu.dma_semaphore, #tpu.memory_space<semaphore_mem>>)
    %dma_wait3A_336 = arith.constant 0 : i32
    %dma_wait3A_337 = tpu.memref_slice %arg4[%add3A_309, %dma_wait3A_336] : memref<8192x2048xf32, #tpu.memory_space<hbm>> -> memref<16x2048xf32, #tpu.memory_space<hbm>>
    %dma_wait3A_338 = arith.constant 0 : i32
    %dma_wait3A_339 = tpu.memref_slice %arg4[%add3A_309, %dma_wait3A_338] : memref<8192x2048xf32, #tpu.memory_space<hbm>> -> memref<16x2048xf32, #tpu.memory_space<hbm>>
    tpu.wait_dma2 semaphore(%arg17 : memref<!tpu.dma_semaphore, #tpu.memory_space<semaphore_mem>>) src(%arg11 : memref<16x2048xf32, #tpu.memory_space<vmem>>) dst(%dma_wait3A_339 : memref<16x2048xf32, #tpu.memory_space<hbm>>)
    %add3A_340 = arith.constant 208 : i32
    %add3A_341 = arith.addi %mul3A_68, %add3A_340 : i32
    %get3A_342 = arith.index_cast %add3A_341 : i32 to index
    %get3A_343 = tpu.vector_load %arg8[%get3A_342] {strides = array<i32>} : memref<2048xi32, #tpu.memory_space<vmem>>, vector<16xi32>,
    %add3A_344 = vector.broadcast %mul3A_73 : i32 to vector<16xi32>
    %add3A_345 = arith.addi %get3A_343, %add3A_344 : vector<16xi32>
    %dma_start3A_346 = arith.constant 0 : i32
    %dma_start3A_347 = arith.constant 0 : i32
    %dma_start3A_348 = tpu.memref_slice %arg3[%dma_start3A_346, %dma_start3A_347] : memref<16384x2048xf32, #tpu.memory_space<hbm>> -> memref<16384x2048xf32, #tpu.memory_space<hbm>>
    tpu.enqueue_indirect_dma source(%dma_start3A_348 : memref<16384x2048xf32, #tpu.memory_space<hbm>>) target(%arg11 : memref<16x2048xf32, #tpu.memory_space<vmem>>) offsets(%add3A_345 : vector<16xi32>) semaphore(%arg14 : memref<!tpu.dma_semaphore, #tpu.memory_space<semaphore_mem>>)
    %dma_wait3A_349 = arith.constant 0 : i32
    %dma_wait3A_350 = arith.constant 0 : i32
    %dma_wait3A_351 = tpu.memref_slice %arg3[%dma_wait3A_349, %dma_wait3A_350] : memref<16384x2048xf32, #tpu.memory_space<hbm>> -> memref<16384x2048xf32, #tpu.memory_space<hbm>>
    tpu.wait_indirect_dma semaphore(%arg13 : memref<!tpu.dma_semaphore, #tpu.memory_space<semaphore_mem>>) src(%dma_wait3A_351 : memref<16384x2048xf32, #tpu.memory_space<hbm>>) dst(%arg10 : memref<16x2048xf32, #tpu.memory_space<vmem>>)
    %add3A_352 = arith.constant 192 : i32
    %add3A_353 = arith.addi %add3A_71, %add3A_352 : i32
    %dma_start3A_354 = arith.constant 0 : i32
    %dma_start3A_355 = tpu.memref_slice %arg4[%add3A_353, %dma_start3A_354] : memref<8192x2048xf32, #tpu.memory_space<hbm>> -> memref<16x2048xf32, #tpu.memory_space<hbm>>
    %dma_start3A_356 = arith.constant 0 : i32
    %dma_start3A_357 = tpu.memref_slice %arg4[%add3A_353, %dma_start3A_356] : memref<8192x2048xf32, #tpu.memory_space<hbm>> -> memref<16x2048xf32, #tpu.memory_space<hbm>>
    tpu.enqueue_dma source(%arg10 : memref<16x2048xf32, #tpu.memory_space<vmem>>) target(%dma_start3A_357 : memref<16x2048xf32, #tpu.memory_space<hbm>>) target_semaphore(%arg16 : memref<!tpu.dma_semaphore, #tpu.memory_space<semaphore_mem>>)
    %dma_wait3A_358 = arith.constant 0 : i32
    %dma_wait3A_359 = tpu.memref_slice %arg4[%add3A_331, %dma_wait3A_358] : memref<8192x2048xf32, #tpu.memory_space<hbm>> -> memref<16x2048xf32, #tpu.memory_space<hbm>>
    %dma_wait3A_360 = arith.constant 0 : i32
    %dma_wait3A_361 = tpu.memref_slice %arg4[%add3A_331, %dma_wait3A_360] : memref<8192x2048xf32, #tpu.memory_space<hbm>> -> memref<16x2048xf32, #tpu.memory_space<hbm>>
    tpu.wait_dma2 semaphore(%arg18 : memref<!tpu.dma_semaphore, #tpu.memory_space<semaphore_mem>>) src(%arg12 : memref<16x2048xf32, #tpu.memory_space<vmem>>) dst(%dma_wait3A_361 : memref<16x2048xf32, #tpu.memory_space<hbm>>)
    %add3A_362 = arith.constant 224 : i32
    %add3A_363 = arith.addi %mul3A_68, %add3A_362 : i32
    %get3A_364 = arith.index_cast %add3A_363 : i32 to index
    %get3A_365 = tpu.vector_load %arg8[%get3A_364] {strides = array<i32>} : memref<2048xi32, #tpu.memory_space<vmem>>, vector<16xi32>,
    %add3A_366 = vector.broadcast %mul3A_73 : i32 to vector<16xi32>
    %add3A_367 = arith.addi %get3A_365, %add3A_366 : vector<16xi32>
    %dma_start3A_368 = arith.constant 0 : i32
    %dma_start3A_369 = arith.constant 0 : i32
    %dma_start3A_370 = tpu.memref_slice %arg3[%dma_start3A_368, %dma_start3A_369] : memref<16384x2048xf32, #tpu.memory_space<hbm>> -> memref<16384x2048xf32, #tpu.memory_space<hbm>>
    tpu.enqueue_indirect_dma source(%dma_start3A_370 : memref<16384x2048xf32, #tpu.memory_space<hbm>>) target(%arg12 : memref<16x2048xf32, #tpu.memory_space<vmem>>) offsets(%add3A_367 : vector<16xi32>) semaphore(%arg15 : memref<!tpu.dma_semaphore, #tpu.memory_space<semaphore_mem>>)
    %dma_wait3A_371 = arith.constant 0 : i32
    %dma_wait3A_372 = arith.constant 0 : i32
    %dma_wait3A_373 = tpu.memref_slice %arg3[%dma_wait3A_371, %dma_wait3A_372] : memref<16384x2048xf32, #tpu.memory_space<hbm>> -> memref<16384x2048xf32, #tpu.memory_space<hbm>>
    tpu.wait_indirect_dma semaphore(%arg14 : memref<!tpu.dma_semaphore, #tpu.memory_space<semaphore_mem>>) src(%dma_wait3A_373 : memref<16384x2048xf32, #tpu.memory_space<hbm>>) dst(%arg11 : memref<16x2048xf32, #tpu.memory_space<vmem>>)
    %add3A_374 = arith.constant 208 : i32
    %add3A_375 = arith.addi %add3A_71, %add3A_374 : i32
    %dma_start3A_376 = arith.constant 0 : i32
    %dma_start3A_377 = tpu.memref_slice %arg4[%add3A_375, %dma_start3A_376] : memref<8192x2048xf32, #tpu.memory_space<hbm>> -> memref<16x2048xf32, #tpu.memory_space<hbm>>
    %dma_start3A_378 = arith.constant 0 : i32
    %dma_start3A_379 = tpu.memref_slice %arg4[%add3A_375, %dma_start3A_378] : memref<8192x2048xf32, #tpu.memory_space<hbm>> -> memref<16x2048xf32, #tpu.memory_space<hbm>>
    tpu.enqueue_dma source(%arg11 : memref<16x2048xf32, #tpu.memory_space<vmem>>) target(%dma_start3A_379 : memref<16x2048xf32, #tpu.memory_space<hbm>>) target_semaphore(%arg17 : memref<!tpu.dma_semaphore, #tpu.memory_space<semaphore_mem>>)
    %dma_wait3A_380 = arith.constant 0 : i32
    %dma_wait3A_381 = tpu.memref_slice %arg4[%add3A_353, %dma_wait3A_380] : memref<8192x2048xf32, #tpu.memory_space<hbm>> -> memref<16x2048xf32, #tpu.memory_space<hbm>>
    %dma_wait3A_382 = arith.constant 0 : i32
    %dma_wait3A_383 = tpu.memref_slice %arg4[%add3A_353, %dma_wait3A_382] : memref<8192x2048xf32, #tpu.memory_space<hbm>> -> memref<16x2048xf32, #tpu.memory_space<hbm>>
    tpu.wait_dma2 semaphore(%arg16 : memref<!tpu.dma_semaphore, #tpu.memory_space<semaphore_mem>>) src(%arg10 : memref<16x2048xf32, #tpu.memory_space<vmem>>) dst(%dma_wait3A_383 : memref<16x2048xf32, #tpu.memory_space<hbm>>)
    %add3A_384 = arith.constant 240 : i32
    %add3A_385 = arith.addi %mul3A_68, %add3A_384 : i32
    %get3A_386 = arith.index_cast %add3A_385 : i32 to index
    %get3A_387 = tpu.vector_load %arg8[%get3A_386] {strides = array<i32>} : memref<2048xi32, #tpu.memory_space<vmem>>, vector<16xi32>,
    %add3A_388 = vector.broadcast %mul3A_73 : i32 to vector<16xi32>
    %add3A_389 = arith.addi %get3A_387, %add3A_388 : vector<16xi32>
    %dma_start3A_390 = arith.constant 0 : i32
    %dma_start3A_391 = arith.constant 0 : i32
    %dma_start3A_392 = tpu.memref_slice %arg3[%dma_start3A_390, %dma_start3A_391] : memref<16384x2048xf32, #tpu.memory_space<hbm>> -> memref<16384x2048xf32, #tpu.memory_space<hbm>>
    tpu.enqueue_indirect_dma source(%dma_start3A_392 : memref<16384x2048xf32, #tpu.memory_space<hbm>>) target(%arg10 : memref<16x2048xf32, #tpu.memory_space<vmem>>) offsets(%add3A_389 : vector<16xi32>) semaphore(%arg13 : memref<!tpu.dma_semaphore, #tpu.memory_space<semaphore_mem>>)
    %dma_wait3A_393 = arith.constant 0 : i32
    %dma_wait3A_394 = arith.constant 0 : i32
    %dma_wait3A_395 = tpu.memref_slice %arg3[%dma_wait3A_393, %dma_wait3A_394] : memref<16384x2048xf32, #tpu.memory_space<hbm>> -> memref<16384x2048xf32, #tpu.memory_space<hbm>>
    tpu.wait_indirect_dma semaphore(%arg15 : memref<!tpu.dma_semaphore, #tpu.memory_space<semaphore_mem>>) src(%dma_wait3A_395 : memref<16384x2048xf32, #tpu.memory_space<hbm>>) dst(%arg12 : memref<16x2048xf32, #tpu.memory_space<vmem>>)
    %add3A_396 = arith.constant 224 : i32
    %add3A_397 = arith.addi %add3A_71, %add3A_396 : i32
    %dma_start3A_398 = arith.constant 0 : i32
    %dma_start3A_399 = tpu.memref_slice %arg4[%add3A_397, %dma_start3A_398] : memref<8192x2048xf32, #tpu.memory_space<hbm>> -> memref<16x2048xf32, #tpu.memory_space<hbm>>
    %dma_start3A_400 = arith.constant 0 : i32
    %dma_start3A_401 = tpu.memref_slice %arg4[%add3A_397, %dma_start3A_400] : memref<8192x2048xf32, #tpu.memory_space<hbm>> -> memref<16x2048xf32, #tpu.memory_space<hbm>>
    tpu.enqueue_dma source(%arg12 : memref<16x2048xf32, #tpu.memory_space<vmem>>) target(%dma_start3A_401 : memref<16x2048xf32, #tpu.memory_space<hbm>>) target_semaphore(%arg18 : memref<!tpu.dma_semaphore, #tpu.memory_space<semaphore_mem>>)
    %dma_wait3A_402 = arith.constant 0 : i32
    %dma_wait3A_403 = arith.constant 0 : i32
    %dma_wait3A_404 = tpu.memref_slice %arg3[%dma_wait3A_402, %dma_wait3A_403] : memref<16384x2048xf32, #tpu.memory_space<hbm>> -> memref<16384x2048xf32, #tpu.memory_space<hbm>>
    tpu.wait_indirect_dma semaphore(%arg13 : memref<!tpu.dma_semaphore, #tpu.memory_space<semaphore_mem>>) src(%dma_wait3A_404 : memref<16384x2048xf32, #tpu.memory_space<hbm>>) dst(%arg10 : memref<16x2048xf32, #tpu.memory_space<vmem>>)
    %add3A_405 = arith.constant 240 : i32
    %add3A_406 = arith.addi %add3A_71, %add3A_405 : i32
    %dma_start3A_407 = arith.constant 0 : i32
    %dma_start3A_408 = tpu.memref_slice %arg4[%add3A_406, %dma_start3A_407] : memref<8192x2048xf32, #tpu.memory_space<hbm>> -> memref<16x2048xf32, #tpu.memory_space<hbm>>
    %dma_start3A_409 = arith.constant 0 : i32
    %dma_start3A_410 = tpu.memref_slice %arg4[%add3A_406, %dma_start3A_409] : memref<8192x2048xf32, #tpu.memory_space<hbm>> -> memref<16x2048xf32, #tpu.memory_space<hbm>>
    tpu.enqueue_dma source(%arg10 : memref<16x2048xf32, #tpu.memory_space<vmem>>) target(%dma_start3A_410 : memref<16x2048xf32, #tpu.memory_space<hbm>>) target_semaphore(%arg16 : memref<!tpu.dma_semaphore, #tpu.memory_space<semaphore_mem>>)
    %dma_wait3A_411 = arith.constant 0 : i32
    %dma_wait3A_412 = tpu.memref_slice %arg4[%add3A_406, %dma_wait3A_411] : memref<8192x2048xf32, #tpu.memory_space<hbm>> -> memref<16x2048xf32, #tpu.memory_space<hbm>>
    %dma_wait3A_413 = arith.constant 0 : i32
    %dma_wait3A_414 = tpu.memref_slice %arg4[%add3A_406, %dma_wait3A_413] : memref<8192x2048xf32, #tpu.memory_space<hbm>> -> memref<16x2048xf32, #tpu.memory_space<hbm>>
    tpu.wait_dma2 semaphore(%arg16 : memref<!tpu.dma_semaphore, #tpu.memory_space<semaphore_mem>>) src(%arg10 : memref<16x2048xf32, #tpu.memory_space<vmem>>) dst(%dma_wait3A_414 : memref<16x2048xf32, #tpu.memory_space<hbm>>)
    %dma_wait3A_415 = arith.constant 0 : i32
    %dma_wait3A_416 = tpu.memref_slice %arg4[%add3A_375, %dma_wait3A_415] : memref<8192x2048xf32, #tpu.memory_space<hbm>> -> memref<16x2048xf32, #tpu.memory_space<hbm>>
    %dma_wait3A_417 = arith.constant 0 : i32
    %dma_wait3A_418 = tpu.memref_slice %arg4[%add3A_375, %dma_wait3A_417] : memref<8192x2048xf32, #tpu.memory_space<hbm>> -> memref<16x2048xf32, #tpu.memory_space<hbm>>
    tpu.wait_dma2 semaphore(%arg17 : memref<!tpu.dma_semaphore, #tpu.memory_space<semaphore_mem>>) src(%arg11 : memref<16x2048xf32, #tpu.memory_space<vmem>>) dst(%dma_wait3A_418 : memref<16x2048xf32, #tpu.memory_space<hbm>>)
    %dma_wait3A_419 = arith.constant 0 : i32
    %dma_wait3A_420 = tpu.memref_slice %arg4[%add3A_397, %dma_wait3A_419] : memref<8192x2048xf32, #tpu.memory_space<hbm>> -> memref<16x2048xf32, #tpu.memory_space<hbm>>
    %dma_wait3A_421 = arith.constant 0 : i32
    %dma_wait3A_422 = tpu.memref_slice %arg4[%add3A_397, %dma_wait3A_421] : memref<8192x2048xf32, #tpu.memory_space<hbm>> -> memref<16x2048xf32, #tpu.memory_space<hbm>>
    tpu.wait_dma2 semaphore(%arg18 : memref<!tpu.dma_semaphore, #tpu.memory_space<semaphore_mem>>) src(%arg12 : memref<16x2048xf32, #tpu.memory_space<vmem>>) dst(%dma_wait3A_422 : memref<16x2048xf32, #tpu.memory_space<hbm>>)
    return
  }
}

module attributes {stable_mosaic.version = 14 : i64} {
  func.func @_score_body(%arg0: i32, %arg1: memref<1024x2048xf32, #tpu.memory_space<vmem>>, %arg2: memref<512x2048xbf16, #tpu.memory_space<vmem>>, %arg3: memref<1x512xf32, #tpu.memory_space<vmem>>, %arg4: memref<128x512xbf16, #tpu.memory_space<vmem>>, %arg5: memref<1x1xf32, #tpu.memory_space<vmem>>, %arg6: memref<1x1024x1xf32, #tpu.memory_space<vmem>>) attributes {dimension_semantics = [#tpu.dimension_semantics<arbitrary>], iteration_bounds = array<i64: 16>, scalar_prefetch = 0 : i64, scratch_operands = 0 : i64, tpu.core_type = #tpu.core_type<tc>, window_params = [{transform_indices = @transform_0, window_bounds = array<i64: 1024, 2048>}, {pipeline_mode = #tpu.pipeline_mode<synchronous>, transform_indices = @transform_1, window_bounds = array<i64: 512, 2048>}, {pipeline_mode = #tpu.pipeline_mode<synchronous>, transform_indices = @transform_2, window_bounds = array<i64: 1, 512>}, {pipeline_mode = #tpu.pipeline_mode<synchronous>, transform_indices = @transform_3, window_bounds = array<i64: 128, 512>}, {pipeline_mode = #tpu.pipeline_mode<synchronous>, transform_indices = @transform_4, window_bounds = array<i64: 1, 1>}, {transform_indices = @transform_5, window_bounds = array<i64: 1, 1024, 1>}]} {
    %get3A = arith.constant 0 : index
    %get3A_0 = arith.constant 0 : index
    %get3A_1 = vector.load %arg1[%get3A, %get3A_0] : memref<1024x2048xf32, #tpu.memory_space<vmem>>, vector<1024x2048xf32>
    %convert_element_type3A = arith.truncf %get3A_1 : vector<1024x2048xf32> to vector<1024x2048xbf16>
    %get3A_2 = arith.constant 0 : index
    %get3A_3 = arith.constant 0 : index
    %get3A_4 = vector.load %arg2[%get3A_2, %get3A_3] : memref<512x2048xbf16, #tpu.memory_space<vmem>>, vector<512x2048xbf16>
    %dot_general3A = arith.constant dense<0.000000e+00> : vector<1024x512xf32>
    %dot_general3A_5 = tpu.matmul %convert_element_type3A, %get3A_4, %dot_general3A {dimension_numbers = #tpu.dot_dimension_numbers<[1], [1], [0], [0], [0, 0, 1, 0], [], []>, transpose_lhs_hint = false} : vector<1024x2048xbf16>, vector<512x2048xbf16>, vector<1024x512xf32> -> vector<1024x512xf32>
    %get3A_6 = arith.constant 0 : index
    %get3A_7 = arith.constant 0 : index
    %get3A_8 = vector.load %arg3[%get3A_6, %get3A_7] : memref<1x512xf32, #tpu.memory_space<vmem>>, vector<1x512xf32>
    %add3A = vector.broadcast %get3A_8 : vector<1x512xf32> to vector<1024x512xf32>
    %add3A_9 = arith.addf %dot_general3A_5, %add3A : vector<1024x512xf32>
    %max3A = arith.constant 0.000000e+00 : f32
    %max3A_10 = vector.broadcast %max3A : f32 to vector<1024x512xf32>
    %max3A_11 = arith.maximumf %add3A_9, %max3A_10 : vector<1024x512xf32>
    %convert_element_type3A_12 = arith.truncf %max3A_11 : vector<1024x512xf32> to vector<1024x512xbf16>
    %get3A_13 = arith.constant 0 : index
    %get3A_14 = arith.constant 0 : index
    %get3A_15 = vector.load %arg4[%get3A_13, %get3A_14] : memref<128x512xbf16, #tpu.memory_space<vmem>>, vector<128x512xbf16>
    %dot_general3A_16 = arith.constant dense<0.000000e+00> : vector<1024x128xf32>
    %dot_general3A_17 = tpu.matmul %convert_element_type3A_12, %get3A_15, %dot_general3A_16 {dimension_numbers = #tpu.dot_dimension_numbers<[1], [1], [0], [0], [0, 0, 1, 0], [], []>, transpose_lhs_hint = false} : vector<1024x512xbf16>, vector<128x512xbf16>, vector<1024x128xf32> -> vector<1024x128xf32>
    %slice3A = vector.extract_strided_slice %dot_general3A_17 {offsets = [0, 0], sizes = [1024, 1], strides = [1, 1]} : vector<1024x128xf32> to vector<1024x1xf32>
    %get3A_18 = arith.constant 0 : index
    %get3A_19 = arith.constant 0 : index
    %get3A_20 = vector.load %arg5[%get3A_18, %get3A_19] : memref<1x1xf32, #tpu.memory_space<vmem>>, vector<1x1xf32>
    %get3A_21 = vector.extract %get3A_20[0, 0] : f32 from vector<1x1xf32>
    %add3A_22 = vector.broadcast %get3A_21 : f32 to vector<1024x1xf32>
    %add3A_23 = arith.addf %slice3A, %add3A_22 : vector<1024x1xf32>
    %broadcast_in_dim3A = vector.shape_cast %add3A_23 : vector<1024x1xf32> to vector<1x1024x1xf32>
    %swap3A = arith.constant 0 : index
    %swap3A_24 = arith.constant 0 : index
    %swap3A_25 = arith.constant 0 : index
    %swap3A_26 = vector.load %arg6[%swap3A, %swap3A_24, %swap3A_25] : memref<1x1024x1xf32, #tpu.memory_space<vmem>>, vector<1x1024x1xf32>
    tpu.vector_store %arg6[%swap3A, %swap3A_24, %swap3A_25], %broadcast_in_dim3A {strides = array<i32>} : memref<1x1024x1xf32, #tpu.memory_space<vmem>>, vector<1x1024x1xf32>,
    return
  }
  func.func @transform_0(%arg0: i32) -> (i32, i32) {
    %c0_i32 = arith.constant 0 : i32
    %c0_i32_0 = arith.constant 0 : i32
    return %arg0, %c0_i32 : i32, i32
  }
  func.func @transform_1(%arg0: i32) -> (i32, i32) {
    %c0_i32 = arith.constant 0 : i32
    %c0_i32_0 = arith.constant 0 : i32
    %c0_i32_1 = arith.constant 0 : i32
    return %c0_i32, %c0_i32_0 : i32, i32
  }
  func.func @transform_2(%arg0: i32) -> (i32, i32) {
    %c0_i32 = arith.constant 0 : i32
    %c0_i32_0 = arith.constant 0 : i32
    %c0_i32_1 = arith.constant 0 : i32
    return %c0_i32, %c0_i32_0 : i32, i32
  }
  func.func @transform_3(%arg0: i32) -> (i32, i32) {
    %c0_i32 = arith.constant 0 : i32
    %c0_i32_0 = arith.constant 0 : i32
    %c0_i32_1 = arith.constant 0 : i32
    return %c0_i32, %c0_i32_0 : i32, i32
  }
  func.func @transform_4(%arg0: i32) -> (i32, i32) {
    %c0_i32 = arith.constant 0 : i32
    %c0_i32_0 = arith.constant 0 : i32
    %c0_i32_1 = arith.constant 0 : i32
    return %c0_i32, %c0_i32_0 : i32, i32
  }
  func.func @transform_5(%arg0: i32) -> (i32, i32, i32) {
    %c0_i32 = arith.constant 0 : i32
    %c0_i32_0 = arith.constant 0 : i32
    %c0_i32_1 = arith.constant 0 : i32
    return %arg0, %c0_i32, %c0_i32_0 : i32, i32, i32
  }
}

</mosaic_0001>

<sc_bundles>
// kernel: kernel.4.cloned.1.call-start
scs
__scs_entry_jumppad:
0x0: {  	(pc) =	sbr.rel $0x88, $3  }
0x1: {  	(tag) =	ssettag $0x0;
	lr =	simm.s32 $0x1  }
0x2: {  	[smem:$0x3F9C] =	sst lr;
	_ =	strace $0xD0000000  }
0x3: {  	_ = 	snop  }
0x4: {  	_ = 	snop  }
0x5: {  	_ = 	snop  }
0x6: {  	_ = 	snop  }
0x7: {  	_ = 	snop  }
__scs_overlays_trampoline_lowered:
0x8: {  	[smem:$0x3FAB] =	sst s0  }
0x9: {  	[smem:$0x3FAC] =	sst s1  }
0xa: {  	[smem:$0x3FAD] =	sst s2  }
0xb: {  	[smem:$0x3FAE] =	sst s3  }
0xc: {  	[smem:$0x3FAF] =	sst s4  }
0xd: {  	[smem:$0x3FB0] =	sst s5  }
0xe: {  	[smem:$0x3FB1] =	sst s6  }
0xf: {  	[smem:$0x3FB2] =	sst s7  }
0x10: {  	[smem:$0x3FB3] =	sst s8  }
0x11: {  	[smem:$0x3FB4] =	sst s9;
	s0 =	simm.s32 @!p0 $0x0  }
0x12: {  	s1 =	sld [smem:$0x3F9A];
	s0 =	simm.s32 @p0 $0x1  }
0x13: {  	[smem:$0x3FB5] =	sst s0;
	s0 =	simm.s32 @!p1 $0x0  }
0x14: {  	s2 =	sld [smem:$0x3F99];
	s0 =	simm.s32 @p1 $0x1  }
0x15: {  	[smem:$0x3FB6] =	sst s0;
	s0 =	simm.s32 @!p2 $0x0  }
0x16: {  	s3 =	sld [smem:$0x3FDB];
	s0 =	simm.s32 @p2 $0x1  }
0x17: {  	s4 =	simm.s32 $0x1BF5;
	[smem:$0x3FB8] =	sst s0  }
0x18: {  	s0 =	sld [smem:$0x3F9B];
	_ =	swait.ge [sflag:s4], $0x0  }
0x19: {  	s7 =	sld [smem:$0x3F9C]  }
0x1a: {  	s8 =	sadd.s32 $0xFFFFE003, lr  }
0x1b: {  	s9 =	sadd.s32 $0xFFFFFEF7, lr;
	s5 =	simm.s32 $0xFFFFFFFF;
	p2 =	slt.u32 s8, $0xFFFFF086  }
0x1c: {  	p1 =	slt.u32 s9, $0xF7A;
	s5 =	simm.s32 @!p2 $0x0  }
0x1d: {  	s5 =	simm.s32 @p1 $0x1;
	p0 =	seq.s32 s7, s2  }
0x1e: {  	s7 =	smul.u32 @!p0 $0xF7A, s2;
	p2 =	seq.s32 @!p0 s5, $0x0  }
0x1f: {  	s9 =	smul.u32 $0xF7A, s1;
	s8 =	simm.s32 @!p0 $0x1BF5;
	p2 =	por !p2, p0  }
0x20: {  	[sflag:s8] =	ssyncset.s32 @!p0 $0xFFFFF086;
	s6 =	sadd.s32 @!p0 s3, s7;
	s7 =	simm.s32 @!p0 $0x108  }
0x21: {  	s3 =	sadd.s32 s3, s9;
	s6 =	sadd.s32 @!p0 $0x88, s6;
	s7 =	simm.s32 @p2 $0x1082  }
0x22: {  	[simem:s7], [sflag:s8] =	dma.local @!p0 [hbm:s6], $0xF7A  }
0x23: {  	s9 =	sor.u32 $0xD0000000, s2;
	s6 =	simm.s32 $0x108;
	_ =	swait.ge @!p0 [sflag:s8], $0x0  }
0x24: {  	s3 =	sadd.s32 $0x88, s3;
	s6 =	simm.s32 @!p1 $0x1082;
	[sflag:s4] =	ssyncset.s32 $0xFFFFF086  }
0x25: {  	[simem:s6], [sflag:s4] =	dma.local [hbm:s3], $0xF7A  }
0x26: {  	[smem:$0x3F9C] =	sst s1;
	(tag) =	ssettag s2;
	_ =	strace s9  }
0x27: {  	s1 =	sld [smem:$0x3FAC]  }
0x28: {  	s2 =	sld [smem:$0x3FAD]  }
0x29: {  	s4 =	sld [smem:$0x3FAF]  }
0x2a: {  	p0 =	seq.s32 s5, $0x0;
	s5 =	sld [smem:$0x3FB0]  }
0x2b: {  	s6 =	sld [smem:$0x3FB1]  }
0x2c: {  	s7 =	sld [smem:$0x3FB2]  }
0x2d: {  	s3 =	simm.s32 $0x108;
	s8 =	sld [smem:$0x3FB3]  }
0x2e: {  	s3 =	simm.s32 @!p0 $0x1082;
	s9 =	sld [smem:$0x3FB4]  }
0x2f: {  	lr =	sadd.s32 s0, s3;
	s0 =	sld [smem:$0x3FAB]  }
0x30: {  	s3 =	sld [smem:$0x3FAE]  }
0x31: {  	[smem:$0x3FB7] =	sst s10  }
0x32: {  	s10 =	sld [smem:$0x3FB5];
	_ =	sdelay $0x3  }
0x33: {  	p0 =	seq.s32 s10, $0x1;
	s10 =	sld [smem:$0x3FB7];
	_ =	sdelay $0x3  }
0x34: {  	[smem:$0x3FB7] =	sst s10  }
0x35: {  	s10 =	sld [smem:$0x3FB6];
	_ =	sdelay $0x3  }
0x36: {  	p1 =	seq.s32 s10, $0x1;
	s10 =	sld [smem:$0x3FB7];
	_ =	sdelay $0x3  }
0x37: {  	[smem:$0x3FB7] =	sst s10  }
0x38: {  	s10 =	sld [smem:$0x3FB8]  }
0x39: {  	_ = 	snop;
	(pc) =	sbr.ind lr, $3  }
0x3a: {  	_ = 	snop  }
0x3b: {  	_ = 	snop  }
0x3c: {  	p2 =	seq.s32 s10, $0x1;
	s10 =	sld [smem:$0x3FB7]  }
0x3d: {  	_ =	shalt  }
0x3e: {  	_ =	shalt  }
0x3f: {  	_ =	shalt  }
0x40: {  	_ =	shalt  }
0x41: {  	_ =	shalt  }
0x42: {  	_ =	shalt  }
0x43: {  	_ =	shalt  }
0x44: {  	_ =	shalt  }
0x45: {  	_ =	shalt  }
0x46: {  	_ =	shalt  }
0x47: {  	_ =	shalt  }
0x48: {  	_ =	shalt  }
0x49: {  	_ =	shalt  }
0x4a: {  	_ =	shalt  }
0x4b: {  	_ =	shalt  }
0x4c: {  	_ =	shalt  }
0x4d: {  	_ =	shalt  }
0x4e: {  	_ =	shalt  }
0x4f: {  	_ =	shalt  }
0x50: {  	_ =	shalt  }
0x51: {  	_ =	shalt  }
0x52: {  	_ =	shalt  }
0x53: {  	_ =	shalt  }
0x54: {  	_ =	shalt  }
0x55: {  	_ =	shalt  }
0x56: {  	_ =	shalt  }
0x57: {  	_ =	shalt  }
0x58: {  	_ =	shalt  }
0x59: {  	_ =	shalt  }
0x5a: {  	_ =	shalt  }
0x5b: {  	_ =	shalt  }
0x5c: {  	_ =	shalt  }
0x5d: {  	_ =	shalt  }
0x5e: {  	_ =	shalt  }
0x5f: {  	_ =	shalt  }
0x60: {  	_ =	shalt  }
0x61: {  	_ =	shalt  }
0x62: {  	_ =	shalt  }
0x63: {  	_ =	shalt  }
0x64: {  	_ =	shalt  }
0x65: {  	_ =	shalt  }
0x66: {  	_ =	shalt  }
0x67: {  	_ =	shalt  }
0x68: {  	_ =	shalt  }
0x69: {  	_ =	shalt  }
0x6a: {  	_ =	shalt  }
0x6b: {  	_ =	shalt  }
0x6c: {  	_ =	shalt  }
0x6d: {  	_ =	shalt  }
0x6e: {  	_ =	shalt  }
0x6f: {  	_ =	shalt  }
0x70: {  	_ =	shalt  }
0x71: {  	_ =	shalt  }
0x72: {  	_ =	shalt  }
0x73: {  	_ =	shalt  }
0x74: {  	_ =	shalt  }
0x75: {  	_ =	shalt  }
0x76: {  	_ =	shalt  }
0x77: {  	_ =	shalt  }
0x78: {  	_ =	shalt  }
0x79: {  	_ =	shalt  }
0x7a: {  	_ =	shalt  }
0x7b: {  	_ =	shalt  }
0x7c: {  	_ =	shalt  }
0x7d: {  	_ =	shalt  }
0x7e: {  	_ =	shalt  }
0x7f: {  	_ =	shalt  }
0x80: {  	_ =	shalt  }
0x81: {  	_ =	shalt  }
0x82: {  	_ =	shalt  }
0x83: {  	_ =	shalt  }
0x84: {  	_ =	shalt  }
0x85: {  	_ =	shalt  }
0x86: {  	_ =	shalt  }
0x87: {  	_ =	shalt  }
.Lfunc_end0:
.L_simem_size_0:
called_computation_lowered:
.L_overlay_start_0:
0x88: {  	s2 =	sld [smem:$0x3FD9]  }
0x89: {  	s3 =	sld [smem:$0x3FFE];
	_ =	sdelay $0x1  }
0x8a: {  	s1 =	srdreg.scid  }
0x8b: {  	s0 =	sand.u32 $0x1, s1  }
0x8c: {  	s14 =	sshll.u32 s0, $0xA;
	s2 =	sadd.s32 s3, s2  }
0x8d: {  	s2 =	sadd.s32 s2, s14  }
0x8e: {  	[smem:$0x3FC3] =	sst s2  }
0x8f: {  	_ = 	snop  }
0x90: {  	s2 =	sld [smem:$0x3FD0];
	_ =	sdelay $0x2  }
0x91: {  	s4 =	simm.s32 $0xA;
	s5 =	simm.s32 $0x10;
	s15 =	sld [smem:$0x3FC9]  }
0x92: {  	[smem:s5], [sflag:s4] =	dma.local [hbm:s2], $0x1  }
0x93: {  	_ =	swait.eq [sflag:s4], $0x1  }
0x94: {  	[sflag:s4] =	ssyncset.done $0x0  }
0x95: {  	s16 =	sld [smem:$0x10];
	[sflag:s4] =	ssyncadd.s32 $0xFFFFFFFF  }
0x96: {  	s17 =	sld [smem:$0x11];
	(tm) =	ssettm $0x1  }
0x97: {  	s18 =	sld [smem:$0x3FFB];
	_ =	sdelay $0x3  }
0x98: {  	_ =	strace s18  }
0x99: {  	s5 =	sld [smem:$0x3FFC];
	_ =	sdelay $0x3  }
0x9a: {  	_ =	strace s5  }
0x9b: {  	s5 =	sld [smem:$0x3FFD];
	_ =	sdelay $0x3  }
0x9c: {  	_ =	strace s5  }
0x9d: {  	_ =	strace $0x8FFFFFFF  }
0x9e: {  	s19 =	sld [smem:$0x3FDB];
	_ =	sdelay $0x1  }
0x9f: {  	s6 =	simm.s32 $_scs_section_size  }
0xa0: {  	s7 =	simm.s32 $_size__tile_overlayer_lowered;
	s8 =	simm.s32 $_tile_overlayer_lowered  }
0xa1: {  	s22 =	simm.s32 $0x1BFF;
	s21 =	sshll.u32 s8, $0x1;
	s5 =	sadd.s32 s6, s19  }
0xa2: {  	s9 =	simm.s32 $0x0;
	s20 =	sshll.u32 s7, $0x1;
	s7 =	sadd.s32 s21, s5  }
0xa3: {  	[timem:s9], [sflag:s22] =	dma.local [hbm:s7], s20  }
0xa4: {  	_ =	swait.ge [sflag:s22], s20  }
0xa5: {  	s6 =	ssub.s32 $0x0, s20;
	[sflag:s22] =	ssyncset.done $0x0  }
0xa6: {  	[sflag:s22] =	ssyncadd.s32 s6;
	_ =	sdelay $0x1  }
0xa7: {  	s23 =	simm.s32 $0x1B8B  }
0xa8: {  	_ =	swait.ge [sflag:s23], $0x1  }
0xa9: {  	[sflag:s23] =	ssyncset.done $0x0  }
0xaa: {  	s25 =	simm.s32 $0x1B8E;
	s24 =	sld [smem:$0x3FFE];
	[sflag:s23] =	ssyncadd.s32 $0xFFFFFFFF  }
0xab: {  	s26 =	simm.s32 $execute0_lowered;
	[smem:$0x3FD2] =	sst s25  }
0xac: {  	s7 =	sshll.u32 s26, $0x1;
	_ =	strace $0x80000046;
	[dreg:$0x1] =	wrdreg $0xFFFFFFFF  }
0xad: {  	s28 =	simm.s32 $_size_execute0_lowered;
	s5 =	sadd.s32 s5, s7;
	[dreg:$0x0] =	wrdreg $0x0  }
0xae: {  	s7 =	sshll.u32 s28, $0x1;
	[dreg:$0x2] =	wrdreg s5  }
0xaf: {  	[dreg:$0x3] =	wrdreg s7  }
0xb0: {  	[dreg:$0x4] =	wrdreg $0xC0  }
0xb1: {  	_ =	task [dreg:s9], $0x5FFFF  }
0xb2: {  	[dreg:$0x1] =	wrdreg $0xFFFFFFFF  }
0xb3: {  	[dreg:$0x0] =	wrdreg $0x60  }
0xb4: {  	[dreg:$0x2] =	wrdreg s24  }
0xb5: {  	[dreg:$0x3] =	wrdreg s15  }
0xb6: {  	[dreg:$0x4] =	wrdreg s16  }
0xb7: {  	[dreg:$0x5] =	wrdreg s17  }
0xb8: {  	[dreg:$0x6] =	wrdreg $0x9  }
0xb9: {  	_ =	task.clear_ibuf [dreg:s9], $0x7FFFF;
	_ =	strace $0x90000046  }
0xba: {  	s29 =	simm.s32 $0x9;
	_ =	strace $0x80000048  }
0xbb: {  	_ =	swait.ge [sflag:s29], $0x1  }
0xbc: {  	[sflag:s29] =	ssyncadd.s32 $0xFFFFFFFF  }
0xbd: {  	_ =	strace $0x90000048  }
0xbe: {  	_ =	sfence  }
0xbf: {  	s30 =	sld [smem:$0x0];
	_ =	sdelay $0x2  }
0xc0: {  	s31 =	sshll.u32 s1, $0xD;
	s1 =	sshrl.u32 s1, $0x2  }
0xc1: {  	s3 =	sand.u32 $0x4000, s31;
	s1 =	sadd.s32 s1, s30  }
0xc2: {  	s0 =	sor.u32 s3, s0;
	s1 =	sshll.u32 s1, $0x11  }
0xc3: {  	s0 =	sor.u32 s1, s0  }
0xc4: {  	s0 =	sadd.s32 $0x8F2B, s0  }
0xc5: {  	[sflag:s0] =	ssyncadd.remote.s32 $0x1  }
0xc6: {  	_ =	sfence.sel $0xFFFF  }
0xc7: {  	[dreg:$0x0] =	wrdreg $0xFFFFFFFF;
	(pc) =	sbr.abs _section_cstart, $3  }
0xc8: {  	[dreg:$0x1] =	wrdreg $0xFFFFFFFF  }
0xc9: {  	_ =	task.clear_ibuf [dreg:s9], $0x2FFFF;
	_ =	strace $0x9FFFFFFF  }
0xca: {  	(tm) =	ssettm $0x7FFFFFFF  }
0xcb: {  	_ =	shalt  }
tec
execute0_lowered:
.L_overlay_start_1:
0x0: {  	(tag) =	ssettag $0x1  }
0x1: {  	s0 =	rddreg [dreg:$0x0]  }
0x2: {  	s13 =	rddreg [dreg:$0x1]  }
0x3: {  	s2 =	rddreg [dreg:$0x2]  }
0x4: {  	s4 =	rddreg [dreg:$0x3];
	s3 =	simm.s32 $0x0;
	s5 =	srdreg.scid  }
0x5: {  	s8 =	stileid.u32;
	[smem:$0x7FF] =	sst s3  }
0x6: {  	s5 =	sand.u32 $0x1, s5;
	s6 =	sshrl.u32 s8, $0x2;
	s8 =	sshll.u32 s8, $0x1  }
0x7: {  	_ =	strace $0x80000047;
	s7 =	ssub.s32 $0x2, s5;
	s9 =	sshll.u32 s6, $0x4  }
0x8: {  	s8 =	sand.u32 $0x6, s8;
	s12 =	sshll.u32 s6, $0x13;
	s10 =	sshrl.u32 s7, $0x1  }
0x9: {  	s0 =	sadd.s32 s9, s0;
	s5 =	sor.u32 s5, s8;
	s4 =	sadd.s32 s4, s9  }
0xa: {  	s1 =	ssub.s32 s7, s10;
	s0 =	sadd.s32 $0x600, s0;
	[dreg:$0x6] =	wrdreg s4  }
0xb: {  	s11 =	sshll.u32 s5, $0x10;
	s15 =	sshll.u32 s5, $0x8;
	[dreg:$0x5] =	wrdreg s0  }
0xc: {  	s0 =	sor.u32 s12, s11;
	[dreg:$0x18] =	wrdreg s15;
	s24 =	smax.u32 s1, $0x1  }
0xd: {  	s0 =	sadd.s32 s2, s0;
	[dreg:$0x11] =	wrdreg s24  }
0xe: {  	s2 =	sadd.s32 $0x1000, s0;
	[dreg:$0x7] =	wrdreg s0  }
0xf: {  	s16 =	sadd.s32 $0x2000, s0;
	[dreg:$0x8] =	wrdreg s2  }
0x10: {  	s17 =	sadd.s32 $0x3000, s0;
	[dreg:$0x9] =	wrdreg s16  }
0x11: {  	s31 =	simm.s32 $0x13000;
	s18 =	sadd.s32 $0x4000, s0;
	[dreg:$0xa] =	wrdreg s17  }
0x12: {  	s14 =	sshll.u32 s6, $0xC;
	s19 =	sadd.s32 $0x5000, s0;
	[dreg:$0xb] =	wrdreg s18  }
0x13: {  	s8 =	sadd.s32 $0x200, s13;
	s20 =	sadd.s32 $0x6000, s0;
	[dreg:$0xc] =	wrdreg s19  }
0x14: {  	s9 =	sadd.s32 $0x300, s13;
	s21 =	sadd.s32 $0x7000, s0;
	[dreg:$0xd] =	wrdreg s20  }
0x15: {  	s7 =	sadd.s32 $0x100, s13;
	s22 =	sadd.s32 $0x8000, s0;
	[dreg:$0xe] =	wrdreg s21  }
0x16: {  	s10 =	sadd.s32 $0x400, s13;
	s23 =	sadd.s32 $0x9000, s0;
	[dreg:$0xf] =	wrdreg s22  }
0x17: {  	p0 =	sne.s32 s5, $0x0;
	s25 =	sadd.s32 $0xA000, s0;
	[dreg:$0x10] =	wrdreg s23  }
0x18: {  	s4 =	simm.s32 $0x0;
	s26 =	sadd.s32 $0xB000, s0;
	[dreg:$0x12] =	wrdreg s25  }
0x19: {  	s5 =	simm.s32 $0xB000;
	s28 =	sadd.s32 $0xC000, s0;
	[dreg:$0x13] =	wrdreg s26  }
.Ltmp0:
0x1a: {  	s29 =	sadd.s32 $0xD000, s0;
	[dreg:$0x14] =	wrdreg s28;
	(pc) =	sbr.rel .LBB2_1-.Ltmp0, $4  }
0x1b: {  	s11 =	sadd.s32 $0x500, s13;
	s30 =	sadd.s32 $0xE000, s0;
	[dreg:$0x15] =	wrdreg s29  }
0x1c: {  	s12 =	sadd.s32 $0x600, s13;
	s0 =	sadd.s32 $0xF000, s0;
	[dreg:$0x16] =	wrdreg s30  }
0x1d: {  	v1 =	vimm.s32 $0x0;
	s13 =	sadd.s32 $0x700, s13;
	s15 =	simm.s32 $0x4;
	[dreg:$0x17] =	wrdreg s0  }
0x1e: {  	v2 =	vlaneseq.u32;
	vm0 =	vmmov $0xffff;
	v0 =	vmov s14;
	s0 =	simm.s32 $0x80000000;
	s2 =	simm.s32 $0x2000;
	s20 =	simm.s32 $0x3000  }
.LBB2_19:
0x1f: {  	s0 =	rddreg [dreg:$0x18]  }
0x20: {  	v3 =	vld [tilespmem:s0+$0x2000];
	_ =	sdelay $0x4  }
0x21: {  	v4 =	vadd.s32 v0, v3  }
0x22: {  	v4 =	vshll.u32 v4, $0x4  }
0x23: {  	v3 =	vand.u32 $0x7, v3;
	v4 =	vand.u32 $0xFFFFFF80, v4  }
0x24: {  	v33 =	vand.u32 $0x7, v2;
	v6 =	vor.u32 v3, v4;
	v3 =	vshrl.u32 v2, $0x3  }
0x25: {  	v5 =	vperm.xlane v6, v33;
	v3 =	vmul.u32 $0x8, v3;
	_ =	sdelay $0x1  }
0x26: {  	v7 =	vadd.s32 v3, v5;
	_ =	sdelay $0x3  }
0x27: {  	s6 =	rddreg [dreg:$0x1]  }
0x28: {  	[tilespmem:s20], [sflag:$0x1] =	stream.indirect_vreg.gather [hbm4b:s6+s3], $0x80, v7, vm0, $0xb8;
	[tilespmem:$0x1B000] =	vst v63  }
0x29: {  	s1 =	simm.s32 $0x3800  }
0x2a: {  	[tilespmem:s1], [sflag:$0x1] =	stream.indirect_vreg.gather [hbm4b:s7+s3], $0x80, v7, vm0, $0xb8;
	[tilespmem:$0x1B000] =	vst v63  }
0x2b: {  	s28 =	simm.s32 $0x4000  }
0x2c: {  	[tilespmem:s28], [sflag:$0x1] =	stream.indirect_vreg.gather [hbm4b:s8+s3], $0x80, v7, vm0, $0xb8;
	[tilespmem:$0x1B000] =	vst v63  }
0x2d: {  	s29 =	simm.s32 $0x4800  }
0x2e: {  	[tilespmem:s29], [sflag:$0x1] =	stream.indirect_vreg.gather [hbm4b:s9+s3], $0x80, v7, vm0, $0xb8;
	[tilespmem:$0x1B000] =	vst v63  }
0x2f: {  	s30 =	simm.s32 $0x5000  }
0x30: {  	v34 =	vor.u32 $0x8, v2;
	[tilespmem:s30], [sflag:$0x1] =	stream.indirect_vreg.gather [hbm4b:s10+s3], $0x80, v7, vm0, $0xb8;
	[tilespmem:$0x1B000] =	vst v63  }
0x31: {  	s14 =	simm.s32 $0x5800;
	v6 =	vperm.xlane v6, v34  }
0x32: {  	[tilespmem:s14], [sflag:$0x1] =	stream.indirect_vreg.gather [hbm4b:s11+s3], $0x80, v7, vm0, $0xb8;
	[tilespmem:$0x1B000] =	vst v63  }
0x33: {  	s16 =	simm.s32 $0x6000;
	v6 =	vadd.s32 v3, v6  }
0x34: {  	[tilespmem:s16], [sflag:$0x1] =	stream.indirect_vreg.gather [hbm4b:s12+s3], $0x80, v7, vm0, $0xb8;
	[tilespmem:$0x1B000] =	vst v63  }
0x35: {  	s17 =	simm.s32 $0x6800  }
0x36: {  	[tilespmem:s17], [sflag:$0x1] =	stream.indirect_vreg.gather [hbm4b:s13+s3], $0x80, v7, vm0, $0xb8;
	[tilespmem:$0x1B000] =	vst v63  }
0x37: {  	s18 =	simm.s32 $0x7000  }
0x38: {  	[tilespmem:s18], [sflag:$0x1] =	stream.indirect_vreg.gather [hbm4b:s6+s3], $0x80, v6, vm0, $0xb8;
	[tilespmem:$0x1B000] =	vst v63  }
0x39: {  	s19 =	simm.s32 $0x7800  }
0x3a: {  	[tilespmem:s19], [sflag:$0x1] =	stream.indirect_vreg.gather [hbm4b:s7+s3], $0x80, v6, vm0, $0xb8;
	[tilespmem:$0x1B000] =	vst v63  }
0x3b: {  	s21 =	simm.s32 $0x8000  }
0x3c: {  	[tilespmem:s21], [sflag:$0x1] =	stream.indirect_vreg.gather [hbm4b:s8+s3], $0x80, v6, vm0, $0xb8;
	[tilespmem:$0x1B000] =	vst v63  }
0x3d: {  	s22 =	simm.s32 $0x8800  }
0x3e: {  	[tilespmem:s22], [sflag:$0x1] =	stream.indirect_vreg.gather [hbm4b:s9+s3], $0x80, v6, vm0, $0xb8;
	[tilespmem:$0x1B000] =	vst v63  }
0x3f: {  	s14 =	simm.s32 $0x9000  }
0x40: {  	[tilespmem:s14], [sflag:$0x1] =	stream.indirect_vreg.gather [hbm4b:s10+s3], $0x80, v6, vm0, $0xb8;
	[tilespmem:$0x1B000] =	vst v63  }
0x41: {  	s16 =	simm.s32 $0x9800  }
0x42: {  	[tilespmem:s16], [sflag:$0x1] =	stream.indirect_vreg.gather [hbm4b:s11+s3], $0x80, v6, vm0, $0xb8;
	[tilespmem:$0x1B000] =	vst v63  }
0x43: {  	s17 =	simm.s32 $0xA000  }
0x44: {  	[tilespmem:s17], [sflag:$0x1] =	stream.indirect_vreg.gather [hbm4b:s12+s3], $0x80, v6, vm0, $0xb8;
	[tilespmem:$0x1B000] =	vst v63  }
0x45: {  	s21 =	simm.s32 $0xA800  }
0x46: {  	[tilespmem:s21], [sflag:$0x1] =	stream.indirect_vreg.gather [hbm4b:s13+s3], $0x80, v6, vm0, $0xb8;
	[tilespmem:$0x1B000] =	vst v63  }
0x47: {  	v6 =	vld [tilespmem:s0+$0x2010];
	_ =	sdelay $0x4  }
0x48: {  	v35 =	vadd.s32 v0, v6  }
0x49: {  	v7 =	vshll.u32 v35, $0x4  }
0x4a: {  	v6 =	vand.u32 $0x7, v6;
	v7 =	vand.u32 $0xFFFFFF80, v7  }
0x4b: {  	v6 =	vor.u32 v6, v7  }
0x4c: {  	v7 =	vperm.xlane v6, v33;
	_ =	sdelay $0x1  }
0x4d: {  	v7 =	vadd.s32 v3, v7;
	_ =	sdelay $0x4  }
0x4e: {  	[tilespmem:s5], [sflag:$0x2] =	stream.indirect_vreg.gather [hbm4b:s6+s3], $0x80, v7, vm0, $0xb8;
	[tilespmem:$0x1B000] =	vst v63  }
0x4f: {  	s14 =	simm.s32 $0xB800  }
0x50: {  	[tilespmem:s14], [sflag:$0x2] =	stream.indirect_vreg.gather [hbm4b:s7+s3], $0x80, v7, vm0, $0xb8;
	[tilespmem:$0x1B000] =	vst v63  }
0x51: {  	s21 =	simm.s32 $0xC000  }
0x52: {  	[tilespmem:s21], [sflag:$0x2] =	stream.indirect_vreg.gather [hbm4b:s8+s3], $0x80, v7, vm0, $0xb8;
	[tilespmem:$0x1B000] =	vst v63  }
0x53: {  	s14 =	simm.s32 $0xC800  }
0x54: {  	[tilespmem:s14], [sflag:$0x2] =	stream.indirect_vreg.gather [hbm4b:s9+s3], $0x80, v7, vm0, $0xb8;
	[tilespmem:$0x1B000] =	vst v63  }
0x55: {  	s21 =	simm.s32 $0xD000  }
0x56: {  	[tilespmem:s21], [sflag:$0x2] =	stream.indirect_vreg.gather [hbm4b:s10+s3], $0x80, v7, vm0, $0xb8;
	[tilespmem:$0x1B000] =	vst v63  }
0x57: {  	v6 =	vperm.xlane v6, v34;
	s14 =	simm.s32 $0xD800  }
0x58: {  	[tilespmem:s14], [sflag:$0x2] =	stream.indirect_vreg.gather [hbm4b:s11+s3], $0x80, v7, vm0, $0xb8;
	[tilespmem:$0x1B000] =	vst v63  }
0x59: {  	v6 =	vadd.s32 v3, v6;
	s21 =	simm.s32 $0xE000  }
0x5a: {  	[tilespmem:s21], [sflag:$0x2] =	stream.indirect_vreg.gather [hbm4b:s12+s3], $0x80, v7, vm0, $0xb8;
	[tilespmem:$0x1B000] =	vst v63  }
0x5b: {  	s14 =	simm.s32 $0xE800  }
0x5c: {  	[tilespmem:s14], [sflag:$0x2] =	stream.indirect_vreg.gather [hbm4b:s13+s3], $0x80, v7, vm0, $0xb8;
	[tilespmem:$0x1B000] =	vst v63  }
0x5d: {  	s21 =	simm.s32 $0xF000  }
0x5e: {  	[tilespmem:s21], [sflag:$0x2] =	stream.indirect_vreg.gather [hbm4b:s6+s3], $0x80, v6, vm0, $0xb8;
	[tilespmem:$0x1B000] =	vst v63  }
0x5f: {  	s14 =	simm.s32 $0xF800  }
0x60: {  	[tilespmem:s14], [sflag:$0x2] =	stream.indirect_vreg.gather [hbm4b:s7+s3], $0x80, v6, vm0, $0xb8;
	[tilespmem:$0x1B000] =	vst v63  }
0x61: {  	s21 =	simm.s32 $0x10000  }
0x62: {  	[tilespmem:s21], [sflag:$0x2] =	stream.indirect_vreg.gather [hbm4b:s8+s3], $0x80, v6, vm0, $0xb8;
	[tilespmem:$0x1B000] =	vst v63  }
0x63: {  	s14 =	simm.s32 $0x10800  }
0x64: {  	[tilespmem:s14], [sflag:$0x2] =	stream.indirect_vreg.gather [hbm4b:s9+s3], $0x80, v6, vm0, $0xb8;
	[tilespmem:$0x1B000] =	vst v63  }
0x65: {  	s21 =	simm.s32 $0x11000  }
0x66: {  	[tilespmem:s21], [sflag:$0x2] =	stream.indirect_vreg.gather [hbm4b:s10+s3], $0x80, v6, vm0, $0xb8;
	[tilespmem:$0x1B000] =	vst v63  }
0x67: {  	s14 =	simm.s32 $0x11800  }
0x68: {  	[tilespmem:s14], [sflag:$0x2] =	stream.indirect_vreg.gather [hbm4b:s11+s3], $0x80, v6, vm0, $0xb8;
	[tilespmem:$0x1B000] =	vst v63  }
0x69: {  	s21 =	simm.s32 $0x12000  }
0x6a: {  	[tilespmem:s21], [sflag:$0x2] =	stream.indirect_vreg.gather [hbm4b:s12+s3], $0x80, v6, vm0, $0xb8;
	[tilespmem:$0x1B000] =	vst v63  }
0x6b: {  	s1 =	simm.s32 $0x1;
	s14 =	simm.s32 $0x12800  }
0x6c: {  	[tilespmem:s14], [sflag:$0x2] =	stream.indirect_vreg.gather [hbm4b:s13+s3], $0x80, v6, vm0, $0xb8;
	[tilespmem:$0x1B000] =	vst v63  }
0x6d: {  	_ =	swait.ge [sflag:s1], $0x8000  }
0x6e: {  	[sflag:s1] =	ssyncset.done $0x0  }
0x6f: {  	s21 =	rddreg [dreg:$0x7];
	[sflag:s1] =	ssyncadd.s32 $0xFFFF8000  }
0x70: {  	[hbm4b:s21+s3] =	stream.linear.scatter [tilespmem:s20], [sflag:$0x4], $0x8000, $0x38;
	[tilespmem:$0x1B000] =	vst v63  }
0x71: {  	v36 =	vld [tilespmem:s0+$0x2020];
	_ =	sdelay $0x4  }
0x72: {  	v37 =	vadd.s32 v0, v36  }
0x73: {  	v7 =	vshll.u32 v37, $0x4  }
0x74: {  	v6 =	vand.u32 $0x7, v36;
	v7 =	vand.u32 $0xFFFFFF80, v7  }
0x75: {  	v6 =	vor.u32 v6, v7  }
0x76: {  	v7 =	vperm.xlane v6, v33;
	_ =	sdelay $0x1  }
0x77: {  	v7 =	vadd.s32 v3, v7;
	_ =	sdelay $0x4  }
0x78: {  	[tilespmem:s31], [sflag:$0x3] =	stream.indirect_vreg.gather [hbm4b:s6+s3], $0x80, v7, vm0, $0xb8;
	[tilespmem:$0x1B000] =	vst v63  }
0x79: {  	s14 =	simm.s32 $0x13800  }
0x7a: {  	[tilespmem:s14], [sflag:$0x3] =	stream.indirect_vreg.gather [hbm4b:s7+s3], $0x80, v7, vm0, $0xb8;
	[tilespmem:$0x1B000] =	vst v63  }
0x7b: {  	s21 =	simm.s32 $0x14000  }
0x7c: {  	[tilespmem:s21], [sflag:$0x3] =	stream.indirect_vreg.gather [hbm4b:s8+s3], $0x80, v7, vm0, $0xb8;
	[tilespmem:$0x1B000] =	vst v63  }
0x7d: {  	s21 =	simm.s32 $0x14800  }
0x7e: {  	[tilespmem:s21], [sflag:$0x3] =	stream.indirect_vreg.gather [hbm4b:s9+s3], $0x80, v7, vm0, $0xb8;
	[tilespmem:$0x1B000] =	vst v63  }
0x7f: {  	s21 =	simm.s32 $0x15000  }
0x80: {  	[tilespmem:s21], [sflag:$0x3] =	stream.indirect_vreg.gather [hbm4b:s10+s3], $0x80, v7, vm0, $0xb8;
	[tilespmem:$0x1B000] =	vst v63  }
0x81: {  	v6 =	vperm.xlane v6, v34;
	s21 =	simm.s32 $0x15800  }
0x82: {  	[tilespmem:s21], [sflag:$0x3] =	stream.indirect_vreg.gather [hbm4b:s11+s3], $0x80, v7, vm0, $0xb8;
	[tilespmem:$0x1B000] =	vst v63  }
0x83: {  	v6 =	vadd.s32 v3, v6;
	s21 =	simm.s32 $0x16000  }
0x84: {  	[tilespmem:s21], [sflag:$0x3] =	stream.indirect_vreg.gather [hbm4b:s12+s3], $0x80, v7, vm0, $0xb8;
	[tilespmem:$0x1B000] =	vst v63  }
0x85: {  	s21 =	simm.s32 $0x16800  }
0x86: {  	[tilespmem:s21], [sflag:$0x3] =	stream.indirect_vreg.gather [hbm4b:s13+s3], $0x80, v7, vm0, $0xb8;
	[tilespmem:$0x1B000] =	vst v63  }
0x87: {  	s21 =	simm.s32 $0x17000  }
0x88: {  	[tilespmem:s21], [sflag:$0x3] =	stream.indirect_vreg.gather [hbm4b:s6+s3], $0x80, v6, vm0, $0xb8;
	[tilespmem:$0x1B000] =	vst v63  }
0x89: {  	s21 =	simm.s32 $0x17800  }
0x8a: {  	[tilespmem:s21], [sflag:$0x3] =	stream.indirect_vreg.gather [hbm4b:s7+s3], $0x80, v6, vm0, $0xb8;
	[tilespmem:$0x1B000] =	vst v63  }
0x8b: {  	s21 =	simm.s32 $0x18000  }
0x8c: {  	[tilespmem:s21], [sflag:$0x3] =	stream.indirect_vreg.gather [hbm4b:s8+s3], $0x80, v6, vm0, $0xb8;
	[tilespmem:$0x1B000] =	vst v63  }
0x8d: {  	s21 =	simm.s32 $0x18800  }
0x8e: {  	[tilespmem:s21], [sflag:$0x3] =	stream.indirect_vreg.gather [hbm4b:s9+s3], $0x80, v6, vm0, $0xb8;
	[tilespmem:$0x1B000] =	vst v63  }
0x8f: {  	s21 =	simm.s32 $0x19000  }
0x90: {  	[tilespmem:s21], [sflag:$0x3] =	stream.indirect_vreg.gather [hbm4b:s10+s3], $0x80, v6, vm0, $0xb8;
	[tilespmem:$0x1B000] =	vst v63  }
0x91: {  	s21 =	simm.s32 $0x19800  }
0x92: {  	[tilespmem:s21], [sflag:$0x3] =	stream.indirect_vreg.gather [hbm4b:s11+s3], $0x80, v6, vm0, $0xb8;
	[tilespmem:$0x1B000] =	vst v63  }
0x93: {  	s21 =	simm.s32 $0x1A000  }
0x94: {  	[tilespmem:s21], [sflag:$0x3] =	stream.indirect_vreg.gather [hbm4b:s12+s3], $0x80, v6, vm0, $0xb8;
	[tilespmem:$0x1B000] =	vst v63  }
0x95: {  	s14 =	simm.s32 $0x2;
	s21 =	simm.s32 $0x1A800  }
0x96: {  	[tilespmem:s21], [sflag:$0x3] =	stream.indirect_vreg.gather [hbm4b:s13+s3], $0x80, v6, vm0, $0xb8;
	[tilespmem:$0x1B000] =	vst v63  }
0x97: {  	_ =	swait.ge [sflag:s14], $0x8000  }
0x98: {  	[sflag:s14] =	ssyncset.done $0x0  }
0x99: {  	s21 =	rddreg [dreg:$0x8];
	[sflag:s14] =	ssyncadd.s32 $0xFFFF8000  }
0x9a: {  	[hbm4b:s21+s3] =	stream.linear.scatter [tilespmem:s5], [sflag:$0x5], $0x8000, $0x38;
	[tilespmem:$0x1B000] =	vst v63  }
0x9b: {  	_ =	swait.ge [sflag:s15], $0x8000  }
0x9c: {  	[sflag:s15] =	ssyncset.done $0x0  }
0x9d: {  	[sflag:s15] =	ssyncadd.s32 $0xFFFF8000  }
0x9e: {  	v38 =	vld [tilespmem:s0+$0x2030];
	_ =	sdelay $0x4  }
0x9f: {  	v39 =	vadd.s32 v0, v38  }
0xa0: {  	v7 =	vshll.u32 v39, $0x4  }
0xa1: {  	v6 =	vand.u32 $0x7, v38;
	v7 =	vand.u32 $0xFFFFFF80, v7  }
0xa2: {  	v6 =	vor.u32 v6, v7  }
0xa3: {  	v7 =	vperm.xlane v6, v33;
	_ =	sdelay $0x1  }
0xa4: {  	v7 =	vadd.s32 v3, v7;
	_ =	sdelay $0x4  }
0xa5: {  	[tilespmem:s20], [sflag:$0x1] =	stream.indirect_vreg.gather [hbm4b:s6+s3], $0x80, v7, vm0, $0xb8;
	[tilespmem:$0x1B000] =	vst v63  }
0xa6: {  	s21 =	simm.s32 $0x3800  }
0xa7: {  	[tilespmem:s21], [sflag:$0x1] =	stream.indirect_vreg.gather [hbm4b:s7+s3], $0x80, v7, vm0, $0xb8;
	[tilespmem:$0x1B000] =	vst v63  }
0xa8: {  	s21 =	simm.s32 $0x4000  }
0xa9: {  	[tilespmem:s21], [sflag:$0x1] =	stream.indirect_vreg.gather [hbm4b:s8+s3], $0x80, v7, vm0, $0xb8;
	[tilespmem:$0x1B000] =	vst v63  }
0xaa: {  	s21 =	simm.s32 $0x4800  }
0xab: {  	[tilespmem:s21], [sflag:$0x1] =	stream.indirect_vreg.gather [hbm4b:s9+s3], $0x80, v7, vm0, $0xb8;
	[tilespmem:$0x1B000] =	vst v63  }
0xac: {  	s29 =	simm.s32 $0x5000  }
0xad: {  	[tilespmem:s29], [sflag:$0x1] =	stream.indirect_vreg.gather [hbm4b:s10+s3], $0x80, v7, vm0, $0xb8;
	[tilespmem:$0x1B000] =	vst v63  }
0xae: {  	s28 =	simm.s32 $0x5800;
	v6 =	vperm.xlane v6, v34  }
0xaf: {  	[tilespmem:s28], [sflag:$0x1] =	stream.indirect_vreg.gather [hbm4b:s11+s3], $0x80, v7, vm0, $0xb8;
	[tilespmem:$0x1B000] =	vst v63  }
0xb0: {  	s30 =	simm.s32 $0x6000;
	v6 =	vadd.s32 v3, v6  }
0xb1: {  	[tilespmem:s30], [sflag:$0x1] =	stream.indirect_vreg.gather [hbm4b:s12+s3], $0x80, v7, vm0, $0xb8;
	[tilespmem:$0x1B000] =	vst v63  }
0xb2: {  	s26 =	simm.s32 $0x6800  }
0xb3: {  	[tilespmem:s26], [sflag:$0x1] =	stream.indirect_vreg.gather [hbm4b:s13+s3], $0x80, v7, vm0, $0xb8;
	[tilespmem:$0x1B000] =	vst v63  }
0xb4: {  	s25 =	simm.s32 $0x7000  }
0xb5: {  	[tilespmem:s25], [sflag:$0x1] =	stream.indirect_vreg.gather [hbm4b:s6+s3], $0x80, v6, vm0, $0xb8;
	[tilespmem:$0x1B000] =	vst v63  }
0xb6: {  	s24 =	simm.s32 $0x7800  }
0xb7: {  	[tilespmem:s24], [sflag:$0x1] =	stream.indirect_vreg.gather [hbm4b:s7+s3], $0x80, v6, vm0, $0xb8;
	[tilespmem:$0x1B000] =	vst v63  }
0xb8: {  	s23 =	simm.s32 $0x8000  }
0xb9: {  	[tilespmem:s23], [sflag:$0x1] =	stream.indirect_vreg.gather [hbm4b:s8+s3], $0x80, v6, vm0, $0xb8;
	[tilespmem:$0x1B000] =	vst v63  }
0xba: {  	s22 =	simm.s32 $0x8800  }
0xbb: {  	[tilespmem:s22], [sflag:$0x1] =	stream.indirect_vreg.gather [hbm4b:s9+s3], $0x80, v6, vm0, $0xb8;
	[tilespmem:$0x1B000] =	vst v63  }
0xbc: {  	s19 =	simm.s32 $0x9000  }
0xbd: {  	[tilespmem:s19], [sflag:$0x1] =	stream.indirect_vreg.gather [hbm4b:s10+s3], $0x80, v6, vm0, $0xb8;
	[tilespmem:$0x1B000] =	vst v63  }
0xbe: {  	s18 =	simm.s32 $0x9800  }
0xbf: {  	[tilespmem:s18], [sflag:$0x1] =	stream.indirect_vreg.gather [hbm4b:s11+s3], $0x80, v6, vm0, $0xb8;
	[tilespmem:$0x1B000] =	vst v63  }
0xc0: {  	s17 =	simm.s32 $0xA000  }
0xc1: {  	[tilespmem:s17], [sflag:$0x1] =	stream.indirect_vreg.gather [hbm4b:s12+s3], $0x80, v6, vm0, $0xb8;
	[tilespmem:$0x1B000] =	vst v63  }
0xc2: {  	s16 =	simm.s32 $0xA800  }
0xc3: {  	[tilespmem:s16], [sflag:$0x1] =	stream.indirect_vreg.gather [hbm4b:s13+s3], $0x80, v6, vm0, $0xb8;
	[tilespmem:$0x1B000] =	vst v63  }
0xc4: {  	s16 =	simm.s32 $0x3  }
0xc5: {  	_ =	swait.ge [sflag:s16], $0x8000  }
0xc6: {  	[sflag:s16] =	ssyncset.done $0x0  }
0xc7: {  	s17 =	simm.s32 $0x5;
	s18 =	rddreg [dreg:$0x9];
	[sflag:s16] =	ssyncadd.s32 $0xFFFF8000  }
0xc8: {  	[hbm4b:s18+s3] =	stream.linear.scatter [tilespmem:s31], [sflag:$0x6], $0x8000, $0x38;
	[tilespmem:$0x1B000] =	vst v63  }
0xc9: {  	_ =	swait.ge [sflag:s17], $0x8000  }
0xca: {  	[sflag:s17] =	ssyncset.done $0x0  }
0xcb: {  	[sflag:s17] =	ssyncadd.s32 $0xFFFF8000  }
0xcc: {  	v40 =	vld [tilespmem:s0+$0x2040];
	_ =	sdelay $0x4  }
0xcd: {  	v41 =	vadd.s32 v0, v40  }
0xce: {  	v7 =	vshll.u32 v41, $0x4  }
0xcf: {  	v6 =	vand.u32 $0x7, v40;
	v7 =	vand.u32 $0xFFFFFF80, v7  }
0xd0: {  	v6 =	vor.u32 v6, v7  }
0xd1: {  	v7 =	vperm.xlane v6, v33;
	_ =	sdelay $0x1  }
0xd2: {  	v7 =	vadd.s32 v3, v7;
	_ =	sdelay $0x4  }
0xd3: {  	[tilespmem:s5], [sflag:$0x2] =	stream.indirect_vreg.gather [hbm4b:s6+s3], $0x80, v7, vm0, $0xb8;
	[tilespmem:$0x1B000] =	vst v63  }
0xd4: {  	s21 =	simm.s32 $0xB800  }
0xd5: {  	[tilespmem:s21], [sflag:$0x2] =	stream.indirect_vreg.gather [hbm4b:s7+s3], $0x80, v7, vm0, $0xb8;
	[tilespmem:$0x1B000] =	vst v63  }
0xd6: {  	s21 =	simm.s32 $0xC000  }
0xd7: {  	[tilespmem:s21], [sflag:$0x2] =	stream.indirect_vreg.gather [hbm4b:s8+s3], $0x80, v7, vm0, $0xb8;
	[tilespmem:$0x1B000] =	vst v63  }
0xd8: {  	s21 =	simm.s32 $0xC800  }
0xd9: {  	[tilespmem:s21], [sflag:$0x2] =	stream.indirect_vreg.gather [hbm4b:s9+s3], $0x80, v7, vm0, $0xb8;
	[tilespmem:$0x1B000] =	vst v63  }
0xda: {  	s21 =	simm.s32 $0xD000  }
0xdb: {  	[tilespmem:s21], [sflag:$0x2] =	stream.indirect_vreg.gather [hbm4b:s10+s3], $0x80, v7, vm0, $0xb8;
	[tilespmem:$0x1B000] =	vst v63  }
0xdc: {  	v6 =	vperm.xlane v6, v34;
	s21 =	simm.s32 $0xD800  }
0xdd: {  	[tilespmem:s21], [sflag:$0x2] =	stream.indirect_vreg.gather [hbm4b:s11+s3], $0x80, v7, vm0, $0xb8;
	[tilespmem:$0x1B000] =	vst v63  }
0xde: {  	v6 =	vadd.s32 v3, v6;
	s21 =	simm.s32 $0xE000  }
0xdf: {  	[tilespmem:s21], [sflag:$0x2] =	stream.indirect_vreg.gather [hbm4b:s12+s3], $0x80, v7, vm0, $0xb8;
	[tilespmem:$0x1B000] =	vst v63  }
0xe0: {  	s21 =	simm.s32 $0xE800  }
0xe1: {  	[tilespmem:s21], [sflag:$0x2] =	stream.indirect_vreg.gather [hbm4b:s13+s3], $0x80, v7, vm0, $0xb8;
	[tilespmem:$0x1B000] =	vst v63  }
0xe2: {  	s21 =	simm.s32 $0xF000  }
0xe3: {  	[tilespmem:s21], [sflag:$0x2] =	stream.indirect_vreg.gather [hbm4b:s6+s3], $0x80, v6, vm0, $0xb8;
	[tilespmem:$0x1B000] =	vst v63  }
0xe4: {  	s21 =	simm.s32 $0xF800  }
0xe5: {  	[tilespmem:s21], [sflag:$0x2] =	stream.indirect_vreg.gather [hbm4b:s7+s3], $0x80, v6, vm0, $0xb8;
	[tilespmem:$0x1B000] =	vst v63  }
0xe6: {  	s21 =	simm.s32 $0x10000  }
0xe7: {  	[tilespmem:s21], [sflag:$0x2] =	stream.indirect_vreg.gather [hbm4b:s8+s3], $0x80, v6, vm0, $0xb8;
	[tilespmem:$0x1B000] =	vst v63  }
0xe8: {  	s21 =	simm.s32 $0x10800  }
0xe9: {  	[tilespmem:s21], [sflag:$0x2] =	stream.indirect_vreg.gather [hbm4b:s9+s3], $0x80, v6, vm0, $0xb8;
	[tilespmem:$0x1B000] =	vst v63  }
0xea: {  	s21 =	simm.s32 $0x11000  }
0xeb: {  	[tilespmem:s21], [sflag:$0x2] =	stream.indirect_vreg.gather [hbm4b:s10+s3], $0x80, v6, vm0, $0xb8;
	[tilespmem:$0x1B000] =	vst v63  }
0xec: {  	s21 =	simm.s32 $0x11800  }
0xed: {  	[tilespmem:s21], [sflag:$0x2] =	stream.indirect_vreg.gather [hbm4b:s11+s3], $0x80, v6, vm0, $0xb8;
	[tilespmem:$0x1B000] =	vst v63  }
0xee: {  	s21 =	simm.s32 $0x12000  }
0xef: {  	[tilespmem:s21], [sflag:$0x2] =	stream.indirect_vreg.gather [hbm4b:s12+s3], $0x80, v6, vm0, $0xb8;
	[tilespmem:$0x1B000] =	vst v63  }
0xf0: {  	s21 =	simm.s32 $0x12800  }
0xf1: {  	[tilespmem:s21], [sflag:$0x2] =	stream.indirect_vreg.gather [hbm4b:s13+s3], $0x80, v6, vm0, $0xb8;
	[tilespmem:$0x1B000] =	vst v63  }
0xf2: {  	_ =	swait.ge [sflag:s1], $0x8000  }
0xf3: {  	[sflag:s1] =	ssyncset.done $0x0  }
0xf4: {  	s18 =	rddreg [dreg:$0xa];
	[sflag:s1] =	ssyncadd.s32 $0xFFFF8000  }
0xf5: {  	[hbm4b:s18+s3] =	stream.linear.scatter [tilespmem:s20], [sflag:$0x4], $0x8000, $0x38;
	[tilespmem:$0x1B000] =	vst v63  }
0xf6: {  	s18 =	simm.s32 $0x6  }
0xf7: {  	_ =	swait.ge [sflag:s18], $0x8000  }
0xf8: {  	[sflag:s18] =	ssyncset.done $0x0  }
0xf9: {  	[sflag:s18] =	ssyncadd.s32 $0xFFFF8000  }
0xfa: {  	v42 =	vld [tilespmem:s0+$0x2050];
	_ =	sdelay $0x4  }
0xfb: {  	v43 =	vadd.s32 v0, v42  }
0xfc: {  	v7 =	vshll.u32 v43, $0x4  }
0xfd: {  	v6 =	vand.u32 $0x7, v42;
	v7 =	vand.u32 $0xFFFFFF80, v7  }
0xfe: {  	v6 =	vor.u32 v6, v7  }
0xff: {  	v7 =	vperm.xlane v6, v33;
	_ =	sdelay $0x1  }
0x100: {  	v7 =	vadd.s32 v3, v7;
	_ =	sdelay $0x4  }
0x101: {  	[tilespmem:s31], [sflag:$0x3] =	stream.indirect_vreg.gather [hbm4b:s6+s3], $0x80, v7, vm0, $0xb8;
	[tilespmem:$0x1B000] =	vst v63  }
0x102: {  	s21 =	simm.s32 $0x13800  }
0x103: {  	[tilespmem:s21], [sflag:$0x3] =	stream.indirect_vreg.gather [hbm4b:s7+s3], $0x80, v7, vm0, $0xb8;
	[tilespmem:$0x1B000] =	vst v63  }
0x104: {  	s21 =	simm.s32 $0x14000  }
0x105: {  	[tilespmem:s21], [sflag:$0x3] =	stream.indirect_vreg.gather [hbm4b:s8+s3], $0x80, v7, vm0, $0xb8;
	[tilespmem:$0x1B000] =	vst v63  }
0x106: {  	s21 =	simm.s32 $0x14800  }
0x107: {  	[tilespmem:s21], [sflag:$0x3] =	stream.indirect_vreg.gather [hbm4b:s9+s3], $0x80, v7, vm0, $0xb8;
	[tilespmem:$0x1B000] =	vst v63  }
0x108: {  	s21 =	simm.s32 $0x15000  }
0x109: {  	[tilespmem:s21], [sflag:$0x3] =	stream.indirect_vreg.gather [hbm4b:s10+s3], $0x80, v7, vm0, $0xb8;
	[tilespmem:$0x1B000] =	vst v63  }
0x10a: {  	v6 =	vperm.xlane v6, v34;
	s21 =	simm.s32 $0x15800  }
0x10b: {  	[tilespmem:s21], [sflag:$0x3] =	stream.indirect_vreg.gather [hbm4b:s11+s3], $0x80, v7, vm0, $0xb8;
	[tilespmem:$0x1B000] =	vst v63  }
0x10c: {  	v6 =	vadd.s32 v3, v6;
	s21 =	simm.s32 $0x16000  }
0x10d: {  	[tilespmem:s21], [sflag:$0x3] =	stream.indirect_vreg.gather [hbm4b:s12+s3], $0x80, v7, vm0, $0xb8;
	[tilespmem:$0x1B000] =	vst v63  }
0x10e: {  	s21 =	simm.s32 $0x16800  }
0x10f: {  	[tilespmem:s21], [sflag:$0x3] =	stream.indirect_vreg.gather [hbm4b:s13+s3], $0x80, v7, vm0, $0xb8;
	[tilespmem:$0x1B000] =	vst v63  }
0x110: {  	s21 =	simm.s32 $0x17000  }
0x111: {  	[tilespmem:s21], [sflag:$0x3] =	stream.indirect_vreg.gather [hbm4b:s6+s3], $0x80, v6, vm0, $0xb8;
	[tilespmem:$0x1B000] =	vst v63  }
0x112: {  	s21 =	simm.s32 $0x17800  }
0x113: {  	[tilespmem:s21], [sflag:$0x3] =	stream.indirect_vreg.gather [hbm4b:s7+s3], $0x80, v6, vm0, $0xb8;
	[tilespmem:$0x1B000] =	vst v63  }
0x114: {  	s21 =	simm.s32 $0x18000  }
0x115: {  	[tilespmem:s21], [sflag:$0x3] =	stream.indirect_vreg.gather [hbm4b:s8+s3], $0x80, v6, vm0, $0xb8;
	[tilespmem:$0x1B000] =	vst v63  }
0x116: {  	s21 =	simm.s32 $0x18800  }
0x117: {  	[tilespmem:s21], [sflag:$0x3] =	stream.indirect_vreg.gather [hbm4b:s9+s3], $0x80, v6, vm0, $0xb8;
	[tilespmem:$0x1B000] =	vst v63  }
0x118: {  	s21 =	simm.s32 $0x19000  }
0x119: {  	[tilespmem:s21], [sflag:$0x3] =	stream.indirect_vreg.gather [hbm4b:s10+s3], $0x80, v6, vm0, $0xb8;
	[tilespmem:$0x1B000] =	vst v63  }
0x11a: {  	s21 =	simm.s32 $0x19800  }
0x11b: {  	[tilespmem:s21], [sflag:$0x3] =	stream.indirect_vreg.gather [hbm4b:s11+s3], $0x80, v6, vm0, $0xb8;
	[tilespmem:$0x1B000] =	vst v63  }
0x11c: {  	s21 =	simm.s32 $0x1A000  }
0x11d: {  	[tilespmem:s21], [sflag:$0x3] =	stream.indirect_vreg.gather [hbm4b:s12+s3], $0x80, v6, vm0, $0xb8;
	[tilespmem:$0x1B000] =	vst v63  }
0x11e: {  	s21 =	simm.s32 $0x1A800  }
0x11f: {  	[tilespmem:s21], [sflag:$0x3] =	stream.indirect_vreg.gather [hbm4b:s13+s3], $0x80, v6, vm0, $0xb8;
	[tilespmem:$0x1B000] =	vst v63  }
0x120: {  	_ =	swait.ge [sflag:s14], $0x8000  }
0x121: {  	[sflag:s14] =	ssyncset.done $0x0  }
0x122: {  	s21 =	rddreg [dreg:$0xb];
	[sflag:s14] =	ssyncadd.s32 $0xFFFF8000  }
0x123: {  	[hbm4b:s21+s3] =	stream.linear.scatter [tilespmem:s5], [sflag:$0x5], $0x8000, $0x38;
	[tilespmem:$0x1B000] =	vst v63  }
0x124: {  	_ =	swait.ge [sflag:s15], $0x8000  }
0x125: {  	[sflag:s15] =	ssyncset.done $0x0  }
0x126: {  	[sflag:s15] =	ssyncadd.s32 $0xFFFF8000  }
0x127: {  	v44 =	vld [tilespmem:s0+$0x2060];
	_ =	sdelay $0x4  }
0x128: {  	v45 =	vadd.s32 v0, v44  }
0x129: {  	v7 =	vshll.u32 v45, $0x4  }
0x12a: {  	v6 =	vand.u32 $0x7, v44;
	v7 =	vand.u32 $0xFFFFFF80, v7  }
0x12b: {  	v6 =	vor.u32 v6, v7  }
0x12c: {  	v7 =	vperm.xlane v6, v33;
	_ =	sdelay $0x1  }
0x12d: {  	v7 =	vadd.s32 v3, v7;
	_ =	sdelay $0x4  }
0x12e: {  	[tilespmem:s20], [sflag:$0x1] =	stream.indirect_vreg.gather [hbm4b:s6+s3], $0x80, v7, vm0, $0xb8;
	[tilespmem:$0x1B000] =	vst v63  }
0x12f: {  	s21 =	simm.s32 $0x3800  }
0x130: {  	[tilespmem:s21], [sflag:$0x1] =	stream.indirect_vreg.gather [hbm4b:s7+s3], $0x80, v7, vm0, $0xb8;
	[tilespmem:$0x1B000] =	vst v63  }
0x131: {  	s21 =	simm.s32 $0x4000  }
0x132: {  	[tilespmem:s21], [sflag:$0x1] =	stream.indirect_vreg.gather [hbm4b:s8+s3], $0x80, v7, vm0, $0xb8;
	[tilespmem:$0x1B000] =	vst v63  }
0x133: {  	s21 =	simm.s32 $0x4800  }
0x134: {  	[tilespmem:s21], [sflag:$0x1] =	stream.indirect_vreg.gather [hbm4b:s9+s3], $0x80, v7, vm0, $0xb8;
	[tilespmem:$0x1B000] =	vst v63  }
0x135: {  	s29 =	simm.s32 $0x5000  }
0x136: {  	[tilespmem:s29], [sflag:$0x1] =	stream.indirect_vreg.gather [hbm4b:s10+s3], $0x80, v7, vm0, $0xb8;
	[tilespmem:$0x1B000] =	vst v63  }
0x137: {  	v6 =	vperm.xlane v6, v34;
	s21 =	simm.s32 $0x5800  }
0x138: {  	[tilespmem:s21], [sflag:$0x1] =	stream.indirect_vreg.gather [hbm4b:s11+s3], $0x80, v7, vm0, $0xb8;
	[tilespmem:$0x1B000] =	vst v63  }
0x139: {  	s28 =	simm.s32 $0x6000;
	v6 =	vadd.s32 v3, v6  }
0x13a: {  	[tilespmem:s28], [sflag:$0x1] =	stream.indirect_vreg.gather [hbm4b:s12+s3], $0x80, v7, vm0, $0xb8;
	[tilespmem:$0x1B000] =	vst v63  }
0x13b: {  	s26 =	simm.s32 $0x6800  }
0x13c: {  	[tilespmem:s26], [sflag:$0x1] =	stream.indirect_vreg.gather [hbm4b:s13+s3], $0x80, v7, vm0, $0xb8;
	[tilespmem:$0x1B000] =	vst v63  }
0x13d: {  	s25 =	simm.s32 $0x7000  }
0x13e: {  	[tilespmem:s25], [sflag:$0x1] =	stream.indirect_vreg.gather [hbm4b:s6+s3], $0x80, v6, vm0, $0xb8;
	[tilespmem:$0x1B000] =	vst v63  }
0x13f: {  	s24 =	simm.s32 $0x7800  }
0x140: {  	[tilespmem:s24], [sflag:$0x1] =	stream.indirect_vreg.gather [hbm4b:s7+s3], $0x80, v6, vm0, $0xb8;
	[tilespmem:$0x1B000] =	vst v63  }
0x141: {  	s23 =	simm.s32 $0x8000  }
0x142: {  	[tilespmem:s23], [sflag:$0x1] =	stream.indirect_vreg.gather [hbm4b:s8+s3], $0x80, v6, vm0, $0xb8;
	[tilespmem:$0x1B000] =	vst v63  }
0x143: {  	s22 =	simm.s32 $0x8800  }
0x144: {  	[tilespmem:s22], [sflag:$0x1] =	stream.indirect_vreg.gather [hbm4b:s9+s3], $0x80, v6, vm0, $0xb8;
	[tilespmem:$0x1B000] =	vst v63  }
0x145: {  	s19 =	simm.s32 $0x9000  }
0x146: {  	[tilespmem:s19], [sflag:$0x1] =	stream.indirect_vreg.gather [hbm4b:s10+s3], $0x80, v6, vm0, $0xb8;
	[tilespmem:$0x1B000] =	vst v63  }
0x147: {  	s30 =	simm.s32 $0x9800  }
0x148: {  	[tilespmem:s30], [sflag:$0x1] =	stream.indirect_vreg.gather [hbm4b:s11+s3], $0x80, v6, vm0, $0xb8;
	[tilespmem:$0x1B000] =	vst v63  }
0x149: {  	s23 =	simm.s32 $0xA000  }
0x14a: {  	[tilespmem:s23], [sflag:$0x1] =	stream.indirect_vreg.gather [hbm4b:s12+s3], $0x80, v6, vm0, $0xb8;
	[tilespmem:$0x1B000] =	vst v63  }
0x14b: {  	s23 =	simm.s32 $0xA800  }
0x14c: {  	[tilespmem:s23], [sflag:$0x1] =	stream.indirect_vreg.gather [hbm4b:s13+s3], $0x80, v6, vm0, $0xb8;
	[tilespmem:$0x1B000] =	vst v63  }
0x14d: {  	_ =	swait.ge [sflag:s16], $0x8000  }
0x14e: {  	[sflag:s16] =	ssyncset.done $0x0  }
0x14f: {  	s21 =	rddreg [dreg:$0xc];
	[sflag:s16] =	ssyncadd.s32 $0xFFFF8000  }
0x150: {  	[hbm4b:s21+s3] =	stream.linear.scatter [tilespmem:s31], [sflag:$0x6], $0x8000, $0x38;
	[tilespmem:$0x1B000] =	vst v63  }
0x151: {  	_ =	swait.ge [sflag:s17], $0x8000  }
0x152: {  	[sflag:s17] =	ssyncset.done $0x0  }
0x153: {  	[sflag:s17] =	ssyncadd.s32 $0xFFFF8000  }
0x154: {  	v46 =	vld [tilespmem:s0+$0x2070];
	_ =	sdelay $0x4  }
0x155: {  	v47 =	vadd.s32 v0, v46  }
0x156: {  	v7 =	vshll.u32 v47, $0x4  }
0x157: {  	v6 =	vand.u32 $0x7, v46;
	v7 =	vand.u32 $0xFFFFFF80, v7  }
0x158: {  	v6 =	vor.u32 v6, v7  }
0x159: {  	v7 =	vperm.xlane v6, v33;
	_ =	sdelay $0x1  }
0x15a: {  	v7 =	vadd.s32 v3, v7;
	_ =	sdelay $0x4  }
0x15b: {  	[tilespmem:s5], [sflag:$0x2] =	stream.indirect_vreg.gather [hbm4b:s6+s3], $0x80, v7, vm0, $0xb8;
	[tilespmem:$0x1B000] =	vst v63  }
0x15c: {  	s21 =	simm.s32 $0xB800  }
0x15d: {  	[tilespmem:s21], [sflag:$0x2] =	stream.indirect_vreg.gather [hbm4b:s7+s3], $0x80, v7, vm0, $0xb8;
	[tilespmem:$0x1B000] =	vst v63  }
0x15e: {  	s21 =	simm.s32 $0xC000  }
0x15f: {  	[tilespmem:s21], [sflag:$0x2] =	stream.indirect_vreg.gather [hbm4b:s8+s3], $0x80, v7, vm0, $0xb8;
	[tilespmem:$0x1B000] =	vst v63  }
0x160: {  	s21 =	simm.s32 $0xC800  }
0x161: {  	[tilespmem:s21], [sflag:$0x2] =	stream.indirect_vreg.gather [hbm4b:s9+s3], $0x80, v7, vm0, $0xb8;
	[tilespmem:$0x1B000] =	vst v63  }
0x162: {  	s21 =	simm.s32 $0xD000  }
0x163: {  	[tilespmem:s21], [sflag:$0x2] =	stream.indirect_vreg.gather [hbm4b:s10+s3], $0x80, v7, vm0, $0xb8;
	[tilespmem:$0x1B000] =	vst v63  }
0x164: {  	v6 =	vperm.xlane v6, v34;
	s21 =	simm.s32 $0xD800  }
0x165: {  	[tilespmem:s21], [sflag:$0x2] =	stream.indirect_vreg.gather [hbm4b:s11+s3], $0x80, v7, vm0, $0xb8;
	[tilespmem:$0x1B000] =	vst v63  }
0x166: {  	v6 =	vadd.s32 v3, v6;
	s21 =	simm.s32 $0xE000  }
0x167: {  	[tilespmem:s21], [sflag:$0x2] =	stream.indirect_vreg.gather [hbm4b:s12+s3], $0x80, v7, vm0, $0xb8;
	[tilespmem:$0x1B000] =	vst v63  }
0x168: {  	s21 =	simm.s32 $0xE800  }
0x169: {  	[tilespmem:s21], [sflag:$0x2] =	stream.indirect_vreg.gather [hbm4b:s13+s3], $0x80, v7, vm0, $0xb8;
	[tilespmem:$0x1B000] =	vst v63  }
0x16a: {  	s21 =	simm.s32 $0xF000  }
0x16b: {  	[tilespmem:s21], [sflag:$0x2] =	stream.indirect_vreg.gather [hbm4b:s6+s3], $0x80, v6, vm0, $0xb8;
	[tilespmem:$0x1B000] =	vst v63  }
0x16c: {  	s21 =	simm.s32 $0xF800  }
0x16d: {  	[tilespmem:s21], [sflag:$0x2] =	stream.indirect_vreg.gather [hbm4b:s7+s3], $0x80, v6, vm0, $0xb8;
	[tilespmem:$0x1B000] =	vst v63  }
0x16e: {  	s21 =	simm.s32 $0x10000  }
0x16f: {  	[tilespmem:s21], [sflag:$0x2] =	stream.indirect_vreg.gather [hbm4b:s8+s3], $0x80, v6, vm0, $0xb8;
	[tilespmem:$0x1B000] =	vst v63  }
0x170: {  	s21 =	simm.s32 $0x10800  }
0x171: {  	[tilespmem:s21], [sflag:$0x2] =	stream.indirect_vreg.gather [hbm4b:s9+s3], $0x80, v6, vm0, $0xb8;
	[tilespmem:$0x1B000] =	vst v63  }
0x172: {  	s21 =	simm.s32 $0x11000  }
0x173: {  	[tilespmem:s21], [sflag:$0x2] =	stream.indirect_vreg.gather [hbm4b:s10+s3], $0x80, v6, vm0, $0xb8;
	[tilespmem:$0x1B000] =	vst v63  }
0x174: {  	s21 =	simm.s32 $0x11800  }
0x175: {  	[tilespmem:s21], [sflag:$0x2] =	stream.indirect_vreg.gather [hbm4b:s11+s3], $0x80, v6, vm0, $0xb8;
	[tilespmem:$0x1B000] =	vst v63  }
0x176: {  	s21 =	simm.s32 $0x12000  }
0x177: {  	[tilespmem:s21], [sflag:$0x2] =	stream.indirect_vreg.gather [hbm4b:s12+s3], $0x80, v6, vm0, $0xb8;
	[tilespmem:$0x1B000] =	vst v63  }
0x178: {  	s21 =	simm.s32 $0x12800  }
0x179: {  	[tilespmem:s21], [sflag:$0x2] =	stream.indirect_vreg.gather [hbm4b:s13+s3], $0x80, v6, vm0, $0xb8;
	[tilespmem:$0x1B000] =	vst v63  }
0x17a: {  	_ =	swait.ge [sflag:s1], $0x8000  }
0x17b: {  	[sflag:s1] =	ssyncset.done $0x0  }
0x17c: {  	s21 =	rddreg [dreg:$0xd];
	[sflag:s1] =	ssyncadd.s32 $0xFFFF8000  }
0x17d: {  	[hbm4b:s21+s3] =	stream.linear.scatter [tilespmem:s20], [sflag:$0x4], $0x8000, $0x38;
	[tilespmem:$0x1B000] =	vst v63  }
0x17e: {  	_ =	swait.ge [sflag:s18], $0x8000  }
0x17f: {  	[sflag:s18] =	ssyncset.done $0x0  }
0x180: {  	[sflag:s18] =	ssyncadd.s32 $0xFFFF8000  }
0x181: {  	v48 =	vld [tilespmem:s0+$0x2080];
	_ =	sdelay $0x4  }
0x182: {  	v49 =	vadd.s32 v0, v48  }
0x183: {  	v7 =	vshll.u32 v49, $0x4  }
0x184: {  	v6 =	vand.u32 $0x7, v48;
	v7 =	vand.u32 $0xFFFFFF80, v7  }
0x185: {  	v6 =	vor.u32 v6, v7  }
0x186: {  	v7 =	vperm.xlane v6, v33;
	_ =	sdelay $0x1  }
0x187: {  	v7 =	vadd.s32 v3, v7;
	_ =	sdelay $0x4  }
0x188: {  	[tilespmem:s31], [sflag:$0x3] =	stream.indirect_vreg.gather [hbm4b:s6+s3], $0x80, v7, vm0, $0xb8;
	[tilespmem:$0x1B000] =	vst v63  }
0x189: {  	s21 =	simm.s32 $0x13800  }
0x18a: {  	[tilespmem:s21], [sflag:$0x3] =	stream.indirect_vreg.gather [hbm4b:s7+s3], $0x80, v7, vm0, $0xb8;
	[tilespmem:$0x1B000] =	vst v63  }
0x18b: {  	s21 =	simm.s32 $0x14000  }
0x18c: {  	[tilespmem:s21], [sflag:$0x3] =	stream.indirect_vreg.gather [hbm4b:s8+s3], $0x80, v7, vm0, $0xb8;
	[tilespmem:$0x1B000] =	vst v63  }
0x18d: {  	s21 =	simm.s32 $0x14800  }
0x18e: {  	[tilespmem:s21], [sflag:$0x3] =	stream.indirect_vreg.gather [hbm4b:s9+s3], $0x80, v7, vm0, $0xb8;
	[tilespmem:$0x1B000] =	vst v63  }
0x18f: {  	s21 =	simm.s32 $0x15000  }
0x190: {  	[tilespmem:s21], [sflag:$0x3] =	stream.indirect_vreg.gather [hbm4b:s10+s3], $0x80, v7, vm0, $0xb8;
	[tilespmem:$0x1B000] =	vst v63  }
0x191: {  	v6 =	vperm.xlane v6, v34;
	s21 =	simm.s32 $0x15800  }
0x192: {  	[tilespmem:s21], [sflag:$0x3] =	stream.indirect_vreg.gather [hbm4b:s11+s3], $0x80, v7, vm0, $0xb8;
	[tilespmem:$0x1B000] =	vst v63  }
0x193: {  	v6 =	vadd.s32 v3, v6;
	s21 =	simm.s32 $0x16000  }
0x194: {  	[tilespmem:s21], [sflag:$0x3] =	stream.indirect_vreg.gather [hbm4b:s12+s3], $0x80, v7, vm0, $0xb8;
	[tilespmem:$0x1B000] =	vst v63  }
0x195: {  	s21 =	simm.s32 $0x16800  }
0x196: {  	[tilespmem:s21], [sflag:$0x3] =	stream.indirect_vreg.gather [hbm4b:s13+s3], $0x80, v7, vm0, $0xb8;
	[tilespmem:$0x1B000] =	vst v63  }
0x197: {  	s21 =	simm.s32 $0x17000  }
0x198: {  	[tilespmem:s21], [sflag:$0x3] =	stream.indirect_vreg.gather [hbm4b:s6+s3], $0x80, v6, vm0, $0xb8;
	[tilespmem:$0x1B000] =	vst v63  }
0x199: {  	s21 =	simm.s32 $0x17800  }
0x19a: {  	[tilespmem:s21], [sflag:$0x3] =	stream.indirect_vreg.gather [hbm4b:s7+s3], $0x80, v6, vm0, $0xb8;
	[tilespmem:$0x1B000] =	vst v63  }
0x19b: {  	s21 =	simm.s32 $0x18000  }
0x19c: {  	[tilespmem:s21], [sflag:$0x3] =	stream.indirect_vreg.gather [hbm4b:s8+s3], $0x80, v6, vm0, $0xb8;
	[tilespmem:$0x1B000] =	vst v63  }
0x19d: {  	s21 =	simm.s32 $0x18800  }
0x19e: {  	[tilespmem:s21], [sflag:$0x3] =	stream.indirect_vreg.gather [hbm4b:s9+s3], $0x80, v6, vm0, $0xb8;
	[tilespmem:$0x1B000] =	vst v63  }
0x19f: {  	s21 =	simm.s32 $0x19000  }
0x1a0: {  	[tilespmem:s21], [sflag:$0x3] =	stream.indirect_vreg.gather [hbm4b:s10+s3], $0x80, v6, vm0, $0xb8;
	[tilespmem:$0x1B000] =	vst v63  }
0x1a1: {  	s21 =	simm.s32 $0x19800  }
0x1a2: {  	[tilespmem:s21], [sflag:$0x3] =	stream.indirect_vreg.gather [hbm4b:s11+s3], $0x80, v6, vm0, $0xb8;
	[tilespmem:$0x1B000] =	vst v63  }
0x1a3: {  	s21 =	simm.s32 $0x1A000  }
0x1a4: {  	[tilespmem:s21], [sflag:$0x3] =	stream.indirect_vreg.gather [hbm4b:s12+s3], $0x80, v6, vm0, $0xb8;
	[tilespmem:$0x1B000] =	vst v63  }
0x1a5: {  	s21 =	simm.s32 $0x1A800  }
0x1a6: {  	[tilespmem:s21], [sflag:$0x3] =	stream.indirect_vreg.gather [hbm4b:s13+s3], $0x80, v6, vm0, $0xb8;
	[tilespmem:$0x1B000] =	vst v63  }
0x1a7: {  	_ =	swait.ge [sflag:s14], $0x8000  }
0x1a8: {  	[sflag:s14] =	ssyncset.done $0x0  }
0x1a9: {  	s21 =	rddreg [dreg:$0xe];
	[sflag:s14] =	ssyncadd.s32 $0xFFFF8000  }
0x1aa: {  	[hbm4b:s21+s3] =	stream.linear.scatter [tilespmem:s5], [sflag:$0x5], $0x8000, $0x38;
	[tilespmem:$0x1B000] =	vst v63  }
0x1ab: {  	_ =	swait.ge [sflag:s15], $0x8000  }
0x1ac: {  	[sflag:s15] =	ssyncset.done $0x0  }
0x1ad: {  	[sflag:s15] =	ssyncadd.s32 $0xFFFF8000  }
0x1ae: {  	v50 =	vld [tilespmem:s0+$0x2090];
	_ =	sdelay $0x4  }
0x1af: {  	v51 =	vadd.s32 v0, v50  }
0x1b0: {  	v7 =	vshll.u32 v51, $0x4  }
0x1b1: {  	v6 =	vand.u32 $0x7, v50;
	v7 =	vand.u32 $0xFFFFFF80, v7  }
0x1b2: {  	v6 =	vor.u32 v6, v7  }
0x1b3: {  	v7 =	vperm.xlane v6, v33;
	_ =	sdelay $0x1  }
0x1b4: {  	v7 =	vadd.s32 v3, v7;
	_ =	sdelay $0x4  }
0x1b5: {  	[tilespmem:s20], [sflag:$0x1] =	stream.indirect_vreg.gather [hbm4b:s6+s3], $0x80, v7, vm0, $0xb8;
	[tilespmem:$0x1B000] =	vst v63  }
0x1b6: {  	s21 =	simm.s32 $0x3800  }
0x1b7: {  	[tilespmem:s21], [sflag:$0x1] =	stream.indirect_vreg.gather [hbm4b:s7+s3], $0x80, v7, vm0, $0xb8;
	[tilespmem:$0x1B000] =	vst v63  }
0x1b8: {  	s21 =	simm.s32 $0x4000  }
0x1b9: {  	[tilespmem:s21], [sflag:$0x1] =	stream.indirect_vreg.gather [hbm4b:s8+s3], $0x80, v7, vm0, $0xb8;
	[tilespmem:$0x1B000] =	vst v63  }
0x1ba: {  	s21 =	simm.s32 $0x4800  }
0x1bb: {  	[tilespmem:s21], [sflag:$0x1] =	stream.indirect_vreg.gather [hbm4b:s9+s3], $0x80, v7, vm0, $0xb8;
	[tilespmem:$0x1B000] =	vst v63  }
0x1bc: {  	s29 =	simm.s32 $0x5000  }
0x1bd: {  	[tilespmem:s29], [sflag:$0x1] =	stream.indirect_vreg.gather [hbm4b:s10+s3], $0x80, v7, vm0, $0xb8;
	[tilespmem:$0x1B000] =	vst v63  }
0x1be: {  	v6 =	vperm.xlane v6, v34;
	s29 =	simm.s32 $0x5800  }
0x1bf: {  	[tilespmem:s29], [sflag:$0x1] =	stream.indirect_vreg.gather [hbm4b:s11+s3], $0x80, v7, vm0, $0xb8;
	[tilespmem:$0x1B000] =	vst v63  }
0x1c0: {  	s28 =	simm.s32 $0x6000;
	v6 =	vadd.s32 v3, v6  }
0x1c1: {  	[tilespmem:s28], [sflag:$0x1] =	stream.indirect_vreg.gather [hbm4b:s12+s3], $0x80, v7, vm0, $0xb8;
	[tilespmem:$0x1B000] =	vst v63  }
0x1c2: {  	s26 =	simm.s32 $0x6800  }
0x1c3: {  	[tilespmem:s26], [sflag:$0x1] =	stream.indirect_vreg.gather [hbm4b:s13+s3], $0x80, v7, vm0, $0xb8;
	[tilespmem:$0x1B000] =	vst v63  }
0x1c4: {  	s25 =	simm.s32 $0x7000  }
0x1c5: {  	[tilespmem:s25], [sflag:$0x1] =	stream.indirect_vreg.gather [hbm4b:s6+s3], $0x80, v6, vm0, $0xb8;
	[tilespmem:$0x1B000] =	vst v63  }
0x1c6: {  	s24 =	simm.s32 $0x7800  }
0x1c7: {  	[tilespmem:s24], [sflag:$0x1] =	stream.indirect_vreg.gather [hbm4b:s7+s3], $0x80, v6, vm0, $0xb8;
	[tilespmem:$0x1B000] =	vst v63  }
0x1c8: {  	s29 =	simm.s32 $0x8000  }
0x1c9: {  	[tilespmem:s29], [sflag:$0x1] =	stream.indirect_vreg.gather [hbm4b:s8+s3], $0x80, v6, vm0, $0xb8;
	[tilespmem:$0x1B000] =	vst v63  }
0x1ca: {  	s22 =	simm.s32 $0x8800  }
0x1cb: {  	[tilespmem:s22], [sflag:$0x1] =	stream.indirect_vreg.gather [hbm4b:s9+s3], $0x80, v6, vm0, $0xb8;
	[tilespmem:$0x1B000] =	vst v63  }
0x1cc: {  	s19 =	simm.s32 $0x9000  }
0x1cd: {  	[tilespmem:s19], [sflag:$0x1] =	stream.indirect_vreg.gather [hbm4b:s10+s3], $0x80, v6, vm0, $0xb8;
	[tilespmem:$0x1B000] =	vst v63  }
0x1ce: {  	s30 =	simm.s32 $0x9800  }
0x1cf: {  	[tilespmem:s30], [sflag:$0x1] =	stream.indirect_vreg.gather [hbm4b:s11+s3], $0x80, v6, vm0, $0xb8;
	[tilespmem:$0x1B000] =	vst v63  }
0x1d0: {  	s22 =	simm.s32 $0xA000  }
0x1d1: {  	[tilespmem:s22], [sflag:$0x1] =	stream.indirect_vreg.gather [hbm4b:s12+s3], $0x80, v6, vm0, $0xb8;
	[tilespmem:$0x1B000] =	vst v63  }
0x1d2: {  	s23 =	simm.s32 $0xA800  }
0x1d3: {  	[tilespmem:s23], [sflag:$0x1] =	stream.indirect_vreg.gather [hbm4b:s13+s3], $0x80, v6, vm0, $0xb8;
	[tilespmem:$0x1B000] =	vst v63  }
0x1d4: {  	_ =	swait.ge [sflag:s16], $0x8000  }
0x1d5: {  	[sflag:s16] =	ssyncset.done $0x0  }
0x1d6: {  	s23 =	rddreg [dreg:$0xf];
	[sflag:s16] =	ssyncadd.s32 $0xFFFF8000  }
0x1d7: {  	[hbm4b:s23+s3] =	stream.linear.scatter [tilespmem:s31], [sflag:$0x6], $0x8000, $0x38;
	[tilespmem:$0x1B000] =	vst v63  }
0x1d8: {  	_ =	swait.ge [sflag:s17], $0x8000  }
0x1d9: {  	[sflag:s17] =	ssyncset.done $0x0  }
0x1da: {  	[sflag:s17] =	ssyncadd.s32 $0xFFFF8000  }
0x1db: {  	v52 =	vld [tilespmem:s0+$0x20A0];
	_ =	sdelay $0x4  }
0x1dc: {  	v53 =	vadd.s32 v0, v52  }
0x1dd: {  	v7 =	vshll.u32 v53, $0x4  }
0x1de: {  	v6 =	vand.u32 $0x7, v52;
	v7 =	vand.u32 $0xFFFFFF80, v7  }
0x1df: {  	v6 =	vor.u32 v6, v7  }
0x1e0: {  	v7 =	vperm.xlane v6, v33;
	_ =	sdelay $0x1  }
0x1e1: {  	v7 =	vadd.s32 v3, v7;
	_ =	sdelay $0x4  }
0x1e2: {  	[tilespmem:s5], [sflag:$0x2] =	stream.indirect_vreg.gather [hbm4b:s6+s3], $0x80, v7, vm0, $0xb8;
	[tilespmem:$0x1B000] =	vst v63  }
0x1e3: {  	s25 =	simm.s32 $0xB800  }
0x1e4: {  	[tilespmem:s25], [sflag:$0x2] =	stream.indirect_vreg.gather [hbm4b:s7+s3], $0x80, v7, vm0, $0xb8;
	[tilespmem:$0x1B000] =	vst v63  }
0x1e5: {  	s26 =	simm.s32 $0xC000  }
0x1e6: {  	[tilespmem:s26], [sflag:$0x2] =	stream.indirect_vreg.gather [hbm4b:s8+s3], $0x80, v7, vm0, $0xb8;
	[tilespmem:$0x1B000] =	vst v63  }
0x1e7: {  	s28 =	simm.s32 $0xC800  }
0x1e8: {  	[tilespmem:s28], [sflag:$0x2] =	stream.indirect_vreg.gather [hbm4b:s9+s3], $0x80, v7, vm0, $0xb8;
	[tilespmem:$0x1B000] =	vst v63  }
0x1e9: {  	s29 =	simm.s32 $0xD000  }
0x1ea: {  	[tilespmem:s29], [sflag:$0x2] =	stream.indirect_vreg.gather [hbm4b:s10+s3], $0x80, v7, vm0, $0xb8;
	[tilespmem:$0x1B000] =	vst v63  }
0x1eb: {  	s30 =	simm.s32 $0xD800;
	v6 =	vperm.xlane v6, v34  }
0x1ec: {  	[tilespmem:s30], [sflag:$0x2] =	stream.indirect_vreg.gather [hbm4b:s11+s3], $0x80, v7, vm0, $0xb8;
	[tilespmem:$0x1B000] =	vst v63  }
0x1ed: {  	s21 =	simm.s32 $0xE000;
	v6 =	vadd.s32 v3, v6  }
0x1ee: {  	[tilespmem:s21], [sflag:$0x2] =	stream.indirect_vreg.gather [hbm4b:s12+s3], $0x80, v7, vm0, $0xb8;
	[tilespmem:$0x1B000] =	vst v63  }
0x1ef: {  	s22 =	simm.s32 $0xE800  }
0x1f0: {  	[tilespmem:s22], [sflag:$0x2] =	stream.indirect_vreg.gather [hbm4b:s13+s3], $0x80, v7, vm0, $0xb8;
	[tilespmem:$0x1B000] =	vst v63  }
0x1f1: {  	s23 =	simm.s32 $0xF000  }
0x1f2: {  	[tilespmem:s23], [sflag:$0x2] =	stream.indirect_vreg.gather [hbm4b:s6+s3], $0x80, v6, vm0, $0xb8;
	[tilespmem:$0x1B000] =	vst v63  }
0x1f3: {  	s25 =	simm.s32 $0xF800  }
0x1f4: {  	[tilespmem:s25], [sflag:$0x2] =	stream.indirect_vreg.gather [hbm4b:s7+s3], $0x80, v6, vm0, $0xb8;
	[tilespmem:$0x1B000] =	vst v63  }
0x1f5: {  	s26 =	simm.s32 $0x10000  }
0x1f6: {  	[tilespmem:s26], [sflag:$0x2] =	stream.indirect_vreg.gather [hbm4b:s8+s3], $0x80, v6, vm0, $0xb8;
	[tilespmem:$0x1B000] =	vst v63  }
0x1f7: {  	s28 =	simm.s32 $0x10800  }
0x1f8: {  	[tilespmem:s28], [sflag:$0x2] =	stream.indirect_vreg.gather [hbm4b:s9+s3], $0x80, v6, vm0, $0xb8;
	[tilespmem:$0x1B000] =	vst v63  }
0x1f9: {  	s29 =	simm.s32 $0x11000  }
0x1fa: {  	[tilespmem:s29], [sflag:$0x2] =	stream.indirect_vreg.gather [hbm4b:s10+s3], $0x80, v6, vm0, $0xb8;
	[tilespmem:$0x1B000] =	vst v63  }
0x1fb: {  	s30 =	simm.s32 $0x11800  }
0x1fc: {  	[tilespmem:s30], [sflag:$0x2] =	stream.indirect_vreg.gather [hbm4b:s11+s3], $0x80, v6, vm0, $0xb8;
	[tilespmem:$0x1B000] =	vst v63  }
0x1fd: {  	s21 =	simm.s32 $0x12000  }
0x1fe: {  	[tilespmem:s21], [sflag:$0x2] =	stream.indirect_vreg.gather [hbm4b:s12+s3], $0x80, v6, vm0, $0xb8;
	[tilespmem:$0x1B000] =	vst v63  }
0x1ff: {  	s22 =	simm.s32 $0x12800  }
0x200: {  	[tilespmem:s22], [sflag:$0x2] =	stream.indirect_vreg.gather [hbm4b:s13+s3], $0x80, v6, vm0, $0xb8;
	[tilespmem:$0x1B000] =	vst v63  }
0x201: {  	_ =	swait.ge [sflag:s1], $0x8000  }
0x202: {  	[sflag:s1] =	ssyncset.done $0x0  }
0x203: {  	s23 =	rddreg [dreg:$0x10];
	[sflag:s1] =	ssyncadd.s32 $0xFFFF8000  }
0x204: {  	[hbm4b:s23+s3] =	stream.linear.scatter [tilespmem:s20], [sflag:$0x4], $0x8000, $0x38;
	[tilespmem:$0x1B000] =	vst v63  }
0x205: {  	_ =	swait.ge [sflag:s18], $0x8000  }
0x206: {  	[sflag:s18] =	ssyncset.done $0x0  }
0x207: {  	[sflag:s18] =	ssyncadd.s32 $0xFFFF8000  }
0x208: {  	v54 =	vld [tilespmem:s0+$0x20B0];
	_ =	sdelay $0x4  }
0x209: {  	v55 =	vadd.s32 v0, v54  }
0x20a: {  	v7 =	vshll.u32 v55, $0x4  }
0x20b: {  	v6 =	vand.u32 $0x7, v54;
	v7 =	vand.u32 $0xFFFFFF80, v7  }
0x20c: {  	v6 =	vor.u32 v6, v7  }
0x20d: {  	v7 =	vperm.xlane v6, v33;
	_ =	sdelay $0x1  }
0x20e: {  	v7 =	vadd.s32 v3, v7;
	_ =	sdelay $0x4  }
0x20f: {  	[tilespmem:s31], [sflag:$0x3] =	stream.indirect_vreg.gather [hbm4b:s6+s3], $0x80, v7, vm0, $0xb8;
	[tilespmem:$0x1B000] =	vst v63  }
0x210: {  	s25 =	simm.s32 $0x13800  }
0x211: {  	[tilespmem:s25], [sflag:$0x3] =	stream.indirect_vreg.gather [hbm4b:s7+s3], $0x80, v7, vm0, $0xb8;
	[tilespmem:$0x1B000] =	vst v63  }
0x212: {  	s26 =	simm.s32 $0x14000  }
0x213: {  	[tilespmem:s26], [sflag:$0x3] =	stream.indirect_vreg.gather [hbm4b:s8+s3], $0x80, v7, vm0, $0xb8;
	[tilespmem:$0x1B000] =	vst v63  }
0x214: {  	s28 =	simm.s32 $0x14800  }
0x215: {  	[tilespmem:s28], [sflag:$0x3] =	stream.indirect_vreg.gather [hbm4b:s9+s3], $0x80, v7, vm0, $0xb8;
	[tilespmem:$0x1B000] =	vst v63  }
0x216: {  	s29 =	simm.s32 $0x15000  }
0x217: {  	[tilespmem:s29], [sflag:$0x3] =	stream.indirect_vreg.gather [hbm4b:s10+s3], $0x80, v7, vm0, $0xb8;
	[tilespmem:$0x1B000] =	vst v63  }
0x218: {  	s30 =	simm.s32 $0x15800;
	v6 =	vperm.xlane v6, v34  }
0x219: {  	[tilespmem:s30], [sflag:$0x3] =	stream.indirect_vreg.gather [hbm4b:s11+s3], $0x80, v7, vm0, $0xb8;
	[tilespmem:$0x1B000] =	vst v63  }
0x21a: {  	v6 =	vadd.s32 v3, v6;
	s25 =	simm.s32 $0x16000  }
0x21b: {  	[tilespmem:s25], [sflag:$0x3] =	stream.indirect_vreg.gather [hbm4b:s12+s3], $0x80, v7, vm0, $0xb8;
	[tilespmem:$0x1B000] =	vst v63  }
0x21c: {  	s26 =	simm.s32 $0x16800  }
0x21d: {  	[tilespmem:s26], [sflag:$0x3] =	stream.indirect_vreg.gather [hbm4b:s13+s3], $0x80, v7, vm0, $0xb8;
	[tilespmem:$0x1B000] =	vst v63  }
0x21e: {  	s28 =	simm.s32 $0x17000  }
0x21f: {  	[tilespmem:s28], [sflag:$0x3] =	stream.indirect_vreg.gather [hbm4b:s6+s3], $0x80, v6, vm0, $0xb8;
	[tilespmem:$0x1B000] =	vst v63  }
0x220: {  	s29 =	simm.s32 $0x17800  }
0x221: {  	[tilespmem:s29], [sflag:$0x3] =	stream.indirect_vreg.gather [hbm4b:s7+s3], $0x80, v6, vm0, $0xb8;
	[tilespmem:$0x1B000] =	vst v63  }
0x222: {  	s30 =	simm.s32 $0x18000  }
0x223: {  	[tilespmem:s30], [sflag:$0x3] =	stream.indirect_vreg.gather [hbm4b:s8+s3], $0x80, v6, vm0, $0xb8;
	[tilespmem:$0x1B000] =	vst v63  }
0x224: {  	s21 =	simm.s32 $0x18800  }
0x225: {  	[tilespmem:s21], [sflag:$0x3] =	stream.indirect_vreg.gather [hbm4b:s9+s3], $0x80, v6, vm0, $0xb8;
	[tilespmem:$0x1B000] =	vst v63  }
0x226: {  	s21 =	simm.s32 $0x19000  }
0x227: {  	[tilespmem:s21], [sflag:$0x3] =	stream.indirect_vreg.gather [hbm4b:s10+s3], $0x80, v6, vm0, $0xb8;
	[tilespmem:$0x1B000] =	vst v63  }
0x228: {  	s21 =	simm.s32 $0x19800  }
0x229: {  	[tilespmem:s21], [sflag:$0x3] =	stream.indirect_vreg.gather [hbm4b:s11+s3], $0x80, v6, vm0, $0xb8;
	[tilespmem:$0x1B000] =	vst v63  }
0x22a: {  	s21 =	simm.s32 $0x1A000  }
0x22b: {  	[tilespmem:s21], [sflag:$0x3] =	stream.indirect_vreg.gather [hbm4b:s12+s3], $0x80, v6, vm0, $0xb8;
	[tilespmem:$0x1B000] =	vst v63  }
0x22c: {  	s21 =	simm.s32 $0x1A800  }
0x22d: {  	[tilespmem:s21], [sflag:$0x3] =	stream.indirect_vreg.gather [hbm4b:s13+s3], $0x80, v6, vm0, $0xb8;
	[tilespmem:$0x1B000] =	vst v63  }
0x22e: {  	_ =	swait.ge [sflag:s14], $0x8000  }
0x22f: {  	[sflag:s14] =	ssyncset.done $0x0  }
0x230: {  	s21 =	rddreg [dreg:$0x12];
	[sflag:s14] =	ssyncadd.s32 $0xFFFF8000  }
0x231: {  	[hbm4b:s21+s3] =	stream.linear.scatter [tilespmem:s5], [sflag:$0x5], $0x8000, $0x38;
	[tilespmem:$0x1B000] =	vst v63  }
0x232: {  	_ =	swait.ge [sflag:s15], $0x8000  }
0x233: {  	[sflag:s15] =	ssyncset.done $0x0  }
0x234: {  	[sflag:s15] =	ssyncadd.s32 $0xFFFF8000  }
0x235: {  	v56 =	vld [tilespmem:s0+$0x20C0];
	_ =	sdelay $0x4  }
0x236: {  	v57 =	vadd.s32 v0, v56  }
0x237: {  	v7 =	vshll.u32 v57, $0x4  }
0x238: {  	v6 =	vand.u32 $0x7, v56;
	v7 =	vand.u32 $0xFFFFFF80, v7  }
0x239: {  	v6 =	vor.u32 v6, v7  }
0x23a: {  	v7 =	vperm.xlane v6, v33;
	_ =	sdelay $0x1  }
0x23b: {  	v7 =	vadd.s32 v3, v7;
	_ =	sdelay $0x4  }
0x23c: {  	[tilespmem:s20], [sflag:$0x1] =	stream.indirect_vreg.gather [hbm4b:s6+s3], $0x80, v7, vm0, $0xb8;
	[tilespmem:$0x1B000] =	vst v63  }
0x23d: {  	s21 =	simm.s32 $0x3800  }
0x23e: {  	[tilespmem:s21], [sflag:$0x1] =	stream.indirect_vreg.gather [hbm4b:s7+s3], $0x80, v7, vm0, $0xb8;
	[tilespmem:$0x1B000] =	vst v63  }
0x23f: {  	s21 =	simm.s32 $0x4000  }
0x240: {  	[tilespmem:s21], [sflag:$0x1] =	stream.indirect_vreg.gather [hbm4b:s8+s3], $0x80, v7, vm0, $0xb8;
	[tilespmem:$0x1B000] =	vst v63  }
0x241: {  	s21 =	simm.s32 $0x4800  }
0x242: {  	[tilespmem:s21], [sflag:$0x1] =	stream.indirect_vreg.gather [hbm4b:s9+s3], $0x80, v7, vm0, $0xb8;
	[tilespmem:$0x1B000] =	vst v63  }
0x243: {  	s21 =	simm.s32 $0x5000  }
0x244: {  	[tilespmem:s21], [sflag:$0x1] =	stream.indirect_vreg.gather [hbm4b:s10+s3], $0x80, v7, vm0, $0xb8;
	[tilespmem:$0x1B000] =	vst v63  }
0x245: {  	v6 =	vperm.xlane v6, v34;
	s21 =	simm.s32 $0x5800  }
0x246: {  	[tilespmem:s21], [sflag:$0x1] =	stream.indirect_vreg.gather [hbm4b:s11+s3], $0x80, v7, vm0, $0xb8;
	[tilespmem:$0x1B000] =	vst v63  }
0x247: {  	v6 =	vadd.s32 v3, v6;
	s21 =	simm.s32 $0x6000  }
0x248: {  	[tilespmem:s21], [sflag:$0x1] =	stream.indirect_vreg.gather [hbm4b:s12+s3], $0x80, v7, vm0, $0xb8;
	[tilespmem:$0x1B000] =	vst v63  }
0x249: {  	s21 =	simm.s32 $0x6800  }
0x24a: {  	[tilespmem:s21], [sflag:$0x1] =	stream.indirect_vreg.gather [hbm4b:s13+s3], $0x80, v7, vm0, $0xb8;
	[tilespmem:$0x1B000] =	vst v63  }
0x24b: {  	s21 =	simm.s32 $0x7000  }
0x24c: {  	[tilespmem:s21], [sflag:$0x1] =	stream.indirect_vreg.gather [hbm4b:s6+s3], $0x80, v6, vm0, $0xb8;
	[tilespmem:$0x1B000] =	vst v63  }
0x24d: {  	s21 =	simm.s32 $0x7800  }
0x24e: {  	[tilespmem:s21], [sflag:$0x1] =	stream.indirect_vreg.gather [hbm4b:s7+s3], $0x80, v6, vm0, $0xb8;
	[tilespmem:$0x1B000] =	vst v63  }
0x24f: {  	s21 =	simm.s32 $0x8000  }
0x250: {  	[tilespmem:s21], [sflag:$0x1] =	stream.indirect_vreg.gather [hbm4b:s8+s3], $0x80, v6, vm0, $0xb8;
	[tilespmem:$0x1B000] =	vst v63  }
0x251: {  	s21 =	simm.s32 $0x8800  }
0x252: {  	[tilespmem:s21], [sflag:$0x1] =	stream.indirect_vreg.gather [hbm4b:s9+s3], $0x80, v6, vm0, $0xb8;
	[tilespmem:$0x1B000] =	vst v63  }
0x253: {  	s21 =	simm.s32 $0x9000  }
0x254: {  	[tilespmem:s21], [sflag:$0x1] =	stream.indirect_vreg.gather [hbm4b:s10+s3], $0x80, v6, vm0, $0xb8;
	[tilespmem:$0x1B000] =	vst v63  }
0x255: {  	s21 =	simm.s32 $0x9800  }
0x256: {  	[tilespmem:s21], [sflag:$0x1] =	stream.indirect_vreg.gather [hbm4b:s11+s3], $0x80, v6, vm0, $0xb8;
	[tilespmem:$0x1B000] =	vst v63  }
0x257: {  	s21 =	simm.s32 $0xA000  }
0x258: {  	[tilespmem:s21], [sflag:$0x1] =	stream.indirect_vreg.gather [hbm4b:s12+s3], $0x80, v6, vm0, $0xb8;
	[tilespmem:$0x1B000] =	vst v63  }
0x259: {  	s24 =	simm.s32 $0xA800  }
0x25a: {  	[tilespmem:s24], [sflag:$0x1] =	stream.indirect_vreg.gather [hbm4b:s13+s3], $0x80, v6, vm0, $0xb8;
	[tilespmem:$0x1B000] =	vst v63  }
0x25b: {  	_ =	swait.ge [sflag:s16], $0x8000  }
0x25c: {  	[sflag:s16] =	ssyncset.done $0x0  }
0x25d: {  	s21 =	rddreg [dreg:$0x13];
	[sflag:s16] =	ssyncadd.s32 $0xFFFF8000  }
0x25e: {  	[hbm4b:s21+s3] =	stream.linear.scatter [tilespmem:s31], [sflag:$0x6], $0x8000, $0x38;
	[tilespmem:$0x1B000] =	vst v63  }
0x25f: {  	_ =	swait.ge [sflag:s17], $0x8000  }
0x260: {  	[sflag:s17] =	ssyncset.done $0x0  }
0x261: {  	[sflag:s17] =	ssyncadd.s32 $0xFFFF8000  }
0x262: {  	v58 =	vld [tilespmem:s0+$0x20D0];
	_ =	sdelay $0x4  }
0x263: {  	v59 =	vadd.s32 v0, v58  }
0x264: {  	v7 =	vshll.u32 v59, $0x4  }
0x265: {  	v6 =	vand.u32 $0x7, v58;
	v7 =	vand.u32 $0xFFFFFF80, v7  }
0x266: {  	v6 =	vor.u32 v6, v7  }
0x267: {  	v7 =	vperm.xlane v6, v33;
	_ =	sdelay $0x1  }
0x268: {  	v7 =	vadd.s32 v3, v7;
	_ =	sdelay $0x4  }
0x269: {  	[tilespmem:s5], [sflag:$0x2] =	stream.indirect_vreg.gather [hbm4b:s6+s3], $0x80, v7, vm0, $0xb8;
	[tilespmem:$0x1B000] =	vst v63  }
0x26a: {  	s21 =	simm.s32 $0xB800  }
0x26b: {  	[tilespmem:s21], [sflag:$0x2] =	stream.indirect_vreg.gather [hbm4b:s7+s3], $0x80, v7, vm0, $0xb8;
	[tilespmem:$0x1B000] =	vst v63  }
0x26c: {  	s21 =	simm.s32 $0xC000  }
0x26d: {  	[tilespmem:s21], [sflag:$0x2] =	stream.indirect_vreg.gather [hbm4b:s8+s3], $0x80, v7, vm0, $0xb8;
	[tilespmem:$0x1B000] =	vst v63  }
0x26e: {  	s21 =	simm.s32 $0xC800  }
0x26f: {  	[tilespmem:s21], [sflag:$0x2] =	stream.indirect_vreg.gather [hbm4b:s9+s3], $0x80, v7, vm0, $0xb8;
	[tilespmem:$0x1B000] =	vst v63  }
0x270: {  	s21 =	simm.s32 $0xD000  }
0x271: {  	[tilespmem:s21], [sflag:$0x2] =	stream.indirect_vreg.gather [hbm4b:s10+s3], $0x80, v7, vm0, $0xb8;
	[tilespmem:$0x1B000] =	vst v63  }
0x272: {  	v6 =	vperm.xlane v6, v34;
	s21 =	simm.s32 $0xD800  }
0x273: {  	[tilespmem:s21], [sflag:$0x2] =	stream.indirect_vreg.gather [hbm4b:s11+s3], $0x80, v7, vm0, $0xb8;
	[tilespmem:$0x1B000] =	vst v63  }
0x274: {  	v6 =	vadd.s32 v3, v6;
	s21 =	simm.s32 $0xE000  }
0x275: {  	[tilespmem:s21], [sflag:$0x2] =	stream.indirect_vreg.gather [hbm4b:s12+s3], $0x80, v7, vm0, $0xb8;
	[tilespmem:$0x1B000] =	vst v63  }
0x276: {  	s21 =	simm.s32 $0xE800  }
0x277: {  	[tilespmem:s21], [sflag:$0x2] =	stream.indirect_vreg.gather [hbm4b:s13+s3], $0x80, v7, vm0, $0xb8;
	[tilespmem:$0x1B000] =	vst v63  }
0x278: {  	s21 =	simm.s32 $0xF000  }
0x279: {  	[tilespmem:s21], [sflag:$0x2] =	stream.indirect_vreg.gather [hbm4b:s6+s3], $0x80, v6, vm0, $0xb8;
	[tilespmem:$0x1B000] =	vst v63  }
0x27a: {  	s21 =	simm.s32 $0xF800  }
0x27b: {  	[tilespmem:s21], [sflag:$0x2] =	stream.indirect_vreg.gather [hbm4b:s7+s3], $0x80, v6, vm0, $0xb8;
	[tilespmem:$0x1B000] =	vst v63  }
0x27c: {  	s21 =	simm.s32 $0x10000  }
0x27d: {  	[tilespmem:s21], [sflag:$0x2] =	stream.indirect_vreg.gather [hbm4b:s8+s3], $0x80, v6, vm0, $0xb8;
	[tilespmem:$0x1B000] =	vst v63  }
0x27e: {  	s21 =	simm.s32 $0x10800  }
0x27f: {  	[tilespmem:s21], [sflag:$0x2] =	stream.indirect_vreg.gather [hbm4b:s9+s3], $0x80, v6, vm0, $0xb8;
	[tilespmem:$0x1B000] =	vst v63  }
0x280: {  	s21 =	simm.s32 $0x11000  }
0x281: {  	[tilespmem:s21], [sflag:$0x2] =	stream.indirect_vreg.gather [hbm4b:s10+s3], $0x80, v6, vm0, $0xb8;
	[tilespmem:$0x1B000] =	vst v63  }
0x282: {  	s21 =	simm.s32 $0x11800  }
0x283: {  	[tilespmem:s21], [sflag:$0x2] =	stream.indirect_vreg.gather [hbm4b:s11+s3], $0x80, v6, vm0, $0xb8;
	[tilespmem:$0x1B000] =	vst v63  }
0x284: {  	s21 =	simm.s32 $0x12000  }
0x285: {  	[tilespmem:s21], [sflag:$0x2] =	stream.indirect_vreg.gather [hbm4b:s12+s3], $0x80, v6, vm0, $0xb8;
	[tilespmem:$0x1B000] =	vst v63  }
0x286: {  	s21 =	simm.s32 $0x12800  }
0x287: {  	[tilespmem:s21], [sflag:$0x2] =	stream.indirect_vreg.gather [hbm4b:s13+s3], $0x80, v6, vm0, $0xb8;
	[tilespmem:$0x1B000] =	vst v63  }
0x288: {  	_ =	swait.ge [sflag:s1], $0x8000  }
0x289: {  	[sflag:s1] =	ssyncset.done $0x0  }
0x28a: {  	s21 =	rddreg [dreg:$0x14];
	[sflag:s1] =	ssyncadd.s32 $0xFFFF8000  }
0x28b: {  	[hbm4b:s21+s3] =	stream.linear.scatter [tilespmem:s20], [sflag:$0x4], $0x8000, $0x38;
	[tilespmem:$0x1B000] =	vst v63  }
0x28c: {  	_ =	swait.ge [sflag:s18], $0x8000  }
0x28d: {  	[sflag:s18] =	ssyncset.done $0x0  }
0x28e: {  	[sflag:s18] =	ssyncadd.s32 $0xFFFF8000  }
0x28f: {  	v60 =	vld [tilespmem:s0+$0x20E0];
	_ =	sdelay $0x4  }
0x290: {  	v61 =	vadd.s32 v0, v60  }
0x291: {  	v7 =	vshll.u32 v61, $0x4  }
0x292: {  	v6 =	vand.u32 $0x7, v60;
	v7 =	vand.u32 $0xFFFFFF80, v7  }
0x293: {  	v6 =	vor.u32 v6, v7  }
0x294: {  	v7 =	vperm.xlane v6, v33;
	_ =	sdelay $0x1  }
0x295: {  	v7 =	vadd.s32 v3, v7;
	_ =	sdelay $0x4  }
0x296: {  	[tilespmem:s31], [sflag:$0x3] =	stream.indirect_vreg.gather [hbm4b:s6+s3], $0x80, v7, vm0, $0xb8;
	[tilespmem:$0x1B000] =	vst v63  }
0x297: {  	s19 =	simm.s32 $0x13800  }
0x298: {  	[tilespmem:s19], [sflag:$0x3] =	stream.indirect_vreg.gather [hbm4b:s7+s3], $0x80, v7, vm0, $0xb8;
	[tilespmem:$0x1B000] =	vst v63  }
0x299: {  	s22 =	simm.s32 $0x14000  }
0x29a: {  	[tilespmem:s22], [sflag:$0x3] =	stream.indirect_vreg.gather [hbm4b:s8+s3], $0x80, v7, vm0, $0xb8;
	[tilespmem:$0x1B000] =	vst v63  }
0x29b: {  	s23 =	simm.s32 $0x14800  }
0x29c: {  	[tilespmem:s23], [sflag:$0x3] =	stream.indirect_vreg.gather [hbm4b:s9+s3], $0x80, v7, vm0, $0xb8;
	[tilespmem:$0x1B000] =	vst v63  }
0x29d: {  	s22 =	simm.s32 $0x15000  }
0x29e: {  	[tilespmem:s22], [sflag:$0x3] =	stream.indirect_vreg.gather [hbm4b:s10+s3], $0x80, v7, vm0, $0xb8;
	[tilespmem:$0x1B000] =	vst v63  }
0x29f: {  	v6 =	vperm.xlane v6, v34;
	s23 =	simm.s32 $0x15800  }
0x2a0: {  	[tilespmem:s23], [sflag:$0x3] =	stream.indirect_vreg.gather [hbm4b:s11+s3], $0x80, v7, vm0, $0xb8;
	[tilespmem:$0x1B000] =	vst v63  }
0x2a1: {  	s25 =	simm.s32 $0x16000;
	v6 =	vadd.s32 v3, v6  }
0x2a2: {  	[tilespmem:s25], [sflag:$0x3] =	stream.indirect_vreg.gather [hbm4b:s12+s3], $0x80, v7, vm0, $0xb8;
	[tilespmem:$0x1B000] =	vst v63  }
0x2a3: {  	s26 =	simm.s32 $0x16800  }
0x2a4: {  	[tilespmem:s26], [sflag:$0x3] =	stream.indirect_vreg.gather [hbm4b:s13+s3], $0x80, v7, vm0, $0xb8;
	[tilespmem:$0x1B000] =	vst v63  }
0x2a5: {  	s28 =	simm.s32 $0x17000  }
0x2a6: {  	[tilespmem:s28], [sflag:$0x3] =	stream.indirect_vreg.gather [hbm4b:s6+s3], $0x80, v6, vm0, $0xb8;
	[tilespmem:$0x1B000] =	vst v63  }
0x2a7: {  	s29 =	simm.s32 $0x17800  }
0x2a8: {  	[tilespmem:s29], [sflag:$0x3] =	stream.indirect_vreg.gather [hbm4b:s7+s3], $0x80, v6, vm0, $0xb8;
	[tilespmem:$0x1B000] =	vst v63  }
0x2a9: {  	s30 =	simm.s32 $0x18000  }
0x2aa: {  	[tilespmem:s30], [sflag:$0x3] =	stream.indirect_vreg.gather [hbm4b:s8+s3], $0x80, v6, vm0, $0xb8;
	[tilespmem:$0x1B000] =	vst v63  }
0x2ab: {  	s25 =	simm.s32 $0x18800  }
0x2ac: {  	[tilespmem:s25], [sflag:$0x3] =	stream.indirect_vreg.gather [hbm4b:s9+s3], $0x80, v6, vm0, $0xb8;
	[tilespmem:$0x1B000] =	vst v63  }
0x2ad: {  	s26 =	simm.s32 $0x19000  }
0x2ae: {  	[tilespmem:s26], [sflag:$0x3] =	stream.indirect_vreg.gather [hbm4b:s10+s3], $0x80, v6, vm0, $0xb8;
	[tilespmem:$0x1B000] =	vst v63  }
0x2af: {  	s28 =	simm.s32 $0x19800  }
0x2b0: {  	[tilespmem:s28], [sflag:$0x3] =	stream.indirect_vreg.gather [hbm4b:s11+s3], $0x80, v6, vm0, $0xb8;
	[tilespmem:$0x1B000] =	vst v63  }
0x2b1: {  	s29 =	simm.s32 $0x1A000  }
0x2b2: {  	[tilespmem:s29], [sflag:$0x3] =	stream.indirect_vreg.gather [hbm4b:s12+s3], $0x80, v6, vm0, $0xb8;
	[tilespmem:$0x1B000] =	vst v63  }
0x2b3: {  	s30 =	simm.s32 $0x1A800  }
0x2b4: {  	[tilespmem:s30], [sflag:$0x3] =	stream.indirect_vreg.gather [hbm4b:s13+s3], $0x80, v6, vm0, $0xb8;
	[tilespmem:$0x1B000] =	vst v63  }
0x2b5: {  	_ =	swait.ge [sflag:s14], $0x8000  }
0x2b6: {  	[sflag:s14] =	ssyncset.done $0x0  }
0x2b7: {  	s19 =	rddreg [dreg:$0x15];
	[sflag:s14] =	ssyncadd.s32 $0xFFFF8000  }
0x2b8: {  	[hbm4b:s19+s3] =	stream.linear.scatter [tilespmem:s5], [sflag:$0x5], $0x8000, $0x38;
	[tilespmem:$0x1B000] =	vst v63  }
0x2b9: {  	_ =	swait.ge [sflag:s15], $0x8000  }
0x2ba: {  	[sflag:s15] =	ssyncset.done $0x0  }
0x2bb: {  	[sflag:s15] =	ssyncadd.s32 $0xFFFF8000  }
0x2bc: {  	v62 =	vld [tilespmem:s0+$0x20F0];
	_ =	sdelay $0x4  }
0x2bd: {  	v63 =	vadd.s32 v0, v62  }
0x2be: {  	v7 =	vshll.u32 v63, $0x4  }
0x2bf: {  	v6 =	vand.u32 $0x7, v62;
	v7 =	vand.u32 $0xFFFFFF80, v7  }
0x2c0: {  	v6 =	vor.u32 v6, v7  }
0x2c1: {  	v4 =	vperm.xlane v6, v33;
	_ =	sdelay $0x1  }
0x2c2: {  	v4 =	vadd.s32 v3, v4;
	_ =	sdelay $0x4  }
0x2c3: {  	[tilespmem:s20], [sflag:$0x1] =	stream.indirect_vreg.gather [hbm4b:s6+s3], $0x80, v4, vm0, $0xb8;
	[tilespmem:$0x1B000] =	vst v63  }
0x2c4: {  	s22 =	simm.s32 $0x3800  }
0x2c5: {  	[tilespmem:s22], [sflag:$0x1] =	stream.indirect_vreg.gather [hbm4b:s7+s3], $0x80, v4, vm0, $0xb8;
	[tilespmem:$0x1B000] =	vst v63  }
0x2c6: {  	s23 =	simm.s32 $0x4000  }
0x2c7: {  	[tilespmem:s23], [sflag:$0x1] =	stream.indirect_vreg.gather [hbm4b:s8+s3], $0x80, v4, vm0, $0xb8;
	[tilespmem:$0x1B000] =	vst v63  }
0x2c8: {  	s25 =	simm.s32 $0x4800  }
0x2c9: {  	[tilespmem:s25], [sflag:$0x1] =	stream.indirect_vreg.gather [hbm4b:s9+s3], $0x80, v4, vm0, $0xb8;
	[tilespmem:$0x1B000] =	vst v63  }
0x2ca: {  	s26 =	simm.s32 $0x5000  }
0x2cb: {  	[tilespmem:s26], [sflag:$0x1] =	stream.indirect_vreg.gather [hbm4b:s10+s3], $0x80, v4, vm0, $0xb8;
	[tilespmem:$0x1B000] =	vst v63  }
0x2cc: {  	s28 =	simm.s32 $0x5800;
	v5 =	vperm.xlane v6, v34  }
0x2cd: {  	[tilespmem:s28], [sflag:$0x1] =	stream.indirect_vreg.gather [hbm4b:s11+s3], $0x80, v4, vm0, $0xb8;
	[tilespmem:$0x1B000] =	vst v63  }
0x2ce: {  	s29 =	simm.s32 $0x6000;
	v3 =	vadd.s32 v3, v5  }
0x2cf: {  	[tilespmem:s29], [sflag:$0x1] =	stream.indirect_vreg.gather [hbm4b:s12+s3], $0x80, v4, vm0, $0xb8;
	[tilespmem:$0x1B000] =	vst v63  }
0x2d0: {  	s30 =	simm.s32 $0x6800  }
0x2d1: {  	[tilespmem:s30], [sflag:$0x1] =	stream.indirect_vreg.gather [hbm4b:s13+s3], $0x80, v4, vm0, $0xb8;
	[tilespmem:$0x1B000] =	vst v63  }
0x2d2: {  	s14 =	simm.s32 $0x7000  }
0x2d3: {  	[tilespmem:s14], [sflag:$0x1] =	stream.indirect_vreg.gather [hbm4b:s6+s3], $0x80, v3, vm0, $0xb8;
	[tilespmem:$0x1B000] =	vst v63  }
0x2d4: {  	s19 =	simm.s32 $0x7800  }
0x2d5: {  	[tilespmem:s19], [sflag:$0x1] =	stream.indirect_vreg.gather [hbm4b:s7+s3], $0x80, v3, vm0, $0xb8;
	[tilespmem:$0x1B000] =	vst v63  }
0x2d6: {  	s21 =	simm.s32 $0x8000  }
0x2d7: {  	[tilespmem:s21], [sflag:$0x1] =	stream.indirect_vreg.gather [hbm4b:s8+s3], $0x80, v3, vm0, $0xb8;
	[tilespmem:$0x1B000] =	vst v63  }
0x2d8: {  	s22 =	simm.s32 $0x8800  }
0x2d9: {  	[tilespmem:s22], [sflag:$0x1] =	stream.indirect_vreg.gather [hbm4b:s9+s3], $0x80, v3, vm0, $0xb8;
	[tilespmem:$0x1B000] =	vst v63  }
0x2da: {  	s23 =	simm.s32 $0x9000  }
0x2db: {  	[tilespmem:s23], [sflag:$0x1] =	stream.indirect_vreg.gather [hbm4b:s10+s3], $0x80, v3, vm0, $0xb8;
	[tilespmem:$0x1B000] =	vst v63  }
0x2dc: {  	s25 =	simm.s32 $0x9800  }
0x2dd: {  	[tilespmem:s25], [sflag:$0x1] =	stream.indirect_vreg.gather [hbm4b:s11+s3], $0x80, v3, vm0, $0xb8;
	[tilespmem:$0x1B000] =	vst v63  }
0x2de: {  	s26 =	simm.s32 $0xA000  }
0x2df: {  	[tilespmem:s26], [sflag:$0x1] =	stream.indirect_vreg.gather [hbm4b:s12+s3], $0x80, v3, vm0, $0xb8;
	[tilespmem:$0x1B000] =	vst v63  }
0x2e0: {  	s24 =	simm.s32 $0xA800  }
0x2e1: {  	[tilespmem:s24], [sflag:$0x1] =	stream.indirect_vreg.gather [hbm4b:s13+s3], $0x80, v3, vm0, $0xb8;
	[tilespmem:$0x1B000] =	vst v63  }
0x2e2: {  	_ =	swait.ge [sflag:s16], $0x8000  }
0x2e3: {  	[sflag:s16] =	ssyncset.done $0x0  }
0x2e4: {  	s28 =	rddreg [dreg:$0x16];
	[sflag:s16] =	ssyncadd.s32 $0xFFFF8000  }
0x2e5: {  	[hbm4b:s28+s3] =	stream.linear.scatter [tilespmem:s31], [sflag:$0x6], $0x8000, $0x38;
	[tilespmem:$0x1B000] =	vst v63  }
0x2e6: {  	_ =	swait.ge [sflag:s1], $0x8000  }
0x2e7: {  	[sflag:s1] =	ssyncset.done $0x0  }
0x2e8: {  	s29 =	rddreg [dreg:$0x17];
	[sflag:s1] =	ssyncadd.s32 $0xFFFF8000  }
0x2e9: {  	[hbm4b:s29+s3] =	stream.linear.scatter [tilespmem:s20], [sflag:$0x4], $0x8000, $0x38;
	[tilespmem:$0x1B000] =	vst v63  }
0x2ea: {  	_ =	swait.ge [sflag:s15], $0x8000  }
0x2eb: {  	[sflag:s15] =	ssyncset.done $0x0  }
0x2ec: {  	[sflag:s15] =	ssyncadd.s32 $0xFFFF8000  }
0x2ed: {  	_ =	swait.ge [sflag:s17], $0x8000  }
0x2ee: {  	[sflag:s17] =	ssyncset.done $0x0  }
0x2ef: {  	[sflag:s17] =	ssyncadd.s32 $0xFFFF8000  }
0x2f0: {  	_ =	swait.ge [sflag:s18], $0x8000  }
0x2f1: {  	s4 =	sadd.s32 $0x1, s4;
	s30 =	rddreg [dreg:$0x11]  }
0x2f2: {  	p1 =	sne.s32 s4, s30  }
.Ltmp1:
0x2f3: {  	_ = 	snop;
	(pc) =	sbr.rel @!p1 .LBB2_20-.Ltmp1, $3  }
0x2f4: {  	_ =	sdelay $0x1  }
0x2f5: {  	[sflag:s18] =	ssyncset.done $0x0  }
0x2f6: {  	s0 =	simm.s32 $0x80000000;
	[sflag:s18] =	ssyncadd.s32 $0xFFFF8000  }
.LBB2_1:
0x2f7: {  	s21 =	rddreg [dreg:$0x5]  }
0x2f8: {  	s22 =	simm.s32 $0x80;
	s23 =	simm.s32 $0x200;
	s30 =	simm.s32 $0x7  }
0x2f9: {  	[tilespmem:s3], [sflag:$0x7] =	stream.strided.gather [hbm4b:s21+s22], $0x1000, s23, s22, $0x38;
	[tilespmem:$0x1B000] =	vst v63  }
0x2fa: {  	_ =	swait.ge [sflag:s30], $0x1000  }
0x2fb: {  	[sflag:s30] =	ssyncset.done $0x0  }
0x2fc: {  	s21 =	simm.s32 $0x0;
	[sflag:s30] =	ssyncadd.s32 $0xFFFFF000  }
0x2fd: {  	v3 =	vld [tilespmem:s21+$0xF0]  }
0x2fe: {  	v4 =	vld [tilespmem:s21+$0x0]  }
0x2ff: {  	v5 =	vld [tilespmem:s21+$0x10]  }
0x300: {  	v7 =	vld [tilespmem:s21+$0x30]  }
0x301: {  	v22 =	vld [tilespmem:s21+$0xE0]  }
0x302: {  	v6 =	vld [tilespmem:s21+$0x20];
	_ =	sdelay $0x2  }
0x303: {  	v8 =	vld [tilespmem:s21+$0x40];
	v9 =	vshra.s32 v3, $0x1F;
	v11 =	vshra.s32 v4, $0x1F;
	v13 =	vshra.s32 v5, $0x1F  }
0x304: {  	v10 =	vld [tilespmem:s21+$0x50];
	v16 =	vshra.s32 v7, $0x1F;
	v23 =	vshra.s32 v22, $0x1F;
	v9 =	vand.u32 $0x7FFFFFFF, v9  }
0x305: {  	v3 =	vxor.u32 v3, v9;
	v9 =	vand.u32 $0x7FFFFFFF, v13;
	v13 =	vshra.s32 v6, $0x1F  }
0x306: {  	v12 =	vld [tilespmem:s21+$0x60];
	v11 =	vand.u32 $0x7FFFFFFF, v11;
	vm1 =	veq.s32 v3, $0xFFFFFFFF;
	v13 =	vand.u32 $0x7FFFFFFF, v13  }
0x307: {  	v15 =	vld [tilespmem:s21+$0x80];
	v17 =	vsel vm1, $0x0, v3;
	v3 =	vxor.u32 v4, v11;
	v11 =	vand.u32 $0x7FFFFFFF, v16  }
0x308: {  	v14 =	vld [tilespmem:s21+$0x70];
	v16 =	vshra.s32 v8, $0x1F;
	v4 =	vxor.u32 v5, v9;
	v5 =	vxor.u32 v6, v13  }
0x309: {  	v18 =	vld [tilespmem:s21+$0x90];
	v9 =	vand.u32 $0x7FFFFFFF, v16;
	v16 =	vshra.s32 v10, $0x1F;
	v6 =	vxor.u32 v7, v11  }
0x30a: {  	vm13 =	veq.s32 v3, $0xFFFFFFFF;
	vm12 =	veq.s32 v4, $0xFFFFFFFF;
	vm11 =	veq.s32 v5, $0xFFFFFFFF  }
0x30b: {  	v19 =	vld [tilespmem:s21+$0xB0];
	v13 =	vand.u32 $0x7FFFFFFF, v16;
	v16 =	vshra.s32 v12, $0x1F;
	v7 =	vxor.u32 v8, v9  }
0x30c: {  	[tilespmem:s21+$0x10F0] =	vst v17;
	v17 =	vld [tilespmem:s21+$0xA0];
	v9 =	vshra.s32 v15, $0x1F;
	vm10 =	veq.s32 v6, $0xFFFFFFFF;
	v11 =	vand.u32 $0x7FFFFFFF, v16  }
0x30d: {  	v20 =	vld [tilespmem:s21+$0xC0];
	v16 =	vshra.s32 v14, $0x1F;
	v8 =	vxor.u32 v10, v13;
	v13 =	vand.u32 $0x7FFFFFFF, v9  }
0x30e: {  	v21 =	vld [tilespmem:s21+$0xD0];
	v10 =	vshra.s32 v18, $0x1F;
	vm9 =	veq.s32 v7, $0xFFFFFFFF;
	v16 =	vand.u32 $0x7FFFFFFF, v16  }
0x30f: {  	v9 =	vxor.u32 v12, v11;
	v12 =	vand.u32 $0x7FFFFFFF, v10;
	vm8 =	veq.s32 v8, $0xFFFFFFFF  }
0x310: {  	v10 =	vxor.u32 v14, v16;
	v16 =	vshra.s32 v19, $0x1F;
	v12 =	vxor.u32 v18, v12  }
0x311: {  	vm7 =	veq.s32 v9, $0xFFFFFFFF;
	v11 =	vshra.s32 v17, $0x1F;
	vm6 =	veq.s32 v10, $0xFFFFFFFF  }
0x312: {  	vm1 =	veq.s32 v12, $0xFFFFFFFF;
	v14 =	vand.u32 $0x7FFFFFFF, v11;
	v11 =	vxor.u32 v15, v13  }
0x313: {  	v15 =	vand.u32 $0x7FFFFFFF, v16;
	v13 =	vshra.s32 v20, $0x1F;
	v16 =	vshra.s32 v21, $0x1F  }
0x314: {  	v18 =	vand.u32 $0x7FFFFFFF, v13;
	v13 =	vxor.u32 v17, v14;
	v14 =	vand.u32 $0x7FFFFFFF, v16  }
0x315: {  	v16 =	vxor.u32 v19, v15;
	v15 =	vand.u32 $0x7FFFFFFF, v23;
	vm4 =	veq.s32 v11, $0xFFFFFFFF  }
0x316: {  	v17 =	vxor.u32 v20, v18;
	v14 =	vxor.u32 v21, v14;
	v15 =	vxor.u32 v22, v15  }
0x317: {  	s22 =	simm.s32 $0x100;
	s23 =	simm.s32 $0x800;
	vm5 =	veq.s32 v13, $0xFFFFFFFF;
	vm2 =	veq.s32 v16, $0xFFFFFFFF;
	vm3 =	veq.s32 v17, $0xFFFFFFFF  }
.LBB2_2:
0x318: {  	p1 =	sne.s32 s23, $0x3C00;
	v18 =	vld [tilespmem:s22+$0xF0];
	v3 =	vsel vm13, $0x0, v3;
	vm13 =	veq.s32 v14, $0xFFFFFFFF;
	vm14 =	veq.s32 v15, $0xFFFFFFFF  }
0x319: {  	v19 =	vld [tilespmem:s22+$0x0];
	[tilespmem:s21+$0x1000] =	vst v3;
	v3 =	vsel vm12, $0x0, v4;
	v4 =	vsel vm11, $0x0, v5;
	v5 =	vsel vm10, $0x0, v6  }
0x31a: {  	v6 =	vld [tilespmem:s22+$0x10];
	[tilespmem:s21+$0x1010] =	vst v3;
	v3 =	vsel vm9, $0x0, v7;
	v7 =	vsel vm8, $0x0, v8;
	v8 =	vsel vm7, $0x0, v9  }
0x31b: {  	v9 =	vld [tilespmem:s22+$0x20];
	[tilespmem:s21+$0x1020] =	vst v4;
	v4 =	vsel vm6, $0x0, v10;
	v10 =	vsel vm4, $0x0, v11;
	v11 =	vsel vm1, $0x0, v12  }
0x31c: {  	v13 =	vsel vm5, $0x0, v13;
	v16 =	vsel vm2, $0x0, v16;
	v17 =	vsel vm3, $0x0, v17;
	v12 =	vld [tilespmem:s22+$0x30];
	[tilespmem:s21+$0x1030] =	vst v5  }
0x31d: {  	v14 =	vsel vm13, $0x0, v14;
	v15 =	vsel vm14, $0x0, v15;
	v20 =	vld [tilespmem:s22+$0x40];
	v5 =	vshra.s32 v18, $0x1F;
	[tilespmem:s21+$0x1040] =	vst v3  }
0x31e: {  	v3 =	vshra.s32 v19, $0x1F;
	v21 =	vld [tilespmem:s22+$0x50];
	v5 =	vand.u32 $0x7FFFFFFF, v5;
	[tilespmem:s21+$0x1050] =	vst v7  }
0x31f: {  	v3 =	vand.u32 $0x7FFFFFFF, v3;
	v7 =	vshra.s32 v6, $0x1F;
	v22 =	vld [tilespmem:s22+$0x60];
	v5 =	vxor.u32 v18, v5;
	[tilespmem:s21+$0x1060] =	vst v8  }
0x320: {  	v7 =	vand.u32 $0x7FFFFFFF, v7;
	v8 =	vshra.s32 v9, $0x1F;
	v18 =	vld [tilespmem:s22+$0x70];
	vm1 =	veq.s32 v5, $0xFFFFFFFF;
	[tilespmem:s21+$0x1070] =	vst v4  }
0x321: {  	v8 =	vand.u32 $0x7FFFFFFF, v8;
	v4 =	vshra.s32 v12, $0x1F;
	v23 =	vld [tilespmem:s22+$0x80];
	v5 =	vsel vm1, $0x0, v5;
	[tilespmem:s21+$0x1080] =	vst v10  }
0x322: {  	v3 =	vxor.u32 v19, v3;
	v10 =	vand.u32 $0x7FFFFFFF, v4;
	v19 =	vshra.s32 v20, $0x1F;
	v24 =	vld [tilespmem:s22+$0x90];
	[tilespmem:s22+$0x10F0] =	vst v5  }
0x323: {  	v4 =	vxor.u32 v6, v7;
	v7 =	vand.u32 $0x7FFFFFFF, v19;
	v6 =	vshra.s32 v21, $0x1F;
	v19 =	vld [tilespmem:s22+$0xA0];
	[tilespmem:s21+$0x1090] =	vst v11  }
0x324: {  	v5 =	vxor.u32 v9, v8;
	v8 =	vand.u32 $0x7FFFFFFF, v6;
	v9 =	vshra.s32 v22, $0x1F;
	v25 =	vld [tilespmem:s22+$0xB0];
	[tilespmem:s21+$0x10A0] =	vst v13  }
0x325: {  	v6 =	vxor.u32 v12, v10;
	v9 =	vand.u32 $0x7FFFFFFF, v9;
	v10 =	vshra.s32 v18, $0x1F;
	v26 =	vld [tilespmem:s22+$0xC0];
	[tilespmem:s21+$0x10B0] =	vst v16  }
0x326: {  	v7 =	vxor.u32 v20, v7;
	v10 =	vand.u32 $0x7FFFFFFF, v10;
	v11 =	vshra.s32 v23, $0x1F;
	v20 =	vld [tilespmem:s22+$0xD0];
	[tilespmem:s21+$0x10C0] =	vst v17  }
0x327: {  	v8 =	vxor.u32 v21, v8;
	v11 =	vand.u32 $0x7FFFFFFF, v11;
	v12 =	vshra.s32 v24, $0x1F;
	v21 =	vld [tilespmem:s22+$0xE0];
	[tilespmem:s21+$0x10D0] =	vst v14  }
0x328: {  	v9 =	vxor.u32 v22, v9;
	v12 =	vand.u32 $0x7FFFFFFF, v12;
	v13 =	vshra.s32 v19, $0x1F;
	[tilespmem:s21+$0x10E0] =	vst v15;
	s21 =	smov.u32 s22  }
0x329: {  	v10 =	vxor.u32 v18, v10;
	v13 =	vand.u32 $0x7FFFFFFF, v13;
	v14 =	vshra.s32 v25, $0x1F  }
0x32a: {  	v11 =	vxor.u32 v23, v11;
	v14 =	vand.u32 $0x7FFFFFFF, v14;
	v15 =	vshra.s32 v26, $0x1F  }
0x32b: {  	v12 =	vxor.u32 v24, v12;
	v15 =	vand.u32 $0x7FFFFFFF, v15;
	v16 =	vshra.s32 v20, $0x1F  }
0x32c: {  	v13 =	vxor.u32 v19, v13;
	v18 =	vand.u32 $0x7FFFFFFF, v16;
	v19 =	vshra.s32 v21, $0x1F  }
0x32d: {  	v16 =	vxor.u32 v25, v14;
	v17 =	vxor.u32 v26, v15;
	v15 =	vand.u32 $0x7FFFFFFF, v19  }
.Ltmp2:
0x32e: {  	vm13 =	veq.s32 v3, $0xFFFFFFFF;
	v14 =	vxor.u32 v20, v18;
	v15 =	vxor.u32 v21, v15;
	(pc) =	sbr.rel @p1 .LBB2_2-.Ltmp2, $4  }
0x32f: {  	vm12 =	veq.s32 v4, $0xFFFFFFFF;
	vm11 =	veq.s32 v5, $0xFFFFFFFF;
	vm10 =	veq.s32 v6, $0xFFFFFFFF  }
0x330: {  	vm9 =	veq.s32 v7, $0xFFFFFFFF;
	vm8 =	veq.s32 v8, $0xFFFFFFFF;
	vm7 =	veq.s32 v9, $0xFFFFFFFF  }
0x331: {  	vm6 =	veq.s32 v10, $0xFFFFFFFF;
	vm4 =	veq.s32 v11, $0xFFFFFFFF;
	vm1 =	veq.s32 v12, $0xFFFFFFFF  }
0x332: {  	s22 =	sshra.s32 s23, $0x2;
	s23 =	sadd.s32 $0x400, s23;
	vm5 =	veq.s32 v13, $0xFFFFFFFF;
	vm2 =	veq.s32 v16, $0xFFFFFFFF;
	vm3 =	veq.s32 v17, $0xFFFFFFFF  }
0x333: {  	v18 =	vld [tilespmem:s22+$0xF0];
	v3 =	vsel vm13, $0x0, v3  }
0x334: {  	v19 =	vld [tilespmem:s22+$0x0];
	[tilespmem:s21+$0x1000] =	vst v3;
	v3 =	vsel vm12, $0x0, v4  }
0x335: {  	vm14 =	veq.s32 v14, $0xFFFFFFFF;
	v62 =	vld [tilespmem:s22+$0x10];
	[tilespmem:s21+$0x1010] =	vst v3;
	v3 =	vsel vm11, $0x0, v5  }
0x336: {  	vm15 =	veq.s32 v15, $0xFFFFFFFF;
	v11 =	vsel vm4, $0x0, v11;
	v63 =	vld [tilespmem:s22+$0x20];
	[tilespmem:s21+$0x1020] =	vst v3;
	v3 =	vsel vm10, $0x0, v6  }
0x337: {  	v29 =	vsel vm5, $0x0, v13;
	v16 =	vsel vm2, $0x0, v16;
	v24 =	vld [tilespmem:s22+$0x30];
	[tilespmem:s21+$0x1030] =	vst v3;
	v3 =	vsel vm9, $0x0, v7  }
0x338: {  	v17 =	vsel vm3, $0x0, v17;
	v31 =	vsel vm14, $0x0, v14;
	v25 =	vld [tilespmem:s22+$0x40];
	[tilespmem:s21+$0x1040] =	vst v3;
	v3 =	vsel vm8, $0x0, v8  }
0x339: {  	v32 =	vsel vm15, $0x0, v15;
	v34 =	vshra.s32 v19, $0x1F;
	v26 =	vld [tilespmem:s22+$0x50];
	[tilespmem:s21+$0x1050] =	vst v3;
	v3 =	vsel vm7, $0x0, v9  }
0x33a: {  	v28 =	vshra.s32 v18, $0x1F;
	v35 =	vand.u32 $0x7FFFFFFF, v34;
	v27 =	vld [tilespmem:s22+$0x60];
	[tilespmem:s21+$0x1060] =	vst v3;
	v3 =	vsel vm6, $0x0, v10  }
0x33b: {  	v10 =	vand.u32 $0x7FFFFFFF, v28;
	v21 =	vshra.s32 v62, $0x1F;
	v20 =	vld [tilespmem:s22+$0x70];
	[tilespmem:s21+$0x1070] =	vst v3;
	v3 =	vsel vm1, $0x0, v12  }
0x33c: {  	v10 =	vxor.u32 v18, v10;
	v22 =	vshra.s32 v63, $0x1F;
	v36 =	vand.u32 $0x7FFFFFFF, v21  }
0x33d: {  	vm1 =	veq.s32 v10, $0xFFFFFFFF;
	v37 =	vand.u32 $0x7FFFFFFF, v22;
	v23 =	vshra.s32 v24, $0x1F  }
0x33e: {  	v30 =	vld [tilespmem:s22+$0x80];
	[tilespmem:s21+$0x1080] =	vst v11;
	v4 =	vxor.u32 v62, v36;
	v10 =	vsel vm1, $0x0, v10;
	v39 =	vshra.s32 v25, $0x1F  }
0x33f: {  	v5 =	vxor.u32 v63, v37;
	vm2 =	veq.s32 v4, $0xFFFFFFFF;
	[tilespmem:s22+$0x10F0] =	vst v10;
	v10 =	vxor.u32 v19, v35  }
0x340: {  	v33 =	vld [tilespmem:s22+$0x90];
	v40 =	vand.u32 $0x7FFFFFFF, v39;
	v42 =	vshra.s32 v26, $0x1F;
	v4 =	vsel vm2, $0x0, v4  }
0x341: {  	v38 =	vld [tilespmem:s22+$0xA0];
	[tilespmem:s21+$0x1090] =	vst v3;
	v3 =	vand.u32 $0x7FFFFFFF, v23;
	v43 =	vshra.s32 v27, $0x1F;
	v44 =	vand.u32 $0x7FFFFFFF, v42  }
0x342: {  	v7 =	vxor.u32 v25, v40;
	vm1 =	veq.s32 v10, $0xFFFFFFFF;
	v3 =	vxor.u32 v24, v3  }
0x343: {  	v41 =	vld [tilespmem:s22+$0xB0];
	[tilespmem:s21+$0x10A0] =	vst v29;
	v45 =	vand.u32 $0x7FFFFFFF, v43;
	v47 =	vshra.s32 v20, $0x1F;
	v8 =	vxor.u32 v26, v44  }
0x344: {  	v10 =	vsel vm1, $0x0, v10;
	vm1 =	veq.s32 v5, $0xFFFFFFFF;
	v46 =	vld [tilespmem:s22+$0xC0];
	[tilespmem:s21+$0x10B0] =	vst v16;
	v48 =	vshra.s32 v30, $0x1F  }
0x345: {  	v49 =	vand.u32 $0x7FFFFFFF, v47;
	v6 =	vxor.u32 v27, v45;
	vm2 =	veq.s32 v3, $0xFFFFFFFF;
	v50 =	vld [tilespmem:s22+$0xD0];
	[tilespmem:s21+$0x10C0] =	vst v17  }
0x346: {  	v5 =	vsel vm1, $0x0, v5;
	vm1 =	veq.s32 v7, $0xFFFFFFFF;
	v51 =	vand.u32 $0x7FFFFFFF, v48;
	v17 =	vld [tilespmem:s22+$0xE0];
	[tilespmem:s21+$0x10D0] =	vst v31  }
0x347: {  	v52 =	vshra.s32 v33, $0x1F;
	v53 =	vshra.s32 v38, $0x1F;
	v18 =	vxor.u32 v20, v49;
	[tilespmem:s21+$0x10E0] =	vst v32  }
0x348: {  	v3 =	vsel vm2, $0x0, v3;
	vm2 =	veq.s32 v8, $0xFFFFFFFF;
	v7 =	vsel vm1, $0x0, v7;
	[tilespmem:s22+$0x1000] =	vst v10  }
0x349: {  	vm1 =	veq.s32 v6, $0xFFFFFFFF;
	v16 =	vand.u32 $0x7FFFFFFF, v52;
	v9 =	vand.u32 $0x7FFFFFFF, v53;
	[tilespmem:s22+$0x1010] =	vst v4  }
0x34a: {  	v12 =	vxor.u32 v30, v51;
	v8 =	vsel vm2, $0x0, v8;
	vm2 =	veq.s32 v18, $0xFFFFFFFF;
	[tilespmem:s22+$0x1020] =	vst v5  }
0x34b: {  	v6 =	vsel vm1, $0x0, v6;
	v56 =	vxor.u32 v33, v16;
	[tilespmem:s22+$0x1030] =	vst v3;
	v3 =	vxor.u32 v38, v9  }
0x34c: {  	[tilespmem:s22+$0x1040] =	vst v7;
	vm1 =	veq.s32 v12, $0xFFFFFFFF;
	v60 =	vsel vm2, $0x0, v18;
	v54 =	vshra.s32 v41, $0x1F  }
0x34d: {  	[tilespmem:s22+$0x1050] =	vst v8;
	vm2 =	veq.s32 v56, $0xFFFFFFFF;
	v62 =	vsel vm1, $0x0, v12;
	vm1 =	veq.s32 v3, $0xFFFFFFFF  }
0x34e: {  	[tilespmem:s22+$0x1060] =	vst v6;
	v11 =	vand.u32 $0x7FFFFFFF, v54;
	v55 =	vshra.s32 v46, $0x1F;
	v63 =	vsel vm2, $0x0, v56  }
0x34f: {  	[tilespmem:s22+$0x1070] =	vst v60;
	v3 =	vsel vm1, $0x0, v3;
	v57 =	vand.u32 $0x7FFFFFFF, v55;
	v58 =	vshra.s32 v50, $0x1F  }
0x350: {  	[tilespmem:s22+$0x1080] =	vst v62;
	v61 =	vxor.u32 v41, v11;
	v5 =	vand.u32 $0x7FFFFFFF, v58;
	v59 =	vshra.s32 v17, $0x1F  }
0x351: {  	[tilespmem:s22+$0x1090] =	vst v63;
	v4 =	vxor.u32 v46, v57;
	vm2 =	veq.s32 v61, $0xFFFFFFFF;
	v7 =	vand.u32 $0x7FFFFFFF, v59  }
0x352: {  	[tilespmem:s22+$0x10A0] =	vst v3;
	v5 =	vxor.u32 v50, v5;
	vm1 =	veq.s32 v4, $0xFFFFFFFF;
	v6 =	vsel vm2, $0x0, v61  }
0x353: {  	v3 =	vxor.u32 v17, v7;
	vm2 =	veq.s32 v5, $0xFFFFFFFF;
	v4 =	vsel vm1, $0x0, v4;
	[tilespmem:s22+$0x10B0] =	vst v6  }
0x354: {  	vm1 =	veq.s32 v3, $0xFFFFFFFF;
	v5 =	vsel vm2, $0x0, v5;
	[tilespmem:s22+$0x10C0] =	vst v4  }
0x355: {  	v3 =	vsel vm1, $0x0, v3;
	[tilespmem:s22+$0x10D0] =	vst v5  }
0x356: {  	s21 =	simm.s32 $0x0;
	[tilespmem:s22+$0x10E0] =	vst v3;
	s22 =	simm.s32 $0x0  }
.LBB2_4:
0x357: {  	p2 =	por $0x1, $0x1  }
.Ltmp3:
0x358: {  	_ = 	snop;
	(pc) =	sbr.rel @!p2 .LBB2_5-.Ltmp3, $4  }
0x359: {  	s23 =	sshrl.u32 s0, s22  }
0x35a: {  	s23 =	sor.u32 s23, s21  }
0x35b: {  	s24 =	sxor.u32 $0x80000000, s23  }
0x35c: {  	v4 =	vimm.s32 $0x0;
	p1 =	por $0x0, $0x0;
	v3 =	vmov s24;
	s24 =	simm.s32 $0x0  }
0x35d: {  	v5 =	vld [tilespmem:s24+$0x1000]  }
0x35e: {  	v6 =	vld [tilespmem:s24+$0x1010]  }
0x35f: {  	v7 =	vld [tilespmem:s24+$0x1020]  }
0x360: {  	v8 =	vld [tilespmem:s24+$0x1030]  }
0x361: {  	v9 =	vld [tilespmem:s24+$0x1040]  }
0x362: {  	vm1 =	vge.s32 v5, v3;
	v5 =	vld [tilespmem:s24+$0x1050]  }
0x363: {  	v10 =	vsel vm1, $0x1, v1;
	vm1 =	vge.s32 v6, v3;
	v6 =	vld [tilespmem:s24+$0x1060]  }
0x364: {  	v10 =	vadd.s32 v10, v4;
	v11 =	vsel vm1, $0x1, v1;
	vm1 =	vge.s32 v7, v3;
	v7 =	vld [tilespmem:s24+$0x1070]  }
0x365: {  	v10 =	vadd.s32 v11, v10;
	v11 =	vsel vm1, $0x1, v1;
	vm1 =	vge.s32 v8, v3;
	v8 =	vld [tilespmem:s24+$0x1080]  }
0x366: {  	v10 =	vadd.s32 v11, v10;
	v11 =	vsel vm1, $0x1, v1;
	vm1 =	vge.s32 v9, v3;
	v9 =	vld [tilespmem:s24+$0x1090]  }
0x367: {  	v12 =	vld [tilespmem:s24+$0x10A0];
	p2 =	por $0x1, $0x1;
	v10 =	vadd.s32 v11, v10;
	v11 =	vsel vm1, $0x1, v1;
	vm1 =	vge.s32 v5, v3  }
.Ltmp4:
0x368: {  	v5 =	vld [tilespmem:s24+$0x10B0];
	v10 =	vadd.s32 v11, v10;
	v11 =	vsel vm1, $0x1, v1;
	vm1 =	vge.s32 v6, v3;
	(pc) =	sbr.rel @!p2 .LBB2_7-.Ltmp4, $4  }
0x369: {  	v6 =	vld [tilespmem:s24+$0x10C0];
	v10 =	vadd.s32 v11, v10;
	v11 =	vsel vm1, $0x1, v1;
	vm1 =	vge.s32 v7, v3  }
0x36a: {  	v7 =	vld [tilespmem:s24+$0x10D0];
	v10 =	vadd.s32 v11, v10;
	v11 =	vsel vm1, $0x1, v1;
	vm1 =	vge.s32 v8, v3  }
0x36b: {  	v8 =	vld [tilespmem:s24+$0x10E0];
	v10 =	vadd.s32 v11, v10;
	v11 =	vsel vm1, $0x1, v1;
	vm1 =	vge.s32 v9, v3  }
0x36c: {  	s25 =	simm.s32 $0x100;
	s26 =	simm.s32 $0x800;
	p1 =	por $0x1, $0x1;
	v9 =	vld [tilespmem:s24+$0x10F0];
	v10 =	vadd.s32 v11, v10;
	v11 =	vsel vm1, $0x1, v1;
	vm1 =	vge.s32 v12, v3  }
.LBB2_8:
0x36d: {  	p2 =	sne.s32 s26, $0x3C00;
	v12 =	vld [tilespmem:s25+$0x1000];
	v10 =	vadd.s32 v11, v10;
	v11 =	vsel vm1, $0x1, v1;
	vm1 =	vge.s32 v5, v3  }
0x36e: {  	v5 =	vld [tilespmem:s25+$0x1010];
	v10 =	vadd.s32 v11, v10;
	v11 =	vsel vm1, $0x1, v1;
	vm1 =	vge.s32 v6, v3  }
0x36f: {  	v6 =	vld [tilespmem:s25+$0x1020];
	v10 =	vadd.s32 v11, v10;
	v11 =	vsel vm1, $0x1, v1;
	vm1 =	vge.s32 v7, v3  }
0x370: {  	v7 =	vld [tilespmem:s25+$0x1030];
	v10 =	vadd.s32 v11, v10;
	v11 =	vsel vm1, $0x1, v1;
	vm1 =	vge.s32 v8, v3  }
0x371: {  	v8 =	vld [tilespmem:s25+$0x1040];
	v10 =	vadd.s32 v11, v10;
	v11 =	vsel vm1, $0x1, v1;
	vm1 =	vge.s32 v9, v3  }
0x372: {  	vm2 =	vge.s32 v12, v3;
	v9 =	vld [tilespmem:s25+$0x1050];
	v10 =	vadd.s32 v11, v10;
	v11 =	vsel vm1, $0x1, v1  }
0x373: {  	v12 =	vsel vm2, $0x1, v1;
	vm1 =	vge.s32 v5, v3;
	v5 =	vld [tilespmem:s25+$0x1060];
	v10 =	vadd.s32 v11, v10  }
0x374: {  	v10 =	vadd.s32 v12, v10;
	v11 =	vsel vm1, $0x1, v1;
	vm1 =	vge.s32 v6, v3;
	v6 =	vld [tilespmem:s25+$0x1070]  }
0x375: {  	v10 =	vadd.s32 v11, v10;
	v11 =	vsel vm1, $0x1, v1;
	vm1 =	vge.s32 v7, v3;
	v7 =	vld [tilespmem:s25+$0x1080]  }
0x376: {  	v10 =	vadd.s32 v11, v10;
	v11 =	vsel vm1, $0x1, v1;
	vm1 =	vge.s32 v8, v3;
	v8 =	vld [tilespmem:s25+$0x1090]  }
0x377: {  	v10 =	vadd.s32 v11, v10;
	v11 =	vsel vm1, $0x1, v1;
	vm1 =	vge.s32 v9, v3;
	v9 =	vld [tilespmem:s25+$0x10A0]  }
.Ltmp5:
0x378: {  	v10 =	vadd.s32 v11, v10;
	v11 =	vsel vm1, $0x1, v1;
	vm1 =	vge.s32 v5, v3;
	v5 =	vld [tilespmem:s25+$0x10B0];
	(pc) =	sbr.rel @p2 .LBB2_8-.Ltmp5, $4  }
0x379: {  	v10 =	vadd.s32 v11, v10;
	v11 =	vsel vm1, $0x1, v1;
	vm1 =	vge.s32 v6, v3;
	v6 =	vld [tilespmem:s25+$0x10C0]  }
0x37a: {  	v10 =	vadd.s32 v11, v10;
	v11 =	vsel vm1, $0x1, v1;
	vm1 =	vge.s32 v7, v3;
	v7 =	vld [tilespmem:s25+$0x10D0]  }
0x37b: {  	v10 =	vadd.s32 v11, v10;
	v11 =	vsel vm1, $0x1, v1;
	vm1 =	vge.s32 v8, v3;
	v8 =	vld [tilespmem:s25+$0x10E0]  }
0x37c: {  	v10 =	vadd.s32 v11, v10;
	v11 =	vsel vm1, $0x1, v1;
	vm1 =	vge.s32 v9, v3;
	v9 =	vld [tilespmem:s25+$0x10F0];
	s25 =	sshra.s32 s26, $0x2;
	s26 =	sadd.s32 $0x400, s26  }
0x37d: {  	s24 =	smov.u32 s25  }
.LBB2_10:
0x37e: {  	v10 =	vadd.s32 @p1 v11, v10;
	v11 =	vsel @p1 vm1, $0x1, v1;
	vm1 =	vge.s32 @p1 v5, v3  }
0x37f: {  	v33 =	vld [tilespmem:s24+$0x1000];
	v10 =	vadd.s32 @p1 v11, v10;
	v11 =	vsel @p1 vm1, $0x1, v1;
	vm1 =	vge.s32 @p1 v6, v3  }
0x380: {  	v34 =	vld [tilespmem:s24+$0x1010];
	v10 =	vadd.s32 @p1 v11, v10;
	v11 =	vsel @p1 vm1, $0x1, v1;
	vm1 =	vge.s32 @p1 v7, v3  }
0x381: {  	v35 =	vld [tilespmem:s24+$0x1020];
	v10 =	vadd.s32 @p1 v11, v10;
	v11 =	vsel @p1 vm1, $0x1, v1;
	vm1 =	vge.s32 @p1 v8, v3  }
0x382: {  	v36 =	vld [tilespmem:s24+$0x1030];
	v10 =	vadd.s32 @p1 v11, v10;
	v11 =	vsel @p1 vm1, $0x1, v1;
	vm1 =	vge.s32 @p1 v9, v3  }
0x383: {  	v37 =	vld [tilespmem:s24+$0x1040];
	v10 =	vadd.s32 @p1 v11, v10;
	v11 =	vsel @p1 vm1, $0x1, v1  }
0x384: {  	v38 =	vld [tilespmem:s24+$0x1050];
	vm1 =	vge.s32 v33, v3;
	v10 =	vadd.s32 @p1 v11, v10  }
0x385: {  	v40 =	vld [tilespmem:s24+$0x1060];
	v39 =	vsel vm1, $0x1, v1;
	vm1 =	vge.s32 v34, v3;
	v4 =	vpsel p1, v10, v4  }
0x386: {  	v42 =	vld [tilespmem:s24+$0x1070];
	v41 =	vsel vm1, $0x1, v1;
	vm1 =	vge.s32 v35, v3;
	v4 =	vadd.s32 v39, v4  }
0x387: {  	v44 =	vld [tilespmem:s24+$0x1080];
	v43 =	vsel vm1, $0x1, v1;
	vm1 =	vge.s32 v36, v3;
	v4 =	vadd.s32 v41, v4  }
0x388: {  	v46 =	vld [tilespmem:s24+$0x1090];
	v45 =	vsel vm1, $0x1, v1;
	vm1 =	vge.s32 v37, v3;
	v4 =	vadd.s32 v43, v4  }
0x389: {  	v48 =	vld [tilespmem:s24+$0x10A0];
	v47 =	vsel vm1, $0x1, v1;
	vm1 =	vge.s32 v38, v3;
	v4 =	vadd.s32 v45, v4  }
0x38a: {  	v50 =	vld [tilespmem:s24+$0x10B0];
	v49 =	vsel vm1, $0x1, v1;
	vm1 =	vge.s32 v40, v3;
	v4 =	vadd.s32 v47, v4  }
0x38b: {  	v52 =	vld [tilespmem:s24+$0x10C0];
	v51 =	vsel vm1, $0x1, v1;
	vm1 =	vge.s32 v42, v3;
	v4 =	vadd.s32 v49, v4  }
0x38c: {  	v54 =	vld [tilespmem:s24+$0x10D0];
	v53 =	vsel vm1, $0x1, v1;
	vm1 =	vge.s32 v44, v3;
	v4 =	vadd.s32 v51, v4  }
0x38d: {  	v56 =	vld [tilespmem:s24+$0x10E0];
	v55 =	vsel vm1, $0x1, v1;
	vm1 =	vge.s32 v46, v3;
	v4 =	vadd.s32 v53, v4  }
0x38e: {  	v58 =	vld [tilespmem:s24+$0x10F0];
	v57 =	vsel vm1, $0x1, v1;
	vm1 =	vge.s32 v48, v3;
	v4 =	vadd.s32 v55, v4  }
0x38f: {  	v59 =	vsel vm1, $0x1, v1;
	vm1 =	vge.s32 v50, v3;
	v4 =	vadd.s32 v57, v4  }
0x390: {  	v6 =	vsel vm1, $0x1, v1;
	vm1 =	vge.s32 v52, v3;
	v4 =	vadd.s32 v59, v4  }
0x391: {  	v60 =	vsel vm1, $0x1, v1;
	vm1 =	vge.s32 v54, v3;
	v4 =	vadd.s32 v6, v4  }
0x392: {  	v61 =	vsel vm1, $0x1, v1;
	vm1 =	vge.s32 v56, v3;
	v4 =	vadd.s32 v60, v4  }
0x393: {  	v62 =	vsel vm1, $0x1, v1;
	vm1 =	vge.s32 v58, v3;
	v4 =	vadd.s32 v61, v4  }
0x394: {  	v63 =	vsel vm1, $0x1, v1;
	v3 =	vadd.s32 v62, v4  }
0x395: {  	v3 =	vadd.s32 v63, v3  }
0x396: {  	(xrf0) =	vadd.scan.msk.s32 $0xffff, v3;
	_ =	sdelay $0x5  }
0x397: {  	v3, _, _ =	vpop (xrf0)  }
0x398: {  	(v2sf) =	vpush v3, $0xF;
	_ =	sdelay $0xa  }
0x399: {  	s22 =	sadd.s32 $0x1, s22  }
0x39a: {  	p2 =	sne.s32 s22, $0x20  }
.Ltmp6:
0x39b: {  	_ = 	snop;
	(pc) =	sbr.rel @p2 .LBB2_4-.Ltmp6, $4  }
.Ltmp7:
0x39c: {  	_ = 	snop;
	(pc) =	sbr.rel @!p2 .LBB2_11-.Ltmp7, $4  }
0x39d: {  	s30 =	spop (v2sf)  }
0x39e: {  	p1 =	sgt.s32 s30, $0x7FF  }
0x39f: {  	s21 =	smov.u32 @p1 s23  }
0x3a0: {  	_ = 	snop  }
.LBB2_5:
.Ltmp8:
0x3a1: {  	(pc) =	sbr.rel .LBB2_10-.Ltmp8, $2  }
0x3a2: {  	_ =	sdelay $0x2  }
0x3a3: {  	_ = 	snop  }
.LBB2_7:
.Ltmp9:
0x3a4: {  	(pc) =	sbr.rel .LBB2_10-.Ltmp9, $2  }
0x3a5: {  	_ =	sdelay $0x2  }
0x3a6: {  	s24 =	simm.s32 $0x100  }
.LBB2_11:
0x3a7: {  	s23 =	simm.s32 $0x0  }
0x3a8: {  	v4 =	vld [tilespmem:s23+$0x1000]  }
0x3a9: {  	v5 =	vld [tilespmem:s23+$0x1010]  }
0x3aa: {  	v6 =	vld [tilespmem:s23+$0x1020]  }
0x3ab: {  	s21 =	sxor.u32 $0x80000000, s21;
	v7 =	vld [tilespmem:s23+$0x1030]  }
0x3ac: {  	v3 =	vmov s21;
	v8 =	vld [tilespmem:s23+$0x1040]  }
0x3ad: {  	vm1 =	vgt.s32 v4, v3;
	v4 =	vld [tilespmem:s23+$0x1050]  }
0x3ae: {  	v9 =	vimm.s32 $0x0;
	v10 =	vsel vm1, $0x1, v1;
	vm1 =	vgt.s32 v5, v3;
	v5 =	vld [tilespmem:s23+$0x1060]  }
0x3af: {  	v9 =	vadd.s32 v10, v9;
	v10 =	vsel vm1, $0x1, v1;
	vm1 =	vgt.s32 v6, v3;
	v6 =	vld [tilespmem:s23+$0x1070]  }
0x3b0: {  	v9 =	vadd.s32 v10, v9;
	v10 =	vsel vm1, $0x1, v1;
	vm1 =	vgt.s32 v7, v3;
	v7 =	vld [tilespmem:s23+$0x1080]  }
0x3b1: {  	v9 =	vadd.s32 v10, v9;
	v10 =	vsel vm1, $0x1, v1;
	vm1 =	vgt.s32 v8, v3;
	v8 =	vld [tilespmem:s23+$0x1090]  }
0x3b2: {  	v11 =	vld [tilespmem:s23+$0x10A0];
	v9 =	vadd.s32 v10, v9;
	v10 =	vsel vm1, $0x1, v1;
	vm1 =	vgt.s32 v4, v3  }
0x3b3: {  	v4 =	vld [tilespmem:s23+$0x10B0];
	v9 =	vadd.s32 v10, v9;
	v10 =	vsel vm1, $0x1, v1;
	vm1 =	vgt.s32 v5, v3  }
0x3b4: {  	v5 =	vld [tilespmem:s23+$0x10C0];
	v9 =	vadd.s32 v10, v9;
	v10 =	vsel vm1, $0x1, v1;
	vm1 =	vgt.s32 v6, v3  }
0x3b5: {  	v6 =	vld [tilespmem:s23+$0x10D0];
	v9 =	vadd.s32 v10, v9;
	v10 =	vsel vm1, $0x1, v1;
	vm1 =	vgt.s32 v7, v3  }
0x3b6: {  	v7 =	vld [tilespmem:s23+$0x10E0];
	v9 =	vadd.s32 v10, v9;
	v10 =	vsel vm1, $0x1, v1;
	vm1 =	vgt.s32 v8, v3  }
0x3b7: {  	s22 =	simm.s32 $0x800;
	s21 =	simm.s32 $0x100;
	v8 =	vld [tilespmem:s23+$0x10F0];
	v9 =	vadd.s32 v10, v9;
	v10 =	vsel vm1, $0x1, v1;
	vm1 =	vgt.s32 v11, v3  }
.LBB2_12:
0x3b8: {  	p1 =	sne.s32 s22, $0x3C00;
	v11 =	vld [tilespmem:s21+$0x1000];
	v9 =	vadd.s32 v10, v9;
	v10 =	vsel vm1, $0x1, v1;
	vm1 =	vgt.s32 v4, v3  }
0x3b9: {  	v4 =	vld [tilespmem:s21+$0x1010];
	v9 =	vadd.s32 v10, v9;
	v10 =	vsel vm1, $0x1, v1;
	vm1 =	vgt.s32 v5, v3  }
0x3ba: {  	v5 =	vld [tilespmem:s21+$0x1020];
	v9 =	vadd.s32 v10, v9;
	v10 =	vsel vm1, $0x1, v1;
	vm1 =	vgt.s32 v6, v3  }
0x3bb: {  	v6 =	vld [tilespmem:s21+$0x1030];
	v9 =	vadd.s32 v10, v9;
	v10 =	vsel vm1, $0x1, v1;
	vm1 =	vgt.s32 v7, v3  }
0x3bc: {  	v7 =	vld [tilespmem:s21+$0x1040];
	v9 =	vadd.s32 v10, v9;
	v10 =	vsel vm1, $0x1, v1;
	vm1 =	vgt.s32 v8, v3  }
0x3bd: {  	vm2 =	vgt.s32 v11, v3;
	v8 =	vld [tilespmem:s21+$0x1050];
	v9 =	vadd.s32 v10, v9;
	v10 =	vsel vm1, $0x1, v1  }
0x3be: {  	v11 =	vsel vm2, $0x1, v1;
	vm1 =	vgt.s32 v4, v3;
	v4 =	vld [tilespmem:s21+$0x1060];
	v9 =	vadd.s32 v10, v9  }
0x3bf: {  	v9 =	vadd.s32 v11, v9;
	v10 =	vsel vm1, $0x1, v1;
	vm1 =	vgt.s32 v5, v3;
	v5 =	vld [tilespmem:s21+$0x1070]  }
0x3c0: {  	v9 =	vadd.s32 v10, v9;
	v10 =	vsel vm1, $0x1, v1;
	vm1 =	vgt.s32 v6, v3;
	v6 =	vld [tilespmem:s21+$0x1080]  }
0x3c1: {  	v9 =	vadd.s32 v10, v9;
	v10 =	vsel vm1, $0x1, v1;
	vm1 =	vgt.s32 v7, v3;
	v7 =	vld [tilespmem:s21+$0x1090]  }
0x3c2: {  	v9 =	vadd.s32 v10, v9;
	v10 =	vsel vm1, $0x1, v1;
	vm1 =	vgt.s32 v8, v3;
	v8 =	vld [tilespmem:s21+$0x10A0]  }
.Ltmp10:
0x3c3: {  	v9 =	vadd.s32 v10, v9;
	v10 =	vsel vm1, $0x1, v1;
	vm1 =	vgt.s32 v4, v3;
	v4 =	vld [tilespmem:s21+$0x10B0];
	(pc) =	sbr.rel @p1 .LBB2_12-.Ltmp10, $4  }
0x3c4: {  	v9 =	vadd.s32 v10, v9;
	v10 =	vsel vm1, $0x1, v1;
	vm1 =	vgt.s32 v5, v3;
	v5 =	vld [tilespmem:s21+$0x10C0]  }
0x3c5: {  	v9 =	vadd.s32 v10, v9;
	v10 =	vsel vm1, $0x1, v1;
	vm1 =	vgt.s32 v6, v3;
	v6 =	vld [tilespmem:s21+$0x10D0]  }
0x3c6: {  	v9 =	vadd.s32 v10, v9;
	v10 =	vsel vm1, $0x1, v1;
	vm1 =	vgt.s32 v7, v3;
	v7 =	vld [tilespmem:s21+$0x10E0]  }
0x3c7: {  	v9 =	vadd.s32 v10, v9;
	v10 =	vsel vm1, $0x1, v1;
	vm1 =	vgt.s32 v8, v3;
	v8 =	vld [tilespmem:s21+$0x10F0];
	s21 =	sshra.s32 s22, $0x2;
	s22 =	sadd.s32 $0x400, s22  }
0x3c8: {  	v11 =	vld [tilespmem:s21+$0x1000];
	v9 =	vadd.s32 v10, v9;
	v47 =	vsel vm1, $0x1, v1;
	vm1 =	vgt.s32 v4, v3  }
0x3c9: {  	v4 =	vld [tilespmem:s21+$0x1010];
	v9 =	vadd.s32 v47, v9;
	v48 =	vsel vm1, $0x1, v1;
	vm1 =	vgt.s32 v5, v3  }
0x3ca: {  	v5 =	vld [tilespmem:s21+$0x1020];
	v9 =	vadd.s32 v48, v9;
	v49 =	vsel vm1, $0x1, v1;
	vm1 =	vgt.s32 v6, v3  }
0x3cb: {  	v6 =	vld [tilespmem:s21+$0x1030];
	v9 =	vadd.s32 v49, v9;
	v50 =	vsel vm1, $0x1, v1;
	vm1 =	vgt.s32 v7, v3  }
0x3cc: {  	v7 =	vld [tilespmem:s21+$0x1040];
	v9 =	vadd.s32 v50, v9;
	v51 =	vsel vm1, $0x1, v1;
	vm1 =	vgt.s32 v8, v3  }
0x3cd: {  	v8 =	vld [tilespmem:s21+$0x1050];
	vm2 =	vgt.s32 v11, v3;
	v9 =	vadd.s32 v51, v9;
	v52 =	vsel vm1, $0x1, v1  }
0x3ce: {  	vm1 =	vgt.s32 v4, v3;
	v4 =	vld [tilespmem:s21+$0x1060];
	v11 =	vsel vm2, $0x1, v1;
	v9 =	vadd.s32 v52, v9  }
0x3cf: {  	v53 =	vsel vm1, $0x1, v1;
	vm1 =	vgt.s32 v5, v3;
	v5 =	vld [tilespmem:s21+$0x1070];
	v9 =	vadd.s32 v11, v9  }
0x3d0: {  	v54 =	vsel vm1, $0x1, v1;
	vm1 =	vgt.s32 v6, v3;
	v6 =	vld [tilespmem:s21+$0x1080];
	v9 =	vadd.s32 v53, v9  }
0x3d1: {  	v55 =	vsel vm1, $0x1, v1;
	vm1 =	vgt.s32 v7, v3;
	v7 =	vld [tilespmem:s21+$0x1090];
	v9 =	vadd.s32 v54, v9  }
0x3d2: {  	v56 =	vsel vm1, $0x1, v1;
	vm1 =	vgt.s32 v8, v3;
	v8 =	vld [tilespmem:s21+$0x10A0];
	v9 =	vadd.s32 v55, v9  }
0x3d3: {  	v57 =	vsel vm1, $0x1, v1;
	vm1 =	vgt.s32 v4, v3;
	v4 =	vld [tilespmem:s21+$0x10B0];
	v9 =	vadd.s32 v56, v9  }
0x3d4: {  	v58 =	vsel vm1, $0x1, v1;
	vm1 =	vgt.s32 v5, v3;
	v5 =	vld [tilespmem:s21+$0x10C0];
	v9 =	vadd.s32 v57, v9  }
0x3d5: {  	v59 =	vsel vm1, $0x1, v1;
	vm1 =	vgt.s32 v6, v3;
	v6 =	vld [tilespmem:s21+$0x10D0];
	v9 =	vadd.s32 v58, v9  }
0x3d6: {  	v60 =	vsel vm1, $0x1, v1;
	vm1 =	vgt.s32 v7, v3;
	v7 =	vld [tilespmem:s21+$0x10E0];
	v9 =	vadd.s32 v59, v9  }
0x3d7: {  	v61 =	vsel vm1, $0x1, v1;
	vm1 =	vgt.s32 v8, v3;
	v8 =	vld [tilespmem:s21+$0x10F0];
	v9 =	vadd.s32 v60, v9  }
0x3d8: {  	v62 =	vsel vm1, $0x1, v1;
	vm1 =	vgt.s32 v4, v3;
	v9 =	vadd.s32 v61, v9  }
0x3d9: {  	v63 =	vsel vm1, $0x1, v1;
	vm1 =	vgt.s32 v5, v3;
	v4 =	vadd.s32 v62, v9  }
0x3da: {  	v5 =	vsel vm1, $0x1, v1;
	vm1 =	vgt.s32 v6, v3;
	v4 =	vadd.s32 v63, v4  }
0x3db: {  	v4 =	vadd.s32 v5, v4;
	v5 =	vsel vm1, $0x1, v1;
	vm1 =	vgt.s32 v7, v3  }
0x3dc: {  	v4 =	vadd.s32 v5, v4;
	v5 =	vsel vm1, $0x1, v1;
	vm1 =	vgt.s32 v8, v3  }
0x3dd: {  	v4 =	vadd.s32 v5, v4;
	v5 =	vsel vm1, $0x1, v1  }
0x3de: {  	v4 =	vadd.s32 v5, v4  }
0x3df: {  	(xrf0) =	vadd.scan.msk.s32 $0xffff, v4;
	_ =	sdelay $0x5  }
0x3e0: {  	v4, _, _ =	vpop (xrf0)  }
0x3e1: {  	(v2sf) =	vpush v4, $0xF;
	_ =	sdelay $0x1  }
0x3e2: {  	s14 =	simm.s32 $0x1020  }
0x3e3: {  	v5 =	vld [tilespmem:s14+$0xFFFFFFE0];
	_ =	sdelay $0x4  }
0x3e4: {  	vm1 =	veq.s32 v5, v3  }
0x3e5: {  	v4 =	vsel vm1, $0x1, v1  }
0x3e6: {  	(xrf0) =	vadd.scan.msk.s32 $0xffff, v4;
	_ =	sdelay $0x1  }
0x3e7: {  	s22 =	simm.s32 $0x0  }
0x3e8: {  	v4 =	vmov s22  }
0x3e9: {  	v4 =	vadd.s32 $0xFFFFFFFF, v4  }
0x3ea: {  	v6 =	vbroadcast v4, $0x0;
	s23 =	spop (v2sf)  }
0x3eb: {  	v7, _, _ =	vpop (xrf0);
	s23 =	ssub.s32 $0x800, s23  }
0x3ec: {  	v8 =	vadd.s32 v7, v6;
	v4 =	vmov s23  }
0x3ed: {  	vm2 =	vlt.s32 v8, v4  }
0x3ee: {  	vm3 =	vgt.s32 v5, v3;
	vm1 =	vmand vm1, vm2  }
0x3ef: {  	vm1 =	vmor vm3, vm1  }
0x3f0: {  	v5 =	vsel vm1, $0x1, v1  }
0x3f1: {  	(xrf0) =	vadd.scan.msk.s32 $0xffff, v5;
	_ =	sdelay $0x5  }
0x3f2: {  	(v2sf) =	vpush v7, $0xF;
	v5, _, _ =	vpop (xrf0)  }
0x3f3: {  	v6 =	vadd.s32 v5, v6;
	_ =	sdelay $0x3  }
0x3f4: {  	v7 =	vor.u32 s22, v2  }
0x3f5: {  	[tilespmem:v6+s2+$0x0] =	vst.idx.msk vm1, v7  }
0x3f6: {  	v6 =	vld [tilespmem:s14+$0xFFFFFFF0];
	_ =	sdelay $0x4  }
0x3f7: {  	(v2sf) =	vpush v5, $0xF;
	vm1 =	veq.s32 v6, v3  }
0x3f8: {  	v5 =	vsel vm1, $0x1, v1  }
0x3f9: {  	(xrf0) =	vadd.scan.msk.s32 $0xffff, v5  }
0x3fa: {  	s16 =	spop (v2sf)  }
0x3fb: {  	s22 =	sadd.s32 $0x0, s16  }
0x3fc: {  	v5 =	vmov s22  }
0x3fd: {  	v5 =	vadd.s32 $0xFFFFFFFF, v5  }
0x3fe: {  	v5 =	vbroadcast v5, $0x0  }
0x3ff: {  	v7, _, _ =	vpop (xrf0)  }
0x400: {  	v5 =	vadd.s32 v7, v5  }
0x401: {  	vm2 =	vlt.s32 v5, v4  }
0x402: {  	vm3 =	vgt.s32 v6, v3;
	vm1 =	vmand vm1, vm2  }
0x403: {  	vm1 =	vmor vm3, vm1  }
0x404: {  	v5 =	vsel vm1, $0x1, v1  }
0x405: {  	(xrf0) =	vadd.scan.msk.s32 $0xffff, v5  }
0x406: {  	s17 =	spop (v2sf)  }
0x407: {  	s23 =	sadd.s32 $0x0, s17  }
0x408: {  	v5 =	vmov s23  }
0x409: {  	v5 =	vadd.s32 $0xFFFFFFFF, v5  }
0x40a: {  	v5 =	vbroadcast v5, $0x0  }
0x40b: {  	(v2sf) =	vpush v7, $0xF;
	v6, _, _ =	vpop (xrf0)  }
0x40c: {  	v5 =	vadd.s32 v6, v5;
	_ =	sdelay $0x2  }
0x40d: {  	s24 =	simm.s32 $0x10  }
0x40e: {  	v7 =	vor.u32 s24, v2  }
0x40f: {  	[tilespmem:v5+s2+$0x0] =	vst.idx.msk vm1, v7  }
0x410: {  	v5 =	vld [tilespmem:s14+$0x0];
	_ =	sdelay $0x4  }
0x411: {  	(v2sf) =	vpush v6, $0xF;
	vm1 =	veq.s32 v5, v3  }
0x412: {  	v6 =	vsel vm1, $0x1, v1  }
0x413: {  	(xrf0) =	vadd.scan.msk.s32 $0xffff, v6  }
0x414: {  	s18 =	spop (v2sf)  }
0x415: {  	s22 =	sadd.s32 s22, s18  }
0x416: {  	v6 =	vmov s22  }
0x417: {  	v6 =	vadd.s32 $0xFFFFFFFF, v6  }
0x418: {  	v6 =	vbroadcast v6, $0x0  }
0x419: {  	v7, _, _ =	vpop (xrf0)  }
0x41a: {  	v6 =	vadd.s32 v7, v6  }
0x41b: {  	vm2 =	vlt.s32 v6, v4  }
0x41c: {  	vm3 =	vgt.s32 v5, v3;
	vm1 =	vmand vm1, vm2  }
0x41d: {  	vm1 =	vmor vm3, vm1  }
0x41e: {  	v5 =	vsel vm1, $0x1, v1  }
0x41f: {  	(xrf0) =	vadd.scan.msk.s32 $0xffff, v5  }
0x420: {  	s19 =	spop (v2sf)  }
0x421: {  	s23 =	sadd.s32 s23, s19  }
0x422: {  	v5 =	vmov s23  }
0x423: {  	v5 =	vadd.s32 $0xFFFFFFFF, v5  }
0x424: {  	v5 =	vbroadcast v5, $0x0  }
0x425: {  	(v2sf) =	vpush v7, $0xF;
	v6, _, _ =	vpop (xrf0)  }
0x426: {  	v5 =	vadd.s32 v6, v5;
	_ =	sdelay $0x2  }
0x427: {  	s25 =	simm.s32 $0x20  }
0x428: {  	v7 =	vor.u32 s25, v2  }
0x429: {  	[tilespmem:v5+s2+$0x0] =	vst.idx.msk vm1, v7  }
0x42a: {  	v5 =	vld [tilespmem:s14+$0x10];
	_ =	sdelay $0x4  }
0x42b: {  	vm1 =	veq.s32 v5, v3  }
0x42c: {  	(v2sf) =	vpush v6, $0xF;
	v7 =	vsel vm1, $0x1, v1  }
0x42d: {  	(xrf0) =	vadd.scan.msk.s32 $0xffff, v7  }
0x42e: {  	s26 =	spop (v2sf)  }
0x42f: {  	s21 =	sadd.s32 s22, s26  }
0x430: {  	v6 =	vmov s21  }
0x431: {  	v6 =	vadd.s32 $0xFFFFFFFF, v6  }
0x432: {  	v6 =	vbroadcast v6, $0x0  }
0x433: {  	v7, _, _ =	vpop (xrf0)  }
0x434: {  	v6 =	vadd.s32 v7, v6  }
0x435: {  	vm2 =	vlt.s32 v6, v4  }
0x436: {  	vm3 =	vgt.s32 v5, v3;
	vm1 =	vmand vm1, vm2  }
0x437: {  	vm1 =	vmor vm3, vm1  }
0x438: {  	v5 =	vsel vm1, $0x1, v1  }
0x439: {  	(xrf0) =	vadd.scan.msk.s32 $0xffff, v5;
	_ =	sdelay $0x1  }
0x43a: {  	s28 =	spop (v2sf)  }
0x43b: {  	s26 =	sadd.s32 s23, s28  }
0x43c: {  	(v2sf) =	vpush v7, $0xF;
	v5 =	vmov s26  }
0x43d: {  	v5 =	vadd.s32 $0xFFFFFFFF, v5  }
0x43e: {  	v5 =	vbroadcast v5, $0x0;
	v6, _, _ =	vpop (xrf0)  }
0x43f: {  	(v2sf) =	vpush v6, $0xF  }
0x440: {  	v5 =	vadd.s32 v6, v5;
	_ =	sdelay $0x2  }
0x441: {  	s29 =	simm.s32 $0x30  }
0x442: {  	v6 =	vor.u32 s29, v2  }
0x443: {  	s22 =	simm.s32 $0x1060;
	[tilespmem:v5+s2+$0x0] =	vst.idx.msk vm1, v6  }
0x444: {  	v5 =	vld [tilespmem:s22+$0xFFFFFFE0];
	_ =	sdelay $0x4  }
0x445: {  	s30 =	spop (v2sf);
	vm1 =	veq.s32 v5, v3  }
0x446: {  	s25 =	sadd.s32 s21, s30;
	v7 =	vsel vm1, $0x1, v1  }
0x447: {  	v6 =	vmov s25;
	(xrf0) =	vadd.scan.msk.s32 $0xffff, v7  }
0x448: {  	s23 =	simm.s32 $0x80;
	s21 =	simm.s32 $0x40;
	v6 =	vadd.s32 $0xFFFFFFFF, v6;
	s24 =	spop (v2sf)  }
.LBB2_14:
0x449: {  	p1 =	sne.s32 s23, $0xFC0  }
0x44a: {  	s26 =	sadd.s32 s26, s24;
	s24 =	smov.u32 s23;
	s23 =	sadd.s32 $0x40, s23  }
0x44b: {  	v7 =	vmov s26  }
0x44c: {  	v6 =	vbroadcast v6, $0x0;
	v7 =	vadd.s32 $0xFFFFFFFF, v7  }
0x44d: {  	v8, _, _ =	vpop (xrf0)  }
0x44e: {  	v6 =	vadd.s32 v8, v6;
	(v2sf) =	vpush v8, $0xF  }
0x44f: {  	vm2 =	vlt.s32 v6, v4  }
0x450: {  	vm3 =	vgt.s32 v5, v3;
	vm1 =	vmand vm1, vm2  }
0x451: {  	vm1 =	vmor vm3, vm1  }
0x452: {  	v5 =	vsel vm1, $0x1, v1  }
0x453: {  	(xrf0) =	vadd.scan.msk.s32 $0xffff, v5;
	_ =	sdelay $0x4  }
0x454: {  	v5 =	vbroadcast v7, $0x0  }
0x455: {  	v6, _, _ =	vpop (xrf0)  }
0x456: {  	v5 =	vadd.s32 v6, v5;
	(v2sf) =	vpush v6, $0xF;
	_ =	sdelay $0x2  }
0x457: {  	s28 =	spop (v2sf)  }
0x458: {  	v6 =	vor.u32 s21, v2;
	s25 =	sadd.s32 s25, s28  }
0x459: {  	[tilespmem:v5+s2+$0x0] =	vst.idx.msk vm1, v6;
	v5 =	vmov s25  }
0x45a: {  	v6 =	vld [tilespmem:s22+$0xFFFFFFF0];
	v5 =	vadd.s32 $0xFFFFFFFF, v5;
	_ =	sdelay $0x4  }
0x45b: {  	vm1 =	veq.s32 v6, v3  }
0x45c: {  	v7 =	vsel vm1, $0x1, v1  }
0x45d: {  	(xrf0) =	vadd.scan.msk.s32 $0xffff, v7;
	_ =	sdelay $0x1  }
0x45e: {  	s28 =	spop (v2sf)  }
0x45f: {  	s26 =	sadd.s32 s26, s28  }
0x460: {  	v7 =	vmov s26  }
0x461: {  	v5 =	vbroadcast v5, $0x0;
	v7 =	vadd.s32 $0xFFFFFFFF, v7  }
0x462: {  	v8, _, _ =	vpop (xrf0)  }
0x463: {  	v5 =	vadd.s32 v8, v5;
	(v2sf) =	vpush v8, $0xF  }
0x464: {  	vm2 =	vlt.s32 v5, v4  }
0x465: {  	vm3 =	vgt.s32 v6, v3;
	vm1 =	vmand vm1, vm2  }
0x466: {  	vm1 =	vmor vm3, vm1  }
0x467: {  	v5 =	vsel vm1, $0x1, v1  }
0x468: {  	(xrf0) =	vadd.scan.msk.s32 $0xffff, v5;
	_ =	sdelay $0x4  }
0x469: {  	v5 =	vbroadcast v7, $0x0  }
0x46a: {  	v6, _, _ =	vpop (xrf0)  }
0x46b: {  	v5 =	vadd.s32 v6, v5;
	(v2sf) =	vpush v6, $0xF;
	_ =	sdelay $0x2  }
0x46c: {  	s28 =	sadd.s32 $0x10, s21;
	s29 =	spop (v2sf)  }
0x46d: {  	v6 =	vor.u32 s28, v2;
	s25 =	sadd.s32 s25, s29  }
0x46e: {  	[tilespmem:v5+s2+$0x0] =	vst.idx.msk vm1, v6;
	v5 =	vmov s25  }
0x46f: {  	v6 =	vld [tilespmem:s22+$0x0];
	v5 =	vadd.s32 $0xFFFFFFFF, v5;
	_ =	sdelay $0x4  }
0x470: {  	vm1 =	veq.s32 v6, v3  }
0x471: {  	v7 =	vsel vm1, $0x1, v1  }
0x472: {  	(xrf0) =	vadd.scan.msk.s32 $0xffff, v7;
	_ =	sdelay $0x1  }
0x473: {  	s28 =	spop (v2sf)  }
0x474: {  	s26 =	sadd.s32 s26, s28  }
0x475: {  	v7 =	vmov s26  }
0x476: {  	v5 =	vbroadcast v5, $0x0;
	v7 =	vadd.s32 $0xFFFFFFFF, v7  }
0x477: {  	v8, _, _ =	vpop (xrf0)  }
0x478: {  	v5 =	vadd.s32 v8, v5;
	(v2sf) =	vpush v8, $0xF  }
0x479: {  	vm2 =	vlt.s32 v5, v4  }
0x47a: {  	vm3 =	vgt.s32 v6, v3;
	vm1 =	vmand vm1, vm2  }
0x47b: {  	vm1 =	vmor vm3, vm1  }
0x47c: {  	v5 =	vsel vm1, $0x1, v1  }
0x47d: {  	(xrf0) =	vadd.scan.msk.s32 $0xffff, v5;
	_ =	sdelay $0x4  }
0x47e: {  	v5 =	vbroadcast v7, $0x0  }
0x47f: {  	v6, _, _ =	vpop (xrf0)  }
0x480: {  	v5 =	vadd.s32 v6, v5;
	(v2sf) =	vpush v6, $0xF;
	_ =	sdelay $0x2  }
0x481: {  	s28 =	sadd.s32 $0x20, s21;
	s29 =	spop (v2sf)  }
0x482: {  	v6 =	vor.u32 s28, v2;
	s25 =	sadd.s32 s25, s29  }
0x483: {  	[tilespmem:v5+s2+$0x0] =	vst.idx.msk vm1, v6;
	v5 =	vmov s25  }
0x484: {  	v6 =	vld [tilespmem:s22+$0x10];
	v5 =	vadd.s32 $0xFFFFFFFF, v5;
	_ =	sdelay $0x4  }
0x485: {  	vm1 =	veq.s32 v6, v3  }
0x486: {  	v7 =	vsel vm1, $0x1, v1  }
0x487: {  	(xrf0) =	vadd.scan.msk.s32 $0xffff, v7;
	_ =	sdelay $0x1  }
0x488: {  	s28 =	spop (v2sf)  }
0x489: {  	s26 =	sadd.s32 s26, s28  }
0x48a: {  	v7 =	vmov s26  }
0x48b: {  	v5 =	vbroadcast v5, $0x0;
	v7 =	vadd.s32 $0xFFFFFFFF, v7  }
0x48c: {  	v8, _, _ =	vpop (xrf0)  }
0x48d: {  	v5 =	vadd.s32 v8, v5;
	(v2sf) =	vpush v8, $0xF  }
0x48e: {  	vm2 =	vlt.s32 v5, v4  }
0x48f: {  	vm3 =	vgt.s32 v6, v3;
	vm1 =	vmand vm1, vm2  }
0x490: {  	vm1 =	vmor vm3, vm1  }
0x491: {  	v5 =	vsel vm1, $0x1, v1  }
0x492: {  	(xrf0) =	vadd.scan.msk.s32 $0xffff, v5;
	_ =	sdelay $0x4  }
0x493: {  	v5 =	vbroadcast v7, $0x0  }
0x494: {  	v6, _, _ =	vpop (xrf0)  }
0x495: {  	v5 =	vadd.s32 v6, v5;
	(v2sf) =	vpush v6, $0xF;
	_ =	sdelay $0x2  }
0x496: {  	s28 =	sadd.s32 $0x30, s21;
	s21 =	smov.u32 s24;
	s29 =	spop (v2sf)  }
0x497: {  	v6 =	vor.u32 s28, v2;
	s25 =	sadd.s32 s25, s29  }
0x498: {  	s22 =	sadd.s32 $0x40, s22;
	v7 =	vmov s25;
	[tilespmem:v5+s2+$0x0] =	vst.idx.msk vm1, v6  }
0x499: {  	v5 =	vld [tilespmem:s22+$0xFFFFFFE0];
	v6 =	vadd.s32 $0xFFFFFFFF, v7;
	_ =	sdelay $0x4  }
.Ltmp11:
0x49a: {  	vm1 =	veq.s32 v5, v3;
	(pc) =	sbr.rel @p1 .LBB2_14-.Ltmp11, $3  }
0x49b: {  	v7 =	vsel vm1, $0x1, v1  }
0x49c: {  	(xrf0) =	vadd.scan.msk.s32 $0xffff, v7;
	_ =	sdelay $0x1  }
0x49d: {  	s24 =	spop (v2sf)  }
0x49e: {  	_ =	sdelay $0x1  }
0x49f: {  	v6 =	vbroadcast v6, $0x0  }
0x4a0: {  	v7, _, _ =	vpop (xrf0)  }
0x4a1: {  	v6 =	vadd.s32 v7, v6  }
0x4a2: {  	vm2 =	vlt.s32 v6, v4  }
0x4a3: {  	vm3 =	vgt.s32 v5, v3;
	vm1 =	vmand vm1, vm2  }
0x4a4: {  	vm1 =	vmor vm3, vm1  }
0x4a5: {  	v42 =	vsel vm1, $0x1, v1  }
0x4a6: {  	(xrf0) =	vadd.scan.msk.s32 $0xffff, v42;
	_ =	sdelay $0x1  }
0x4a7: {  	s23 =	sadd.s32 s26, s24  }
0x4a8: {  	v43 =	vmov s23  }
0x4a9: {  	v5 =	vadd.s32 $0xFFFFFFFF, v43  }
0x4aa: {  	v5 =	vbroadcast v5, $0x0  }
0x4ab: {  	(v2sf) =	vpush v7, $0xF;
	v44, _, _ =	vpop (xrf0)  }
0x4ac: {  	v5 =	vadd.s32 v44, v5;
	_ =	sdelay $0x3  }
0x4ad: {  	v45 =	vor.u32 s21, v2  }
0x4ae: {  	[tilespmem:v5+s2+$0x0] =	vst.idx.msk vm1, v45  }
0x4af: {  	v5 =	vld [tilespmem:s22+$0xFFFFFFF0];
	_ =	sdelay $0x4  }
0x4b0: {  	(v2sf) =	vpush v44, $0xF;
	vm1 =	veq.s32 v5, v3  }
0x4b1: {  	v46 =	vsel vm1, $0x1, v1  }
0x4b2: {  	(xrf0) =	vadd.scan.msk.s32 $0xffff, v46  }
0x4b3: {  	s6 =	spop (v2sf)  }
0x4b4: {  	s24 =	sadd.s32 s25, s6  }
0x4b5: {  	v47 =	vmov s24  }
0x4b6: {  	v6 =	vadd.s32 $0xFFFFFFFF, v47  }
0x4b7: {  	v6 =	vbroadcast v6, $0x0  }
0x4b8: {  	v48, _, _ =	vpop (xrf0)  }
0x4b9: {  	v6 =	vadd.s32 v48, v6  }
0x4ba: {  	vm2 =	vlt.s32 v6, v4  }
0x4bb: {  	vm3 =	vgt.s32 v5, v3;
	vm1 =	vmand vm1, vm2  }
0x4bc: {  	vm1 =	vmor vm3, vm1  }
0x4bd: {  	v49 =	vsel vm1, $0x1, v1  }
0x4be: {  	(xrf0) =	vadd.scan.msk.s32 $0xffff, v49  }
0x4bf: {  	s14 =	spop (v2sf)  }
0x4c0: {  	s23 =	sadd.s32 s23, s14  }
0x4c1: {  	v50 =	vmov s23  }
0x4c2: {  	v5 =	vadd.s32 $0xFFFFFFFF, v50  }
0x4c3: {  	v5 =	vbroadcast v5, $0x0  }
0x4c4: {  	(v2sf) =	vpush v48, $0xF;
	v51, _, _ =	vpop (xrf0)  }
0x4c5: {  	v5 =	vadd.s32 v51, v5;
	_ =	sdelay $0x2  }
0x4c6: {  	s16 =	sadd.s32 $0x10, s21  }
0x4c7: {  	v52 =	vor.u32 s16, v2  }
0x4c8: {  	[tilespmem:v5+s2+$0x0] =	vst.idx.msk vm1, v52  }
0x4c9: {  	v5 =	vld [tilespmem:s22+$0x0];
	_ =	sdelay $0x4  }
0x4ca: {  	(v2sf) =	vpush v51, $0xF;
	vm1 =	veq.s32 v5, v3  }
0x4cb: {  	v53 =	vsel vm1, $0x1, v1  }
0x4cc: {  	(xrf0) =	vadd.scan.msk.s32 $0xffff, v53  }
0x4cd: {  	s17 =	spop (v2sf)  }
0x4ce: {  	s24 =	sadd.s32 s24, s17  }
0x4cf: {  	v54 =	vmov s24  }
0x4d0: {  	v6 =	vadd.s32 $0xFFFFFFFF, v54  }
0x4d1: {  	v6 =	vbroadcast v6, $0x0  }
0x4d2: {  	v55, _, _ =	vpop (xrf0)  }
0x4d3: {  	v6 =	vadd.s32 v55, v6  }
0x4d4: {  	vm2 =	vlt.s32 v6, v4  }
0x4d5: {  	vm3 =	vgt.s32 v5, v3;
	vm1 =	vmand vm1, vm2  }
0x4d6: {  	vm1 =	vmor vm3, vm1  }
0x4d7: {  	v56 =	vsel vm1, $0x1, v1  }
0x4d8: {  	(xrf0) =	vadd.scan.msk.s32 $0xffff, v56  }
0x4d9: {  	s18 =	spop (v2sf)  }
0x4da: {  	s23 =	sadd.s32 s23, s18  }
0x4db: {  	v57 =	vmov s23  }
0x4dc: {  	v5 =	vadd.s32 $0xFFFFFFFF, v57  }
0x4dd: {  	v5 =	vbroadcast v5, $0x0  }
0x4de: {  	(v2sf) =	vpush v55, $0xF;
	v58, _, _ =	vpop (xrf0)  }
0x4df: {  	v5 =	vadd.s32 v58, v5;
	_ =	sdelay $0x2  }
0x4e0: {  	s19 =	sadd.s32 $0x20, s21  }
0x4e1: {  	v59 =	vor.u32 s19, v2  }
0x4e2: {  	[tilespmem:v5+s2+$0x0] =	vst.idx.msk vm1, v59  }
0x4e3: {  	v5 =	vld [tilespmem:s22+$0x10];
	_ =	sdelay $0x4  }
0x4e4: {  	vm1 =	veq.s32 v5, v3  }
0x4e5: {  	v60 =	vsel vm1, $0x1, v1  }
0x4e6: {  	(xrf0) =	vadd.scan.msk.s32 $0xffff, v60  }
0x4e7: {  	s25 =	spop (v2sf)  }
0x4e8: {  	s22 =	sadd.s32 s24, s25  }
0x4e9: {  	v61 =	vmov s22  }
0x4ea: {  	v7 =	vadd.s32 $0xFFFFFFFF, v61  }
0x4eb: {  	v7 =	vbroadcast v7, $0x0  }
0x4ec: {  	v8, _, _ =	vpop (xrf0)  }
0x4ed: {  	v7 =	vadd.s32 v8, v7  }
0x4ee: {  	(v2sf) =	vpush v58, $0xF;
	vm2 =	vlt.s32 v7, v4  }
0x4ef: {  	vm3 =	vgt.s32 v5, v3;
	vm1 =	vmand vm1, vm2  }
0x4f0: {  	vm1 =	vmor vm3, vm1  }
0x4f1: {  	v3 =	vsel vm1, $0x1, v1  }
0x4f2: {  	(xrf0) =	vadd.scan.msk.s32 $0xffff, v3;
	_ =	sdelay $0x5  }
0x4f3: {  	(v2sf) =	vpush v8, $0xF;
	v3, _, _ =	vpop (xrf0)  }
0x4f4: {  	(v2sf) =	vpush v3, $0xF;
	_ =	sdelay $0x3  }
0x4f5: {  	s26 =	spop (v2sf)  }
0x4f6: {  	s22 =	sadd.s32 s23, s26  }
0x4f7: {  	v62 =	vmov s22  }
0x4f8: {  	v4 =	vadd.s32 $0xFFFFFFFF, v62  }
0x4f9: {  	v4 =	vbroadcast v4, $0x0;
	_ =	sdelay $0x1  }
0x4fa: {  	v3 =	vadd.s32 v3, v4  }
.Ltmp12:
0x4fb: {  	_ = 	snop;
	(pc) =	sbr.rel @p0 .LBB2_19-.Ltmp12, $4  }
0x4fc: {  	_ = 	snop  }
0x4fd: {  	s28 =	sadd.s32 $0x30, s21  }
0x4fe: {  	v63 =	vor.u32 s28, v2;
	s29 =	spop (v2sf)  }
0x4ff: {  	[tilespmem:v3+s2+$0x0] =	vst.idx.msk vm1, v63;
	s30 =	spop (v2sf)  }
0x500: {  	s21 =	simm.s32 $0x0  }
0x501: {  	v3 =	vld [tilespmem:s21+$0x2000];
	_ =	sdelay $0x5  }
0x502: {  	v4 =	vld [tilespmem:s21+$0x2010];
	_ =	sdelay $0x1  }
0x503: {  	v3 =	vld.idx.msk [tilespmem:v3+s3+$0x0], $0xffff;
	_ =	sdelay $0x4  }
0x504: {  	[tilespmem:s21+$0x2800] =	vst v3;
	v3 =	vld [tilespmem:s21+$0x2020]  }
0x505: {  	v4 =	vld.idx.msk [tilespmem:v4+s3+$0x0], $0xffff;
	_ =	sdelay $0x4  }
0x506: {  	[tilespmem:s21+$0x2810] =	vst v4;
	v4 =	vld [tilespmem:s21+$0x2030];
	_ =	sdelay $0x1  }
0x507: {  	v3 =	vld.idx.msk [tilespmem:v3+s3+$0x0], $0xffff;
	_ =	sdelay $0x4  }
0x508: {  	[tilespmem:s21+$0x2820] =	vst v3;
	v3 =	vld [tilespmem:s21+$0x2040]  }
0x509: {  	v4 =	vld.idx.msk [tilespmem:v4+s3+$0x0], $0xffff;
	_ =	sdelay $0x4  }
0x50a: {  	[tilespmem:s21+$0x2830] =	vst v4;
	v4 =	vld [tilespmem:s21+$0x2050];
	_ =	sdelay $0x1  }
0x50b: {  	v3 =	vld.idx.msk [tilespmem:v3+s3+$0x0], $0xffff;
	_ =	sdelay $0x4  }
0x50c: {  	v5 =	vld [tilespmem:s21+$0x2060];
	[tilespmem:s21+$0x2840] =	vst v3  }
0x50d: {  	v3 =	vld.idx.msk [tilespmem:v4+s3+$0x0], $0xffff;
	_ =	sdelay $0x4  }
0x50e: {  	[tilespmem:s21+$0x2850] =	vst v3;
	v3 =	vld [tilespmem:s21+$0x2070];
	_ =	sdelay $0x1  }
0x50f: {  	v4 =	vld.idx.msk [tilespmem:v5+s3+$0x0], $0xffff;
	_ =	sdelay $0x3  }
0x510: {  	s23 =	simm.s32 $0x80;
	s22 =	simm.s32 $0x400  }
.LBB2_17:
0x511: {  	p1 =	sne.s32 s22, $0x1E00;
	v5 =	vld [tilespmem:s23+$0x2000];
	[tilespmem:s21+$0x2860] =	vst v4  }
0x512: {  	v3 =	vld.idx.msk [tilespmem:v3+s3+$0x0], $0xffff;
	_ =	sdelay $0x5  }
0x513: {  	v4 =	vld [tilespmem:s23+$0x2010];
	[tilespmem:s21+$0x2870] =	vst v3;
	s21 =	smov.u32 s23  }
0x514: {  	v3 =	vld.idx.msk [tilespmem:v5+s3+$0x0], $0xffff;
	_ =	sdelay $0x5  }
0x515: {  	[tilespmem:s21+$0x2800] =	vst v3;
	v3 =	vld [tilespmem:s21+$0x2020]  }
0x516: {  	v4 =	vld.idx.msk [tilespmem:v4+s3+$0x0], $0xffff;
	_ =	sdelay $0x5  }
0x517: {  	[tilespmem:s21+$0x2810] =	vst v4;
	v4 =	vld [tilespmem:s21+$0x2030]  }
0x518: {  	v3 =	vld.idx.msk [tilespmem:v3+s3+$0x0], $0xffff;
	_ =	sdelay $0x5  }
0x519: {  	[tilespmem:s21+$0x2820] =	vst v3;
	v3 =	vld [tilespmem:s21+$0x2040]  }
0x51a: {  	v4 =	vld.idx.msk [tilespmem:v4+s3+$0x0], $0xffff;
	_ =	sdelay $0x5  }
0x51b: {  	[tilespmem:s21+$0x2830] =	vst v4;
	v4 =	vld [tilespmem:s21+$0x2050]  }
0x51c: {  	v3 =	vld.idx.msk [tilespmem:v3+s3+$0x0], $0xffff;
	_ =	sdelay $0x5  }
0x51d: {  	[tilespmem:s21+$0x2840] =	vst v3;
	v5 =	vld [tilespmem:s21+$0x2060]  }
0x51e: {  	v3 =	vld.idx.msk [tilespmem:v4+s3+$0x0], $0xffff;
	_ =	sdelay $0x5  }
0x51f: {  	[tilespmem:s21+$0x2850] =	vst v3;
	v3 =	vld [tilespmem:s21+$0x2070]  }
0x520: {  	v4 =	vld.idx.msk [tilespmem:v5+s3+$0x0], $0xffff  }
.Ltmp13:
0x521: {  	(pc) =	sbr.rel @p1 .LBB2_17-.Ltmp13, $2  }
0x522: {  	_ =	sdelay $0x2  }
0x523: {  	s23 =	sshra.s32 s22, $0x2;
	s22 =	sadd.s32 $0x200, s22  }
0x524: {  	_ =	sdelay $0x1  }
0x525: {  	v5 =	vld [tilespmem:s23+$0x2000]  }
0x526: {  	[tilespmem:s21+$0x2860] =	vst v4  }
0x527: {  	v3 =	vld.idx.msk [tilespmem:v3+s3+$0x0], $0xffff;
	_ =	sdelay $0x4  }
0x528: {  	v4 =	vld [tilespmem:s23+$0x2010];
	[tilespmem:s21+$0x2870] =	vst v3  }
0x529: {  	v3 =	vld.idx.msk [tilespmem:v5+s3+$0x0], $0xffff;
	_ =	sdelay $0x4  }
0x52a: {  	[tilespmem:s23+$0x2800] =	vst v3;
	v3 =	vld [tilespmem:s23+$0x2020];
	_ =	sdelay $0x1  }
0x52b: {  	v4 =	vld.idx.msk [tilespmem:v4+s3+$0x0], $0xffff;
	_ =	sdelay $0x4  }
0x52c: {  	v61 =	vld [tilespmem:s23+$0x2030];
	[tilespmem:s23+$0x2810] =	vst v4  }
0x52d: {  	v3 =	vld.idx.msk [tilespmem:v3+s3+$0x0], $0xffff;
	_ =	sdelay $0x4  }
0x52e: {  	[tilespmem:s23+$0x2820] =	vst v3;
	v3 =	vld [tilespmem:s23+$0x2040];
	_ =	sdelay $0x1  }
0x52f: {  	v4 =	vld.idx.msk [tilespmem:v61+s3+$0x0], $0xffff;
	_ =	sdelay $0x4  }
0x530: {  	v62 =	vld [tilespmem:s23+$0x2050];
	[tilespmem:s23+$0x2830] =	vst v4  }
0x531: {  	v3 =	vld.idx.msk [tilespmem:v3+s3+$0x0], $0xffff;
	_ =	sdelay $0x4  }
0x532: {  	[tilespmem:s23+$0x2840] =	vst v3;
	v3 =	vld [tilespmem:s23+$0x2060];
	_ =	sdelay $0x1  }
0x533: {  	v4 =	vld.idx.msk [tilespmem:v62+s3+$0x0], $0xffff;
	_ =	sdelay $0x3  }
0x534: {  	v63 =	vld [tilespmem:s23+$0x2070]  }
0x535: {  	[tilespmem:s23+$0x2850] =	vst v4  }
0x536: {  	v3 =	vld.idx.msk [tilespmem:v3+s3+$0x0], $0xffff;
	_ =	sdelay $0x4  }
0x537: {  	[tilespmem:s23+$0x2860] =	vst v3  }
0x538: {  	v3 =	vld.idx.msk [tilespmem:v63+s3+$0x0], $0xffff;
	_ =	sdelay $0x3  }
0x539: {  	s28 =	rddreg [dreg:$0x6];
	s22 =	simm.s32 $0x80;
	s29 =	simm.s32 $0x200  }
.Ltmp14:
0x53a: {  	s24 =	simm.s32 $0x2800;
	s30 =	simm.s32 $0x7;
	[tilespmem:s23+$0x2870] =	vst v3;
	(pc) =	sbr.rel .LBB2_19-.Ltmp14, $4  }
0x53b: {  	[hbm4b:s28+s22] =	stream.strided.scatter [tilespmem:s24], [sflag:$0x7], $0x800, s29, s22, $0x38;
	[tilespmem:$0x1B000] =	vst v63  }
0x53c: {  	_ =	swait.ge [sflag:s30], $0x800  }
0x53d: {  	[sflag:s30] =	ssyncset.done $0x0  }
0x53e: {  	[sflag:s30] =	ssyncadd.s32 $0xFFFFF800  }
.LBB2_20:
0x53f: {  	_ =	sfence.sel $0x180000  }
0x540: {  	[bflag:$0x0] =	sbarrier.arrive $0xFFFF  }
0x541: {  	_ =	strace $0x90000047  }
0x542: {  	s0 =	stileid.u32;
	[bflag:$0x2] =	sbarrier.arrive $0xFFFF  }
0x543: {  	p0 =	sne.s32 s0, $0x0;
	s0 =	rddreg [dreg:$0x4]  }
0x544: {  	s0 =	sadd.s32 @!p0 $0x100000, s0  }
0x545: {  	[sflag:s0] =	ssyncadd.tile.s32 @!p0 $0x1;
	_ =	shalt  }
.Lfunc_end2:
_tile_overlayer_lowered:
.L_overlay_start_2:
0x546: {  	(tag) =	ssettag $0x2  }
0x547: {  	s0 =	rddreg [dreg:$0x0];
	s2 =	stileid.u32  }
0x548: {  	s1 =	rddreg [dreg:$0x1];
	p0 =	sne.s32 s2, $0x0  }
0x549: {  	s3 =	rddreg [dreg:$0x2];
	[bflag:$0x3] =	sbarrier.arrive $0xFFFF;
	s2 =	simm.s32 @!p0 $0x1C07  }
0x54a: {  	[timem:s3], [sflag:s2] =	dma.local @!p0 [hbm:s0], s1  }
0x54b: {  	s0 =	simm.s32 @!p0 $0x7  }
0x54c: {  	_ =	swait.ge @!p0 [sflag:s0], s1  }
0x54d: {  	s1 =	ssub.s32 @!p0 $0x0, s1;
	[sflag:s0] =	ssyncset.done @!p0 $0x0  }
0x54e: {  	[sflag:s0] =	ssyncadd.s32 @!p0 s1  }
0x54f: {  	[bflag:$0x3] =	sbarrier.arrive $0xFFFF  }
0x550: {  	_ =	shalt  }

</sc_bundles>
